<compile_context>
chip_gen: v7x
topology: tpu7x:2x2x1
jax: 0.10.2.dev20260603
libtpu: 0.0.44.dev20260713+nightly
codegen_flags: <defaults>
</compile_context>

<pallas_src>
import jax
import jax.numpy as jnp
from jax import lax
from jax.experimental import pallas as pl
from jax.experimental.pallas import tpu as pltpu
from jax.experimental.pallas import tpu_sc as plsc

N = 10000
E = 320000
DF = 128
H = 16
OUT = 7

NC = 2
NS = 16
NW = NC * NS
CH = 128
NSHARD = 16
EPS = E // NSHARD
NCHUNK = 160
SPAD = NCHUNK * CH - EPS

HALFN = 5120
WIN = HALFN
ACC2 = NC * WIN
RPT = WIN // NS
NZP = 3
TAB_ROWS = N + 240
ZROW = N



def _mm1_body(f_ref, w_ref, o_ref):
    g = jnp.dot(f_ref[...], w_ref[...], preferred_element_type=jnp.float32)
    o_ref[...] = jnp.zeros((TAB_ROWS, H), jnp.float32)
    o_ref[:N, :] = g


def _mid_body(p_ref, b1_ref, w2_ref, o_ref):
    h1 = jnp.concatenate([p_ref[0], p_ref[1, : N - HALFN]], axis=0)
    h = jnp.maximum(h1 + b1_ref[...], 0.0)
    g = jnp.dot(h, w2_ref[...], preferred_element_type=jnp.float32)
    o_ref[...] = jnp.zeros((TAB_ROWS, H), jnp.float32)
    o_ref[:N, :] = g


def _fin_body(q_ref, b2_ref, o_ref):
    h2 = jnp.concatenate([q_ref[0, :, :OUT],
                          q_ref[1, : N - HALFN, :OUT]], axis=0)
    o_ref[...] = h2 + b2_ref[...]



def _copy_idx_row(src2d, j, dst1d):
    for k in range(CH // 16):
        dst1d[pl.ds(k * 16, 16)] = src2d[j, pl.ds(k * 16, 16)]


def _agg_body(g_hbm, src_hbm, dst_hbm, ids_hbm, out_hbm,
              src_v, dst_v, ids_v, cur_a, cur_b, rows_a, rows_b,
              acc_sh, sem_a, sem_b, sem_sa, sem_sb):
    cid = lax.axis_index("c")
    sid = lax.axis_index("s")
    w = cid * NS + sid

    pltpu.sync_copy(ids_hbm.at[w], ids_v)
    pltpu.sync_copy(src_hbm.at[cid, sid], src_v)
    pltpu.sync_copy(dst_hbm.at[cid, sid], dst_v)

    def _z(i, carry):
        rows_a[i] = jnp.zeros((16,), jnp.float32)
        return carry

    lax.fori_loop(0, CH, _z, 0)
    for t in range(NZP):
        _copy_idx_row(ids_v, t, cur_a)
        pltpu.sync_copy(rows_a, acc_sh.at[cur_a])
    plsc.subcore_barrier()

    def _sca(rows_x, cur_x, sem_x):
        return pltpu.make_async_copy(rows_x, acc_sh.at[cur_x], sem_x)

    def _step(j, carry):
        even = lax.rem(j, 2) == 0

        @pl.when(even)
        def _():
            @pl.when(j >= 1)
            def _():
                _sca(rows_b, cur_b, sem_sb).wait()

            @pl.when(j + 1 < NCHUNK)
            def _():
                pltpu.async_copy(g_hbm.at[src_v.at[j + 1]], rows_b, sem_b)
            pltpu.make_async_copy(g_hbm.at[src_v.at[j]], rows_a, sem_a).wait()
            _copy_idx_row(dst_v, j, cur_a)
            _sca(rows_a, cur_a, sem_sa).start(add=True)

        @pl.when(jnp.logical_not(even))
        def _():
            _sca(rows_a, cur_a, sem_sa).wait()

            @pl.when(j + 1 < NCHUNK)
            def _():
                pltpu.async_copy(g_hbm.at[src_v.at[j + 1]], rows_a, sem_a)
            pltpu.make_async_copy(g_hbm.at[src_v.at[j]], rows_b, sem_b).wait()
            _copy_idx_row(dst_v, j, cur_b)
            _sca(rows_b, cur_b, sem_sb).start(add=True)

        return carry

    pltpu.async_copy(g_hbm.at[src_v.at[0]], rows_a, sem_a)
    lax.fori_loop(0, NCHUNK, _step, 0)
    _sca(rows_b, cur_b, sem_sb).wait()
    plsc.subcore_barrier()

    r0 = sid * RPT
    for t in range(NZP):
        nrows = CH if t < NZP - 1 else RPT - (NZP - 1) * CH
        pltpu.async_copy(acc_sh.at[ids_v.at[t]], rows_a, sem_a).wait()
        pltpu.sync_copy(rows_a.at[pl.ds(0, nrows)],
                        out_hbm.at[cid, pl.ds(r0 + t * CH, nrows)])


def _make_agg():
    mesh = plsc.VectorSubcoreMesh(core_axis_name="c", subcore_axis_name="s")
    return pl.kernel(
        _agg_body,
        out_type=jax.ShapeDtypeStruct((NC, WIN, H), jnp.float32),
        mesh=mesh,
        scratch_types=[
            pltpu.VMEM((NCHUNK, CH), jnp.int32),
            pltpu.VMEM((NCHUNK, CH), jnp.int32),
            pltpu.VMEM((NZP, CH), jnp.int32),
            pltpu.VMEM((CH,), jnp.int32),
            pltpu.VMEM((CH,), jnp.int32),
            pltpu.VMEM((CH, H), jnp.float32),
            pltpu.VMEM((CH, H), jnp.float32),
            pltpu.VMEM_SHARED((ACC2, H), jnp.float32),
            pltpu.SemaphoreType.DMA,
            pltpu.SemaphoreType.DMA,
            pltpu.SemaphoreType.DMA,
            pltpu.SemaphoreType.DMA,
        ],
        compiler_params=pltpu.CompilerParams(use_tc_tiling_on_sc=False),
    )



@jax.jit
def kernel(features, edge_index, W1, b1, W2, b2):
    src = edge_index[0]
    dst = edge_index[1]

    srcsh = src.reshape(NSHARD, EPS)
    dstsh = dst.reshape(NSHARD, EPS)
    in0 = dstsh < HALFN
    s0 = jnp.where(in0, srcsh, ZROW)
    d0 = jnp.where(in0, dstsh, 0)
    in1 = dstsh >= HALFN
    s1 = jnp.where(in1, srcsh, ZROW)
    d1 = jnp.where(in1, dstsh, HALFN)
    spad = jnp.full((NSHARD, SPAD), ZROW, jnp.int32)
    src4 = jnp.stack([
        jnp.concatenate([s0, spad], axis=1).reshape(NSHARD, NCHUNK, CH),
        jnp.concatenate([s1, spad], axis=1).reshape(NSHARD, NCHUNK, CH),
    ]).astype(jnp.int32)
    dst4 = jnp.stack([
        jnp.concatenate([d0, jnp.zeros((NSHARD, SPAD), jnp.int32)],
                        axis=1).reshape(NSHARD, NCHUNK, CH),
        jnp.concatenate([d1, jnp.full((NSHARD, SPAD), HALFN, jnp.int32)],
                        axis=1).reshape(NSHARD, NCHUNK, CH),
    ]).astype(jnp.int32)

    lane = jnp.arange(CH, dtype=jnp.int32)
    t2 = 2 * CH + (lane % (RPT - 2 * CH))
    ids3 = (jnp.arange(NW, dtype=jnp.int32)[:, None, None] * RPT
            + jnp.stack([lane, CH + lane, t2])[None, :, :])

    g1 = pl.pallas_call(
        _mm1_body,
        out_shape=jax.ShapeDtypeStruct((TAB_ROWS, H), jnp.float32),
    )(features, W1)

    agg = _make_agg()
    p = agg(g1, src4, dst4, ids3)

    w2p = jnp.zeros((H, H), jnp.float32).at[:, :OUT].set(W2)
    g2 = pl.pallas_call(
        _mid_body,
        out_shape=jax.ShapeDtypeStruct((TAB_ROWS, H), jnp.float32),
    )(p, b1.reshape(1, H), w2p)

    q = agg(g2, src4, dst4, ids3)

    out = pl.pallas_call(
        _fin_body,
        out_shape=jax.ShapeDtypeStruct((N, OUT), jnp.float32),
    )(q, b2.reshape(1, OUT))
    return out

# --- scband reference (transcript-rebuilt; emitter-appended) ---
"""Pipeline reference for scband-gcn-41609643164181 (READ-ONLY COPY).

The authoritative reference and input builder live on the scoring server;
editing this copy changes nothing except your own understanding.
"""

import jax, jax.numpy as jnp
import numpy as np

N_NODES = 10000
N_EDGES = 320000
D_FEAT = 128
HIDDEN = 16
OUT = 7


def setup_inputs(seed: int = 0) -> dict:
    key = jax.random.key(seed)
    k1, k2, k3, k4, k5, k6 = jax.random.split(key, 6)
    features = jax.random.normal(k1, (N_NODES, D_FEAT), dtype=jnp.float32)
    edge_index = jax.random.randint(k2, (2, N_EDGES), 0, N_NODES, dtype=jnp.int32)
    # learned params for the two GCN layers (Linear: h @ W + b)
    W1 = jax.random.normal(k3, (D_FEAT, HIDDEN), dtype=jnp.float32) * (1.0 / np.sqrt(D_FEAT))
    b1 = jnp.zeros((HIDDEN,), dtype=jnp.float32)
    W2 = jax.random.normal(k4, (HIDDEN, OUT), dtype=jnp.float32) * (1.0 / np.sqrt(HIDDEN))
    b2 = jnp.zeros((OUT,), dtype=jnp.float32)
    return {"features": features, "edge_index": edge_index, "W1": W1, "b1": b1, "W2": W2, "b2": b2}


def reference(features, edge_index, W1, b1, W2, b2):
    # GCN with dgl copy_src -> sum reduce per layer, then Linear.
    # Layer 1: aggregate then relu(h @ W1 + b1); Layer 2: aggregate then h @ W2 + b2 (logits).
    # training=False so dropout is inactive; batch_norm disabled per config.
    src = edge_index[0]
    dst = edge_index[1]
    n = features.shape[0]
    # layer 1: message = h[src]; reduce = sum over incoming edges at dst
    h = jax.ops.segment_sum(features[src], dst, num_segments=n)
    h = jax.nn.relu(h @ W1 + b1)
    # layer 2
    h = jax.ops.segment_sum(h[src], dst, num_segments=n)
    h = h @ W2 + b2
    return h

if __name__ == "__main__":
    import jax
    _d = setup_inputs()
    print(jax.jit(kernel)(*tuple(_d.values())))

</pallas_src>

<mosaic_0001>
#map = affine_map<(d0, d1) -> (0, 0)>
#map1 = affine_map<(d0, d1) -> (0, 0, 0, 0)>
#map2 = affine_map<(d0, d1) -> (0, 0, 0)>
module attributes {stable_mosaic.version = 14 : i64} {
  func.func @_agg_body(%arg0: i32, %arg1: i32, %arg2: memref<10240x16xf32, #tpu.memory_space<hbm>>, %arg3: memref<2x16x160x128xi32, #tpu.memory_space<hbm>>, %arg4: memref<2x16x160x128xi32, #tpu.memory_space<hbm>>, %arg5: memref<32x3x128xi32, #tpu.memory_space<hbm>>, %arg6: memref<2x5120x16xf32, #tpu.memory_space<hbm>>, %arg7: memref<160x128xi32, #tpu.memory_space<vmem>>, %arg8: memref<160x128xi32, #tpu.memory_space<vmem>>, %arg9: memref<3x128xi32, #tpu.memory_space<vmem>>, %arg10: memref<128xi32, #tpu.memory_space<vmem>>, %arg11: memref<128xi32, #tpu.memory_space<vmem>>, %arg12: memref<128x16xf32, #tpu.memory_space<vmem>>, %arg13: memref<128x16xf32, #tpu.memory_space<vmem>>, %arg14: memref<10240x16xf32, #tpu.memory_space<vmem_shared>>, %arg15: memref<!tpu.dma_semaphore, #tpu.memory_space<semaphore_mem>>, %arg16: memref<!tpu.dma_semaphore, #tpu.memory_space<semaphore_mem>>, %arg17: memref<!tpu.dma_semaphore, #tpu.memory_space<semaphore_mem>>, %arg18: memref<!tpu.dma_semaphore, #tpu.memory_space<semaphore_mem>>) attributes {dimension_semantics = [#tpu.dimension_semantics<core_parallel>, #tpu.dimension_semantics<subcore_parallel>], iteration_bounds = array<i64: 2, 16>, scalar_prefetch = 0 : i64, scratch_operands = 12 : i64, tpu.core_type = #tpu.core_type<sc_vector_subcore>, window_params = [{transform_indices = #map}, {transform_indices = #map1}, {transform_indices = #map1}, {transform_indices = #map2}, {transform_indices = #map2}]} {
    %mul3A = arith.constant 16 : i32
    %mul3A_0 = arith.muli %arg0, %mul3A : i32
    %add3A = arith.addi %mul3A_0, %arg1 : i32
    "tpu.region"() ({
      %run_scoped3A = tpu.sem_alloc : memref<!tpu.dma_semaphore, #tpu.memory_space<semaphore_mem>>
      %dma_start3A_285 = arith.constant 0 : i32
      %dma_start3A_286 = arith.constant 0 : i32
      %dma_start3A_287 = tpu.memref_slice %arg5[%add3A, %dma_start3A_285, %dma_start3A_286] : memref<32x3x128xi32, #tpu.memory_space<hbm>> -> memref<1x3x128xi32, #tpu.memory_space<hbm>>
      %dma_start3A_288 = tpu.memref_squeeze %dma_start3A_287 : memref<1x3x128xi32, #tpu.memory_space<hbm>> -> memref<3x128xi32, #tpu.memory_space<hbm>>
      %dma_start3A_289 = arith.constant 0 : i32
      %dma_start3A_290 = arith.constant 0 : i32
      %dma_start3A_291 = tpu.memref_slice %arg5[%add3A, %dma_start3A_289, %dma_start3A_290] : memref<32x3x128xi32, #tpu.memory_space<hbm>> -> memref<1x3x128xi32, #tpu.memory_space<hbm>>
      %dma_start3A_292 = tpu.memref_squeeze %dma_start3A_291 : memref<1x3x128xi32, #tpu.memory_space<hbm>> -> memref<3x128xi32, #tpu.memory_space<hbm>>
      tpu.enqueue_dma source(%dma_start3A_292 : memref<3x128xi32, #tpu.memory_space<hbm>>) target(%arg9 : memref<3x128xi32, #tpu.memory_space<vmem>>) target_semaphore(%run_scoped3A : memref<!tpu.dma_semaphore, #tpu.memory_space<semaphore_mem>>)
      %dma_wait3A_293 = arith.constant 0 : i32
      %dma_wait3A_294 = arith.constant 0 : i32
      %dma_wait3A_295 = tpu.memref_slice %arg5[%add3A, %dma_wait3A_293, %dma_wait3A_294] : memref<32x3x128xi32, #tpu.memory_space<hbm>> -> memref<1x3x128xi32, #tpu.memory_space<hbm>>
      %dma_wait3A_296 = tpu.memref_squeeze %dma_wait3A_295 : memref<1x3x128xi32, #tpu.memory_space<hbm>> -> memref<3x128xi32, #tpu.memory_space<hbm>>
      %dma_wait3A_297 = arith.constant 0 : i32
      %dma_wait3A_298 = arith.constant 0 : i32
      %dma_wait3A_299 = tpu.memref_slice %arg5[%add3A, %dma_wait3A_297, %dma_wait3A_298] : memref<32x3x128xi32, #tpu.memory_space<hbm>> -> memref<1x3x128xi32, #tpu.memory_space<hbm>>
      %dma_wait3A_300 = tpu.memref_squeeze %dma_wait3A_299 : memref<1x3x128xi32, #tpu.memory_space<hbm>> -> memref<3x128xi32, #tpu.memory_space<hbm>>
      tpu.wait_dma2 semaphore(%run_scoped3A : memref<!tpu.dma_semaphore, #tpu.memory_space<semaphore_mem>>) src(%dma_wait3A_300 : memref<3x128xi32, #tpu.memory_space<hbm>>) dst(%arg9 : memref<3x128xi32, #tpu.memory_space<vmem>>)
      tpu.yield
    }) : () -> ()
    "tpu.region"() ({
      %run_scoped3A = tpu.sem_alloc : memref<!tpu.dma_semaphore, #tpu.memory_space<semaphore_mem>>
      %dma_start3A_285 = arith.constant 0 : i32
      %dma_start3A_286 = arith.constant 0 : i32
      %dma_start3A_287 = tpu.memref_slice %arg3[%arg0, %arg1, %dma_start3A_285, %dma_start3A_286] : memref<2x16x160x128xi32, #tpu.memory_space<hbm>> -> memref<1x1x160x128xi32, #tpu.memory_space<hbm>>
      %dma_start3A_288 = tpu.memref_squeeze %dma_start3A_287 : memref<1x1x160x128xi32, #tpu.memory_space<hbm>> -> memref<160x128xi32, #tpu.memory_space<hbm>>
      %dma_start3A_289 = arith.constant 0 : i32
      %dma_start3A_290 = arith.constant 0 : i32
      %dma_start3A_291 = tpu.memref_slice %arg3[%arg0, %arg1, %dma_start3A_289, %dma_start3A_290] : memref<2x16x160x128xi32, #tpu.memory_space<hbm>> -> memref<1x1x160x128xi32, #tpu.memory_space<hbm>>
      %dma_start3A_292 = tpu.memref_squeeze %dma_start3A_291 : memref<1x1x160x128xi32, #tpu.memory_space<hbm>> -> memref<160x128xi32, #tpu.memory_space<hbm>>
      tpu.enqueue_dma source(%dma_start3A_292 : memref<160x128xi32, #tpu.memory_space<hbm>>) target(%arg7 : memref<160x128xi32, #tpu.memory_space<vmem>>) target_semaphore(%run_scoped3A : memref<!tpu.dma_semaphore, #tpu.memory_space<semaphore_mem>>)
      %dma_wait3A_293 = arith.constant 0 : i32
      %dma_wait3A_294 = arith.constant 0 : i32
      %dma_wait3A_295 = tpu.memref_slice %arg3[%arg0, %arg1, %dma_wait3A_293, %dma_wait3A_294] : memref<2x16x160x128xi32, #tpu.memory_space<hbm>> -> memref<1x1x160x128xi32, #tpu.memory_space<hbm>>
      %dma_wait3A_296 = tpu.memref_squeeze %dma_wait3A_295 : memref<1x1x160x128xi32, #tpu.memory_space<hbm>> -> memref<160x128xi32, #tpu.memory_space<hbm>>
      %dma_wait3A_297 = arith.constant 0 : i32
      %dma_wait3A_298 = arith.constant 0 : i32
      %dma_wait3A_299 = tpu.memref_slice %arg3[%arg0, %arg1, %dma_wait3A_297, %dma_wait3A_298] : memref<2x16x160x128xi32, #tpu.memory_space<hbm>> -> memref<1x1x160x128xi32, #tpu.memory_space<hbm>>
      %dma_wait3A_300 = tpu.memref_squeeze %dma_wait3A_299 : memref<1x1x160x128xi32, #tpu.memory_space<hbm>> -> memref<160x128xi32, #tpu.memory_space<hbm>>
      tpu.wait_dma2 semaphore(%run_scoped3A : memref<!tpu.dma_semaphore, #tpu.memory_space<semaphore_mem>>) src(%dma_wait3A_300 : memref<160x128xi32, #tpu.memory_space<hbm>>) dst(%arg7 : memref<160x128xi32, #tpu.memory_space<vmem>>)
      tpu.yield
    }) : () -> ()
    "tpu.region"() ({
      %run_scoped3A = tpu.sem_alloc : memref<!tpu.dma_semaphore, #tpu.memory_space<semaphore_mem>>
      %dma_start3A_285 = arith.constant 0 : i32
      %dma_start3A_286 = arith.constant 0 : i32
      %dma_start3A_287 = tpu.memref_slice %arg4[%arg0, %arg1, %dma_start3A_285, %dma_start3A_286] : memref<2x16x160x128xi32, #tpu.memory_space<hbm>> -> memref<1x1x160x128xi32, #tpu.memory_space<hbm>>
      %dma_start3A_288 = tpu.memref_squeeze %dma_start3A_287 : memref<1x1x160x128xi32, #tpu.memory_space<hbm>> -> memref<160x128xi32, #tpu.memory_space<hbm>>
      %dma_start3A_289 = arith.constant 0 : i32
      %dma_start3A_290 = arith.constant 0 : i32
      %dma_start3A_291 = tpu.memref_slice %arg4[%arg0, %arg1, %dma_start3A_289, %dma_start3A_290] : memref<2x16x160x128xi32, #tpu.memory_space<hbm>> -> memref<1x1x160x128xi32, #tpu.memory_space<hbm>>
      %dma_start3A_292 = tpu.memref_squeeze %dma_start3A_291 : memref<1x1x160x128xi32, #tpu.memory_space<hbm>> -> memref<160x128xi32, #tpu.memory_space<hbm>>
      tpu.enqueue_dma source(%dma_start3A_292 : memref<160x128xi32, #tpu.memory_space<hbm>>) target(%arg8 : memref<160x128xi32, #tpu.memory_space<vmem>>) target_semaphore(%run_scoped3A : memref<!tpu.dma_semaphore, #tpu.memory_space<semaphore_mem>>)
      %dma_wait3A_293 = arith.constant 0 : i32
      %dma_wait3A_294 = arith.constant 0 : i32
      %dma_wait3A_295 = tpu.memref_slice %arg4[%arg0, %arg1, %dma_wait3A_293, %dma_wait3A_294] : memref<2x16x160x128xi32, #tpu.memory_space<hbm>> -> memref<1x1x160x128xi32, #tpu.memory_space<hbm>>
      %dma_wait3A_296 = tpu.memref_squeeze %dma_wait3A_295 : memref<1x1x160x128xi32, #tpu.memory_space<hbm>> -> memref<160x128xi32, #tpu.memory_space<hbm>>
      %dma_wait3A_297 = arith.constant 0 : i32
      %dma_wait3A_298 = arith.constant 0 : i32
      %dma_wait3A_299 = tpu.memref_slice %arg4[%arg0, %arg1, %dma_wait3A_297, %dma_wait3A_298] : memref<2x16x160x128xi32, #tpu.memory_space<hbm>> -> memref<1x1x160x128xi32, #tpu.memory_space<hbm>>
      %dma_wait3A_300 = tpu.memref_squeeze %dma_wait3A_299 : memref<1x1x160x128xi32, #tpu.memory_space<hbm>> -> memref<160x128xi32, #tpu.memory_space<hbm>>
      tpu.wait_dma2 semaphore(%run_scoped3A : memref<!tpu.dma_semaphore, #tpu.memory_space<semaphore_mem>>) src(%dma_wait3A_300 : memref<160x128xi32, #tpu.memory_space<hbm>>) dst(%arg8 : memref<160x128xi32, #tpu.memory_space<vmem>>)
      tpu.yield
    }) : () -> ()
    %scan3A = arith.constant 0 : i32
    %scan3A_1 = arith.constant 0 : i32
    %scan3A_2 = arith.constant 128 : i32
    %scan3A_3 = arith.addi %scan3A_1, %scan3A_2 : i32
    %scan3A_4 = arith.constant 1 : i32
    scf.for %scan3A_285 = %scan3A_1 to %scan3A_3 step %scan3A_4  : i32 {
      %broadcast_in_dim3A = arith.constant 0.000000e+00 : f32
      %broadcast_in_dim3A_286 = vector.broadcast %broadcast_in_dim3A : f32 to vector<16xf32>
      %swap3A_287 = arith.index_cast %scan3A_285 : i32 to index
      %swap3A_288 = arith.constant 0 : index
      %swap3A_289 = tpu.vector_load %arg12[%swap3A_287, %swap3A_288] {strides = array<i32>} : memref<128x16xf32, #tpu.memory_space<vmem>>, vector<1x16xf32>,
      %swap3A_290 = vector.shape_cast %swap3A_289 : vector<1x16xf32> to vector<16xf32>
      %swap3A_291 = vector.shape_cast %broadcast_in_dim3A_286 : vector<16xf32> to vector<1x16xf32>
      tpu.vector_store %arg12[%swap3A_287, %swap3A_288], %swap3A_291 {strides = array<i32>} : memref<128x16xf32, #tpu.memory_space<vmem>>, vector<1x16xf32>,
    }
    %scan3A_5 = arith.constant 128 : i32
    %get3A = arith.constant 0 : i32
    %get3A_6 = arith.index_cast %get3A : i32 to index
    %get3A_7 = arith.constant 0 : index
    %get3A_8 = tpu.vector_load %arg9[%get3A_6, %get3A_7] {strides = array<i32>} : memref<3x128xi32, #tpu.memory_space<vmem>>, vector<1x16xi32>,
    %get3A_9 = vector.shape_cast %get3A_8 : vector<1x16xi32> to vector<16xi32>
    %swap3A = arith.constant 0 : index
    %swap3A_10 = tpu.vector_load %arg10[%swap3A] {strides = array<i32>} : memref<128xi32, #tpu.memory_space<vmem>>, vector<16xi32>,
    %swap3A_11 = vector.shape_cast %swap3A_10 : vector<16xi32> to vector<16xi32>
    %swap3A_12 = vector.shape_cast %get3A_9 : vector<16xi32> to vector<16xi32>
    tpu.vector_store %arg10[%swap3A], %swap3A_12 {strides = array<i32>} : memref<128xi32, #tpu.memory_space<vmem>>, vector<16xi32>,
    %get3A_13 = arith.constant 0 : i32
    %get3A_14 = arith.index_cast %get3A_13 : i32 to index
    %get3A_15 = arith.constant 16 : index
    %get3A_16 = tpu.vector_load %arg9[%get3A_14, %get3A_15] {strides = array<i32>} : memref<3x128xi32, #tpu.memory_space<vmem>>, vector<1x16xi32>,
    %get3A_17 = vector.shape_cast %get3A_16 : vector<1x16xi32> to vector<16xi32>
    %swap3A_18 = arith.constant 16 : index
    %swap3A_19 = tpu.vector_load %arg10[%swap3A_18] {strides = array<i32>} : memref<128xi32, #tpu.memory_space<vmem>>, vector<16xi32>,
    %swap3A_20 = vector.shape_cast %swap3A_19 : vector<16xi32> to vector<16xi32>
    %swap3A_21 = vector.shape_cast %get3A_17 : vector<16xi32> to vector<16xi32>
    tpu.vector_store %arg10[%swap3A_18], %swap3A_21 {strides = array<i32>} : memref<128xi32, #tpu.memory_space<vmem>>, vector<16xi32>,
    %get3A_22 = arith.constant 0 : i32
    %get3A_23 = arith.index_cast %get3A_22 : i32 to index
    %get3A_24 = arith.constant 32 : index
    %get3A_25 = tpu.vector_load %arg9[%get3A_23, %get3A_24] {strides = array<i32>} : memref<3x128xi32, #tpu.memory_space<vmem>>, vector<1x16xi32>,
    %get3A_26 = vector.shape_cast %get3A_25 : vector<1x16xi32> to vector<16xi32>
    %swap3A_27 = arith.constant 32 : index
    %swap3A_28 = tpu.vector_load %arg10[%swap3A_27] {strides = array<i32>} : memref<128xi32, #tpu.memory_space<vmem>>, vector<16xi32>,
    %swap3A_29 = vector.shape_cast %swap3A_28 : vector<16xi32> to vector<16xi32>
    %swap3A_30 = vector.shape_cast %get3A_26 : vector<16xi32> to vector<16xi32>
    tpu.vector_store %arg10[%swap3A_27], %swap3A_30 {strides = array<i32>} : memref<128xi32, #tpu.memory_space<vmem>>, vector<16xi32>,
    %get3A_31 = arith.constant 0 : i32
    %get3A_32 = arith.index_cast %get3A_31 : i32 to index
    %get3A_33 = arith.constant 48 : index
    %get3A_34 = tpu.vector_load %arg9[%get3A_32, %get3A_33] {strides = array<i32>} : memref<3x128xi32, #tpu.memory_space<vmem>>, vector<1x16xi32>,
    %get3A_35 = vector.shape_cast %get3A_34 : vector<1x16xi32> to vector<16xi32>
    %swap3A_36 = arith.constant 48 : index
    %swap3A_37 = tpu.vector_load %arg10[%swap3A_36] {strides = array<i32>} : memref<128xi32, #tpu.memory_space<vmem>>, vector<16xi32>,
    %swap3A_38 = vector.shape_cast %swap3A_37 : vector<16xi32> to vector<16xi32>
    %swap3A_39 = vector.shape_cast %get3A_35 : vector<16xi32> to vector<16xi32>
    tpu.vector_store %arg10[%swap3A_36], %swap3A_39 {strides = array<i32>} : memref<128xi32, #tpu.memory_space<vmem>>, vector<16xi32>,
    %get3A_40 = arith.constant 0 : i32
    %get3A_41 = arith.index_cast %get3A_40 : i32 to index
    %get3A_42 = arith.constant 64 : index
    %get3A_43 = tpu.vector_load %arg9[%get3A_41, %get3A_42] {strides = array<i32>} : memref<3x128xi32, #tpu.memory_space<vmem>>, vector<1x16xi32>,
    %get3A_44 = vector.shape_cast %get3A_43 : vector<1x16xi32> to vector<16xi32>
    %swap3A_45 = arith.constant 64 : index
    %swap3A_46 = tpu.vector_load %arg10[%swap3A_45] {strides = array<i32>} : memref<128xi32, #tpu.memory_space<vmem>>, vector<16xi32>,
    %swap3A_47 = vector.shape_cast %swap3A_46 : vector<16xi32> to vector<16xi32>
    %swap3A_48 = vector.shape_cast %get3A_44 : vector<16xi32> to vector<16xi32>
    tpu.vector_store %arg10[%swap3A_45], %swap3A_48 {strides = array<i32>} : memref<128xi32, #tpu.memory_space<vmem>>, vector<16xi32>,
    %get3A_49 = arith.constant 0 : i32
    %get3A_50 = arith.index_cast %get3A_49 : i32 to index
    %get3A_51 = arith.constant 80 : index
    %get3A_52 = tpu.vector_load %arg9[%get3A_50, %get3A_51] {strides = array<i32>} : memref<3x128xi32, #tpu.memory_space<vmem>>, vector<1x16xi32>,
    %get3A_53 = vector.shape_cast %get3A_52 : vector<1x16xi32> to vector<16xi32>
    %swap3A_54 = arith.constant 80 : index
    %swap3A_55 = tpu.vector_load %arg10[%swap3A_54] {strides = array<i32>} : memref<128xi32, #tpu.memory_space<vmem>>, vector<16xi32>,
    %swap3A_56 = vector.shape_cast %swap3A_55 : vector<16xi32> to vector<16xi32>
    %swap3A_57 = vector.shape_cast %get3A_53 : vector<16xi32> to vector<16xi32>
    tpu.vector_store %arg10[%swap3A_54], %swap3A_57 {strides = array<i32>} : memref<128xi32, #tpu.memory_space<vmem>>, vector<16xi32>,
    %get3A_58 = arith.constant 0 : i32
    %get3A_59 = arith.index_cast %get3A_58 : i32 to index
    %get3A_60 = arith.constant 96 : index
    %get3A_61 = tpu.vector_load %arg9[%get3A_59, %get3A_60] {strides = array<i32>} : memref<3x128xi32, #tpu.memory_space<vmem>>, vector<1x16xi32>,
    %get3A_62 = vector.shape_cast %get3A_61 : vector<1x16xi32> to vector<16xi32>
    %swap3A_63 = arith.constant 96 : index
    %swap3A_64 = tpu.vector_load %arg10[%swap3A_63] {strides = array<i32>} : memref<128xi32, #tpu.memory_space<vmem>>, vector<16xi32>,
    %swap3A_65 = vector.shape_cast %swap3A_64 : vector<16xi32> to vector<16xi32>
    %swap3A_66 = vector.shape_cast %get3A_62 : vector<16xi32> to vector<16xi32>
    tpu.vector_store %arg10[%swap3A_63], %swap3A_66 {strides = array<i32>} : memref<128xi32, #tpu.memory_space<vmem>>, vector<16xi32>,
    %get3A_67 = arith.constant 0 : i32
    %get3A_68 = arith.index_cast %get3A_67 : i32 to index
    %get3A_69 = arith.constant 112 : index
    %get3A_70 = tpu.vector_load %arg9[%get3A_68, %get3A_69] {strides = array<i32>} : memref<3x128xi32, #tpu.memory_space<vmem>>, vector<1x16xi32>,
    %get3A_71 = vector.shape_cast %get3A_70 : vector<1x16xi32> to vector<16xi32>
    %swap3A_72 = arith.constant 112 : index
    %swap3A_73 = tpu.vector_load %arg10[%swap3A_72] {strides = array<i32>} : memref<128xi32, #tpu.memory_space<vmem>>, vector<16xi32>,
    %swap3A_74 = vector.shape_cast %swap3A_73 : vector<16xi32> to vector<16xi32>
    %swap3A_75 = vector.shape_cast %get3A_71 : vector<16xi32> to vector<16xi32>
    tpu.vector_store %arg10[%swap3A_72], %swap3A_75 {strides = array<i32>} : memref<128xi32, #tpu.memory_space<vmem>>, vector<16xi32>,
    "tpu.region"() ({
      %run_scoped3A = tpu.sem_alloc : memref<!tpu.dma_semaphore, #tpu.memory_space<semaphore_mem>>
      %dma_start3A_285 = arith.constant 0 : i32
      %dma_start3A_286 = arith.constant 0 : i32
      %dma_start3A_287 = tpu.memref_slice %arg14[%dma_start3A_285, %dma_start3A_286] : memref<10240x16xf32, #tpu.memory_space<vmem_shared>> -> memref<10240x16xf32, #tpu.memory_space<vmem_shared>>
      tpu.enqueue_indirect_dma source(%arg12 : memref<128x16xf32, #tpu.memory_space<vmem>>) target(%dma_start3A_287 : memref<10240x16xf32, #tpu.memory_space<vmem_shared>>) offsets(%arg10 : memref<128xi32, #tpu.memory_space<vmem>>) semaphore(%run_scoped3A : memref<!tpu.dma_semaphore, #tpu.memory_space<semaphore_mem>>)
      %dma_wait3A_288 = arith.constant 0 : i32
      %dma_wait3A_289 = arith.constant 0 : i32
      %dma_wait3A_290 = tpu.memref_slice %arg14[%dma_wait3A_288, %dma_wait3A_289] : memref<10240x16xf32, #tpu.memory_space<vmem_shared>> -> memref<10240x16xf32, #tpu.memory_space<vmem_shared>>
      tpu.wait_indirect_dma semaphore(%run_scoped3A : memref<!tpu.dma_semaphore, #tpu.memory_space<semaphore_mem>>) src(%arg12 : memref<128x16xf32, #tpu.memory_space<vmem>>) dst(%dma_wait3A_290 : memref<10240x16xf32, #tpu.memory_space<vmem_shared>>)
      tpu.yield
    }) : () -> ()
    %get3A_76 = arith.constant 1 : i32
    %get3A_77 = arith.index_cast %get3A_76 : i32 to index
    %get3A_78 = arith.constant 0 : index
    %get3A_79 = tpu.vector_load %arg9[%get3A_77, %get3A_78] {strides = array<i32>} : memref<3x128xi32, #tpu.memory_space<vmem>>, vector<1x16xi32>,
    %get3A_80 = vector.shape_cast %get3A_79 : vector<1x16xi32> to vector<16xi32>
    %swap3A_81 = arith.constant 0 : index
    %swap3A_82 = tpu.vector_load %arg10[%swap3A_81] {strides = array<i32>} : memref<128xi32, #tpu.memory_space<vmem>>, vector<16xi32>,
    %swap3A_83 = vector.shape_cast %swap3A_82 : vector<16xi32> to vector<16xi32>
    %swap3A_84 = vector.shape_cast %get3A_80 : vector<16xi32> to vector<16xi32>
    tpu.vector_store %arg10[%swap3A_81], %swap3A_84 {strides = array<i32>} : memref<128xi32, #tpu.memory_space<vmem>>, vector<16xi32>,
    %get3A_85 = arith.constant 1 : i32
    %get3A_86 = arith.index_cast %get3A_85 : i32 to index
    %get3A_87 = arith.constant 16 : index
    %get3A_88 = tpu.vector_load %arg9[%get3A_86, %get3A_87] {strides = array<i32>} : memref<3x128xi32, #tpu.memory_space<vmem>>, vector<1x16xi32>,
    %get3A_89 = vector.shape_cast %get3A_88 : vector<1x16xi32> to vector<16xi32>
    %swap3A_90 = arith.constant 16 : index
    %swap3A_91 = tpu.vector_load %arg10[%swap3A_90] {strides = array<i32>} : memref<128xi32, #tpu.memory_space<vmem>>, vector<16xi32>,
    %swap3A_92 = vector.shape_cast %swap3A_91 : vector<16xi32> to vector<16xi32>
    %swap3A_93 = vector.shape_cast %get3A_89 : vector<16xi32> to vector<16xi32>
    tpu.vector_store %arg10[%swap3A_90], %swap3A_93 {strides = array<i32>} : memref<128xi32, #tpu.memory_space<vmem>>, vector<16xi32>,
    %get3A_94 = arith.constant 1 : i32
    %get3A_95 = arith.index_cast %get3A_94 : i32 to index
    %get3A_96 = arith.constant 32 : index
    %get3A_97 = tpu.vector_load %arg9[%get3A_95, %get3A_96] {strides = array<i32>} : memref<3x128xi32, #tpu.memory_space<vmem>>, vector<1x16xi32>,
    %get3A_98 = vector.shape_cast %get3A_97 : vector<1x16xi32> to vector<16xi32>
    %swap3A_99 = arith.constant 32 : index
    %swap3A_100 = tpu.vector_load %arg10[%swap3A_99] {strides = array<i32>} : memref<128xi32, #tpu.memory_space<vmem>>, vector<16xi32>,
    %swap3A_101 = vector.shape_cast %swap3A_100 : vector<16xi32> to vector<16xi32>
    %swap3A_102 = vector.shape_cast %get3A_98 : vector<16xi32> to vector<16xi32>
    tpu.vector_store %arg10[%swap3A_99], %swap3A_102 {strides = array<i32>} : memref<128xi32, #tpu.memory_space<vmem>>, vector<16xi32>,
    %get3A_103 = arith.constant 1 : i32
    %get3A_104 = arith.index_cast %get3A_103 : i32 to index
    %get3A_105 = arith.constant 48 : index
    %get3A_106 = tpu.vector_load %arg9[%get3A_104, %get3A_105] {strides = array<i32>} : memref<3x128xi32, #tpu.memory_space<vmem>>, vector<1x16xi32>,
    %get3A_107 = vector.shape_cast %get3A_106 : vector<1x16xi32> to vector<16xi32>
    %swap3A_108 = arith.constant 48 : index
    %swap3A_109 = tpu.vector_load %arg10[%swap3A_108] {strides = array<i32>} : memref<128xi32, #tpu.memory_space<vmem>>, vector<16xi32>,
    %swap3A_110 = vector.shape_cast %swap3A_109 : vector<16xi32> to vector<16xi32>
    %swap3A_111 = vector.shape_cast %get3A_107 : vector<16xi32> to vector<16xi32>
    tpu.vector_store %arg10[%swap3A_108], %swap3A_111 {strides = array<i32>} : memref<128xi32, #tpu.memory_space<vmem>>, vector<16xi32>,
    %get3A_112 = arith.constant 1 : i32
    %get3A_113 = arith.index_cast %get3A_112 : i32 to index
    %get3A_114 = arith.constant 64 : index
    %get3A_115 = tpu.vector_load %arg9[%get3A_113, %get3A_114] {strides = array<i32>} : memref<3x128xi32, #tpu.memory_space<vmem>>, vector<1x16xi32>,
    %get3A_116 = vector.shape_cast %get3A_115 : vector<1x16xi32> to vector<16xi32>
    %swap3A_117 = arith.constant 64 : index
    %swap3A_118 = tpu.vector_load %arg10[%swap3A_117] {strides = array<i32>} : memref<128xi32, #tpu.memory_space<vmem>>, vector<16xi32>,
    %swap3A_119 = vector.shape_cast %swap3A_118 : vector<16xi32> to vector<16xi32>
    %swap3A_120 = vector.shape_cast %get3A_116 : vector<16xi32> to vector<16xi32>
    tpu.vector_store %arg10[%swap3A_117], %swap3A_120 {strides = array<i32>} : memref<128xi32, #tpu.memory_space<vmem>>, vector<16xi32>,
    %get3A_121 = arith.constant 1 : i32
    %get3A_122 = arith.index_cast %get3A_121 : i32 to index
    %get3A_123 = arith.constant 80 : index
    %get3A_124 = tpu.vector_load %arg9[%get3A_122, %get3A_123] {strides = array<i32>} : memref<3x128xi32, #tpu.memory_space<vmem>>, vector<1x16xi32>,
    %get3A_125 = vector.shape_cast %get3A_124 : vector<1x16xi32> to vector<16xi32>
    %swap3A_126 = arith.constant 80 : index
    %swap3A_127 = tpu.vector_load %arg10[%swap3A_126] {strides = array<i32>} : memref<128xi32, #tpu.memory_space<vmem>>, vector<16xi32>,
    %swap3A_128 = vector.shape_cast %swap3A_127 : vector<16xi32> to vector<16xi32>
    %swap3A_129 = vector.shape_cast %get3A_125 : vector<16xi32> to vector<16xi32>
    tpu.vector_store %arg10[%swap3A_126], %swap3A_129 {strides = array<i32>} : memref<128xi32, #tpu.memory_space<vmem>>, vector<16xi32>,
    %get3A_130 = arith.constant 1 : i32
    %get3A_131 = arith.index_cast %get3A_130 : i32 to index
    %get3A_132 = arith.constant 96 : index
    %get3A_133 = tpu.vector_load %arg9[%get3A_131, %get3A_132] {strides = array<i32>} : memref<3x128xi32, #tpu.memory_space<vmem>>, vector<1x16xi32>,
    %get3A_134 = vector.shape_cast %get3A_133 : vector<1x16xi32> to vector<16xi32>
    %swap3A_135 = arith.constant 96 : index
    %swap3A_136 = tpu.vector_load %arg10[%swap3A_135] {strides = array<i32>} : memref<128xi32, #tpu.memory_space<vmem>>, vector<16xi32>,
    %swap3A_137 = vector.shape_cast %swap3A_136 : vector<16xi32> to vector<16xi32>
    %swap3A_138 = vector.shape_cast %get3A_134 : vector<16xi32> to vector<16xi32>
    tpu.vector_store %arg10[%swap3A_135], %swap3A_138 {strides = array<i32>} : memref<128xi32, #tpu.memory_space<vmem>>, vector<16xi32>,
    %get3A_139 = arith.constant 1 : i32
    %get3A_140 = arith.index_cast %get3A_139 : i32 to index
    %get3A_141 = arith.constant 112 : index
    %get3A_142 = tpu.vector_load %arg9[%get3A_140, %get3A_141] {strides = array<i32>} : memref<3x128xi32, #tpu.memory_space<vmem>>, vector<1x16xi32>,
    %get3A_143 = vector.shape_cast %get3A_142 : vector<1x16xi32> to vector<16xi32>
    %swap3A_144 = arith.constant 112 : index
    %swap3A_145 = tpu.vector_load %arg10[%swap3A_144] {strides = array<i32>} : memref<128xi32, #tpu.memory_space<vmem>>, vector<16xi32>,
    %swap3A_146 = vector.shape_cast %swap3A_145 : vector<16xi32> to vector<16xi32>
    %swap3A_147 = vector.shape_cast %get3A_143 : vector<16xi32> to vector<16xi32>
    tpu.vector_store %arg10[%swap3A_144], %swap3A_147 {strides = array<i32>} : memref<128xi32, #tpu.memory_space<vmem>>, vector<16xi32>,
    "tpu.region"() ({
      %run_scoped3A = tpu.sem_alloc : memref<!tpu.dma_semaphore, #tpu.memory_space<semaphore_mem>>
      %dma_start3A_285 = arith.constant 0 : i32
      %dma_start3A_286 = arith.constant 0 : i32
      %dma_start3A_287 = tpu.memref_slice %arg14[%dma_start3A_285, %dma_start3A_286] : memref<10240x16xf32, #tpu.memory_space<vmem_shared>> -> memref<10240x16xf32, #tpu.memory_space<vmem_shared>>
      tpu.enqueue_indirect_dma source(%arg12 : memref<128x16xf32, #tpu.memory_space<vmem>>) target(%dma_start3A_287 : memref<10240x16xf32, #tpu.memory_space<vmem_shared>>) offsets(%arg10 : memref<128xi32, #tpu.memory_space<vmem>>) semaphore(%run_scoped3A : memref<!tpu.dma_semaphore, #tpu.memory_space<semaphore_mem>>)
      %dma_wait3A_288 = arith.constant 0 : i32
      %dma_wait3A_289 = arith.constant 0 : i32
      %dma_wait3A_290 = tpu.memref_slice %arg14[%dma_wait3A_288, %dma_wait3A_289] : memref<10240x16xf32, #tpu.memory_space<vmem_shared>> -> memref<10240x16xf32, #tpu.memory_space<vmem_shared>>
      tpu.wait_indirect_dma semaphore(%run_scoped3A : memref<!tpu.dma_semaphore, #tpu.memory_space<semaphore_mem>>) src(%arg12 : memref<128x16xf32, #tpu.memory_space<vmem>>) dst(%dma_wait3A_290 : memref<10240x16xf32, #tpu.memory_space<vmem_shared>>)
      tpu.yield
    }) : () -> ()
    %get3A_148 = arith.constant 2 : i32
    %get3A_149 = arith.index_cast %get3A_148 : i32 to index
    %get3A_150 = arith.constant 0 : index
    %get3A_151 = tpu.vector_load %arg9[%get3A_149, %get3A_150] {strides = array<i32>} : memref<3x128xi32, #tpu.memory_space<vmem>>, vector<1x16xi32>,
    %get3A_152 = vector.shape_cast %get3A_151 : vector<1x16xi32> to vector<16xi32>
    %swap3A_153 = arith.constant 0 : index
    %swap3A_154 = tpu.vector_load %arg10[%swap3A_153] {strides = array<i32>} : memref<128xi32, #tpu.memory_space<vmem>>, vector<16xi32>,
    %swap3A_155 = vector.shape_cast %swap3A_154 : vector<16xi32> to vector<16xi32>
    %swap3A_156 = vector.shape_cast %get3A_152 : vector<16xi32> to vector<16xi32>
    tpu.vector_store %arg10[%swap3A_153], %swap3A_156 {strides = array<i32>} : memref<128xi32, #tpu.memory_space<vmem>>, vector<16xi32>,
    %get3A_157 = arith.constant 2 : i32
    %get3A_158 = arith.index_cast %get3A_157 : i32 to index
    %get3A_159 = arith.constant 16 : index
    %get3A_160 = tpu.vector_load %arg9[%get3A_158, %get3A_159] {strides = array<i32>} : memref<3x128xi32, #tpu.memory_space<vmem>>, vector<1x16xi32>,
    %get3A_161 = vector.shape_cast %get3A_160 : vector<1x16xi32> to vector<16xi32>
    %swap3A_162 = arith.constant 16 : index
    %swap3A_163 = tpu.vector_load %arg10[%swap3A_162] {strides = array<i32>} : memref<128xi32, #tpu.memory_space<vmem>>, vector<16xi32>,
    %swap3A_164 = vector.shape_cast %swap3A_163 : vector<16xi32> to vector<16xi32>
    %swap3A_165 = vector.shape_cast %get3A_161 : vector<16xi32> to vector<16xi32>
    tpu.vector_store %arg10[%swap3A_162], %swap3A_165 {strides = array<i32>} : memref<128xi32, #tpu.memory_space<vmem>>, vector<16xi32>,
    %get3A_166 = arith.constant 2 : i32
    %get3A_167 = arith.index_cast %get3A_166 : i32 to index
    %get3A_168 = arith.constant 32 : index
    %get3A_169 = tpu.vector_load %arg9[%get3A_167, %get3A_168] {strides = array<i32>} : memref<3x128xi32, #tpu.memory_space<vmem>>, vector<1x16xi32>,
    %get3A_170 = vector.shape_cast %get3A_169 : vector<1x16xi32> to vector<16xi32>
    %swap3A_171 = arith.constant 32 : index
    %swap3A_172 = tpu.vector_load %arg10[%swap3A_171] {strides = array<i32>} : memref<128xi32, #tpu.memory_space<vmem>>, vector<16xi32>,
    %swap3A_173 = vector.shape_cast %swap3A_172 : vector<16xi32> to vector<16xi32>
    %swap3A_174 = vector.shape_cast %get3A_170 : vector<16xi32> to vector<16xi32>
    tpu.vector_store %arg10[%swap3A_171], %swap3A_174 {strides = array<i32>} : memref<128xi32, #tpu.memory_space<vmem>>, vector<16xi32>,
    %get3A_175 = arith.constant 2 : i32
    %get3A_176 = arith.index_cast %get3A_175 : i32 to index
    %get3A_177 = arith.constant 48 : index
    %get3A_178 = tpu.vector_load %arg9[%get3A_176, %get3A_177] {strides = array<i32>} : memref<3x128xi32, #tpu.memory_space<vmem>>, vector<1x16xi32>,
    %get3A_179 = vector.shape_cast %get3A_178 : vector<1x16xi32> to vector<16xi32>
    %swap3A_180 = arith.constant 48 : index
    %swap3A_181 = tpu.vector_load %arg10[%swap3A_180] {strides = array<i32>} : memref<128xi32, #tpu.memory_space<vmem>>, vector<16xi32>,
    %swap3A_182 = vector.shape_cast %swap3A_181 : vector<16xi32> to vector<16xi32>
    %swap3A_183 = vector.shape_cast %get3A_179 : vector<16xi32> to vector<16xi32>
    tpu.vector_store %arg10[%swap3A_180], %swap3A_183 {strides = array<i32>} : memref<128xi32, #tpu.memory_space<vmem>>, vector<16xi32>,
    %get3A_184 = arith.constant 2 : i32
    %get3A_185 = arith.index_cast %get3A_184 : i32 to index
    %get3A_186 = arith.constant 64 : index
    %get3A_187 = tpu.vector_load %arg9[%get3A_185, %get3A_186] {strides = array<i32>} : memref<3x128xi32, #tpu.memory_space<vmem>>, vector<1x16xi32>,
    %get3A_188 = vector.shape_cast %get3A_187 : vector<1x16xi32> to vector<16xi32>
    %swap3A_189 = arith.constant 64 : index
    %swap3A_190 = tpu.vector_load %arg10[%swap3A_189] {strides = array<i32>} : memref<128xi32, #tpu.memory_space<vmem>>, vector<16xi32>,
    %swap3A_191 = vector.shape_cast %swap3A_190 : vector<16xi32> to vector<16xi32>
    %swap3A_192 = vector.shape_cast %get3A_188 : vector<16xi32> to vector<16xi32>
    tpu.vector_store %arg10[%swap3A_189], %swap3A_192 {strides = array<i32>} : memref<128xi32, #tpu.memory_space<vmem>>, vector<16xi32>,
    %get3A_193 = arith.constant 2 : i32
    %get3A_194 = arith.index_cast %get3A_193 : i32 to index
    %get3A_195 = arith.constant 80 : index
    %get3A_196 = tpu.vector_load %arg9[%get3A_194, %get3A_195] {strides = array<i32>} : memref<3x128xi32, #tpu.memory_space<vmem>>, vector<1x16xi32>,
    %get3A_197 = vector.shape_cast %get3A_196 : vector<1x16xi32> to vector<16xi32>
    %swap3A_198 = arith.constant 80 : index
    %swap3A_199 = tpu.vector_load %arg10[%swap3A_198] {strides = array<i32>} : memref<128xi32, #tpu.memory_space<vmem>>, vector<16xi32>,
    %swap3A_200 = vector.shape_cast %swap3A_199 : vector<16xi32> to vector<16xi32>
    %swap3A_201 = vector.shape_cast %get3A_197 : vector<16xi32> to vector<16xi32>
    tpu.vector_store %arg10[%swap3A_198], %swap3A_201 {strides = array<i32>} : memref<128xi32, #tpu.memory_space<vmem>>, vector<16xi32>,
    %get3A_202 = arith.constant 2 : i32
    %get3A_203 = arith.index_cast %get3A_202 : i32 to index
    %get3A_204 = arith.constant 96 : index
    %get3A_205 = tpu.vector_load %arg9[%get3A_203, %get3A_204] {strides = array<i32>} : memref<3x128xi32, #tpu.memory_space<vmem>>, vector<1x16xi32>,
    %get3A_206 = vector.shape_cast %get3A_205 : vector<1x16xi32> to vector<16xi32>
    %swap3A_207 = arith.constant 96 : index
    %swap3A_208 = tpu.vector_load %arg10[%swap3A_207] {strides = array<i32>} : memref<128xi32, #tpu.memory_space<vmem>>, vector<16xi32>,
    %swap3A_209 = vector.shape_cast %swap3A_208 : vector<16xi32> to vector<16xi32>
    %swap3A_210 = vector.shape_cast %get3A_206 : vector<16xi32> to vector<16xi32>
    tpu.vector_store %arg10[%swap3A_207], %swap3A_210 {strides = array<i32>} : memref<128xi32, #tpu.memory_space<vmem>>, vector<16xi32>,
    %get3A_211 = arith.constant 2 : i32
    %get3A_212 = arith.index_cast %get3A_211 : i32 to index
    %get3A_213 = arith.constant 112 : index
    %get3A_214 = tpu.vector_load %arg9[%get3A_212, %get3A_213] {strides = array<i32>} : memref<3x128xi32, #tpu.memory_space<vmem>>, vector<1x16xi32>,
    %get3A_215 = vector.shape_cast %get3A_214 : vector<1x16xi32> to vector<16xi32>
    %swap3A_216 = arith.constant 112 : index
    %swap3A_217 = tpu.vector_load %arg10[%swap3A_216] {strides = array<i32>} : memref<128xi32, #tpu.memory_space<vmem>>, vector<16xi32>,
    %swap3A_218 = vector.shape_cast %swap3A_217 : vector<16xi32> to vector<16xi32>
    %swap3A_219 = vector.shape_cast %get3A_215 : vector<16xi32> to vector<16xi32>
    tpu.vector_store %arg10[%swap3A_216], %swap3A_219 {strides = array<i32>} : memref<128xi32, #tpu.memory_space<vmem>>, vector<16xi32>,
    "tpu.region"() ({
      %run_scoped3A = tpu.sem_alloc : memref<!tpu.dma_semaphore, #tpu.memory_space<semaphore_mem>>
      %dma_start3A_285 = arith.constant 0 : i32
      %dma_start3A_286 = arith.constant 0 : i32
      %dma_start3A_287 = tpu.memref_slice %arg14[%dma_start3A_285, %dma_start3A_286] : memref<10240x16xf32, #tpu.memory_space<vmem_shared>> -> memref<10240x16xf32, #tpu.memory_space<vmem_shared>>
      tpu.enqueue_indirect_dma source(%arg12 : memref<128x16xf32, #tpu.memory_space<vmem>>) target(%dma_start3A_287 : memref<10240x16xf32, #tpu.memory_space<vmem_shared>>) offsets(%arg10 : memref<128xi32, #tpu.memory_space<vmem>>) semaphore(%run_scoped3A : memref<!tpu.dma_semaphore, #tpu.memory_space<semaphore_mem>>)
      %dma_wait3A_288 = arith.constant 0 : i32
      %dma_wait3A_289 = arith.constant 0 : i32
      %dma_wait3A_290 = tpu.memref_slice %arg14[%dma_wait3A_288, %dma_wait3A_289] : memref<10240x16xf32, #tpu.memory_space<vmem_shared>> -> memref<10240x16xf32, #tpu.memory_space<vmem_shared>>
      tpu.wait_indirect_dma semaphore(%run_scoped3A : memref<!tpu.dma_semaphore, #tpu.memory_space<semaphore_mem>>) src(%arg12 : memref<128x16xf32, #tpu.memory_space<vmem>>) dst(%dma_wait3A_290 : memref<10240x16xf32, #tpu.memory_space<vmem_shared>>)
      tpu.yield
    }) : () -> ()
    %barrier3A = arith.constant 0 : index
    tpu.barrier barrier_id(%barrier3A)
    %dma_start3A = arith.constant 0 : i32
    %dma_start3A_220 = arith.constant 0 : i32
    %dma_start3A_221 = tpu.memref_slice %arg7[%dma_start3A, %dma_start3A_220] : memref<160x128xi32, #tpu.memory_space<vmem>> -> memref<1x128xi32, #tpu.memory_space<vmem>>
    %dma_start3A_222 = tpu.memref_squeeze %dma_start3A_221 : memref<1x128xi32, #tpu.memory_space<vmem>> -> memref<128xi32, #tpu.memory_space<vmem>>
    %dma_start3A_223 = arith.constant 0 : i32
    %dma_start3A_224 = arith.constant 0 : i32
    %dma_start3A_225 = tpu.memref_slice %arg2[%dma_start3A_223, %dma_start3A_224] : memref<10240x16xf32, #tpu.memory_space<hbm>> -> memref<10240x16xf32, #tpu.memory_space<hbm>>
    tpu.enqueue_indirect_dma source(%dma_start3A_225 : memref<10240x16xf32, #tpu.memory_space<hbm>>) target(%arg12 : memref<128x16xf32, #tpu.memory_space<vmem>>) offsets(%dma_start3A_222 : memref<128xi32, #tpu.memory_space<vmem>>) semaphore(%arg15 : memref<!tpu.dma_semaphore, #tpu.memory_space<semaphore_mem>>)
    %scan3A_226 = arith.constant 0 : i32
    %scan3A_227 = arith.constant 0 : i32
    %scan3A_228 = arith.constant 160 : i32
    %scan3A_229 = arith.addi %scan3A_227, %scan3A_228 : i32
    %scan3A_230 = arith.constant 1 : i32
    scf.for %scan3A_285 = %scan3A_227 to %scan3A_229 step %scan3A_230  : i32 {
      %rem3A = arith.constant 2 : i32
      %rem3A_286 = arith.remsi %scan3A_285, %rem3A : i32
      %eq3A = arith.constant 0 : i32
      %eq3A_287 = arith.cmpi eq, %rem3A_286, %eq3A : i32
      %convert_element_type3A = arith.extui %eq3A_287 : i1 to i32
      %cond3A = arith.constant 0 : i32
      %cond3A_288 = arith.cmpi ne, %convert_element_type3A, %cond3A : i32
      scf.if %cond3A_288 {
        %ge3A = arith.constant 1 : i32
        %ge3A_293 = arith.cmpi sge, %scan3A_285, %ge3A : i32
        %convert_element_type3A_294 = arith.extui %ge3A_293 : i1 to i32
        %cond3A_295 = arith.constant 0 : i32
        %cond3A_296 = arith.cmpi ne, %convert_element_type3A_294, %cond3A_295 : i32
        scf.if %cond3A_296 {
          %dma_wait3A_376 = arith.constant 0 : i32
          %dma_wait3A_377 = arith.constant 0 : i32
          %dma_wait3A_378 = tpu.memref_slice %arg14[%dma_wait3A_376, %dma_wait3A_377] : memref<10240x16xf32, #tpu.memory_space<vmem_shared>> -> memref<10240x16xf32, #tpu.memory_space<vmem_shared>>
          tpu.wait_indirect_dma semaphore(%arg18 : memref<!tpu.dma_semaphore, #tpu.memory_space<semaphore_mem>>) src(%arg13 : memref<128x16xf32, #tpu.memory_space<vmem>>) dst(%dma_wait3A_378 : memref<10240x16xf32, #tpu.memory_space<vmem_shared>>)
        } else {
        }
        %add3A_297 = arith.constant 1 : i32
        %add3A_298 = arith.addi %scan3A_285, %add3A_297 : i32
        %lt3A = arith.constant 160 : i32
        %lt3A_299 = arith.cmpi slt, %add3A_298, %lt3A : i32
        %convert_element_type3A_300 = arith.extui %lt3A_299 : i1 to i32
        %cond3A_301 = arith.constant 0 : i32
        %cond3A_302 = arith.cmpi ne, %convert_element_type3A_300, %cond3A_301 : i32
        scf.if %cond3A_302 {
          %add3A_376 = arith.constant 1 : i32
          %add3A_377 = arith.addi %scan3A_285, %add3A_376 : i32
          %dma_start3A_378 = arith.constant 0 : i32
          %dma_start3A_379 = tpu.memref_slice %arg7[%add3A_377, %dma_start3A_378] : memref<160x128xi32, #tpu.memory_space<vmem>> -> memref<1x128xi32, #tpu.memory_space<vmem>>
          %dma_start3A_380 = tpu.memref_squeeze %dma_start3A_379 : memref<1x128xi32, #tpu.memory_space<vmem>> -> memref<128xi32, #tpu.memory_space<vmem>>
          %dma_start3A_381 = arith.constant 0 : i32
          %dma_start3A_382 = arith.constant 0 : i32
          %dma_start3A_383 = tpu.memref_slice %arg2[%dma_start3A_381, %dma_start3A_382] : memref<10240x16xf32, #tpu.memory_space<hbm>> -> memref<10240x16xf32, #tpu.memory_space<hbm>>
          tpu.enqueue_indirect_dma source(%dma_start3A_383 : memref<10240x16xf32, #tpu.memory_space<hbm>>) target(%arg13 : memref<128x16xf32, #tpu.memory_space<vmem>>) offsets(%dma_start3A_380 : memref<128xi32, #tpu.memory_space<vmem>>) semaphore(%arg16 : memref<!tpu.dma_semaphore, #tpu.memory_space<semaphore_mem>>)
        } else {
        }
        %dma_wait3A_303 = arith.constant 0 : i32
        %dma_wait3A_304 = tpu.memref_slice %arg7[%scan3A_285, %dma_wait3A_303] : memref<160x128xi32, #tpu.memory_space<vmem>> -> memref<1x128xi32, #tpu.memory_space<vmem>>
        %dma_wait3A_305 = tpu.memref_squeeze %dma_wait3A_304 : memref<1x128xi32, #tpu.memory_space<vmem>> -> memref<128xi32, #tpu.memory_space<vmem>>
        %dma_wait3A_306 = arith.constant 0 : i32
        %dma_wait3A_307 = arith.constant 0 : i32
        %dma_wait3A_308 = tpu.memref_slice %arg2[%dma_wait3A_306, %dma_wait3A_307] : memref<10240x16xf32, #tpu.memory_space<hbm>> -> memref<10240x16xf32, #tpu.memory_space<hbm>>
        tpu.wait_indirect_dma semaphore(%arg15 : memref<!tpu.dma_semaphore, #tpu.memory_space<semaphore_mem>>) src(%dma_wait3A_308 : memref<10240x16xf32, #tpu.memory_space<hbm>>) dst(%arg12 : memref<128x16xf32, #tpu.memory_space<vmem>>)
        %get3A_309 = arith.index_cast %scan3A_285 : i32 to index
        %get3A_310 = arith.constant 0 : index
        %get3A_311 = tpu.vector_load %arg8[%get3A_309, %get3A_310] {strides = array<i32>} : memref<160x128xi32, #tpu.memory_space<vmem>>, vector<1x16xi32>,
        %get3A_312 = vector.shape_cast %get3A_311 : vector<1x16xi32> to vector<16xi32>
        %swap3A_313 = arith.constant 0 : index
        %swap3A_314 = tpu.vector_load %arg10[%swap3A_313] {strides = array<i32>} : memref<128xi32, #tpu.memory_space<vmem>>, vector<16xi32>,
        %swap3A_315 = vector.shape_cast %swap3A_314 : vector<16xi32> to vector<16xi32>
        %swap3A_316 = vector.shape_cast %get3A_312 : vector<16xi32> to vector<16xi32>
        tpu.vector_store %arg10[%swap3A_313], %swap3A_316 {strides = array<i32>} : memref<128xi32, #tpu.memory_space<vmem>>, vector<16xi32>,
        %get3A_317 = arith.index_cast %scan3A_285 : i32 to index
        %get3A_318 = arith.constant 16 : index
        %get3A_319 = tpu.vector_load %arg8[%get3A_317, %get3A_318] {strides = array<i32>} : memref<160x128xi32, #tpu.memory_space<vmem>>, vector<1x16xi32>,
        %get3A_320 = vector.shape_cast %get3A_319 : vector<1x16xi32> to vector<16xi32>
        %swap3A_321 = arith.constant 16 : index
        %swap3A_322 = tpu.vector_load %arg10[%swap3A_321] {strides = array<i32>} : memref<128xi32, #tpu.memory_space<vmem>>, vector<16xi32>,
        %swap3A_323 = vector.shape_cast %swap3A_322 : vector<16xi32> to vector<16xi32>
        %swap3A_324 = vector.shape_cast %get3A_320 : vector<16xi32> to vector<16xi32>
        tpu.vector_store %arg10[%swap3A_321], %swap3A_324 {strides = array<i32>} : memref<128xi32, #tpu.memory_space<vmem>>, vector<16xi32>,
        %get3A_325 = arith.index_cast %scan3A_285 : i32 to index
        %get3A_326 = arith.constant 32 : index
        %get3A_327 = tpu.vector_load %arg8[%get3A_325, %get3A_326] {strides = array<i32>} : memref<160x128xi32, #tpu.memory_space<vmem>>, vector<1x16xi32>,
        %get3A_328 = vector.shape_cast %get3A_327 : vector<1x16xi32> to vector<16xi32>
        %swap3A_329 = arith.constant 32 : index
        %swap3A_330 = tpu.vector_load %arg10[%swap3A_329] {strides = array<i32>} : memref<128xi32, #tpu.memory_space<vmem>>, vector<16xi32>,
        %swap3A_331 = vector.shape_cast %swap3A_330 : vector<16xi32> to vector<16xi32>
        %swap3A_332 = vector.shape_cast %get3A_328 : vector<16xi32> to vector<16xi32>
        tpu.vector_store %arg10[%swap3A_329], %swap3A_332 {strides = array<i32>} : memref<128xi32, #tpu.memory_space<vmem>>, vector<16xi32>,
        %get3A_333 = arith.index_cast %scan3A_285 : i32 to index
        %get3A_334 = arith.constant 48 : index
        %get3A_335 = tpu.vector_load %arg8[%get3A_333, %get3A_334] {strides = array<i32>} : memref<160x128xi32, #tpu.memory_space<vmem>>, vector<1x16xi32>,
        %get3A_336 = vector.shape_cast %get3A_335 : vector<1x16xi32> to vector<16xi32>
        %swap3A_337 = arith.constant 48 : index
        %swap3A_338 = tpu.vector_load %arg10[%swap3A_337] {strides = array<i32>} : memref<128xi32, #tpu.memory_space<vmem>>, vector<16xi32>,
        %swap3A_339 = vector.shape_cast %swap3A_338 : vector<16xi32> to vector<16xi32>
        %swap3A_340 = vector.shape_cast %get3A_336 : vector<16xi32> to vector<16xi32>
        tpu.vector_store %arg10[%swap3A_337], %swap3A_340 {strides = array<i32>} : memref<128xi32, #tpu.memory_space<vmem>>, vector<16xi32>,
        %get3A_341 = arith.index_cast %scan3A_285 : i32 to index
        %get3A_342 = arith.constant 64 : index
        %get3A_343 = tpu.vector_load %arg8[%get3A_341, %get3A_342] {strides = array<i32>} : memref<160x128xi32, #tpu.memory_space<vmem>>, vector<1x16xi32>,
        %get3A_344 = vector.shape_cast %get3A_343 : vector<1x16xi32> to vector<16xi32>
        %swap3A_345 = arith.constant 64 : index
        %swap3A_346 = tpu.vector_load %arg10[%swap3A_345] {strides = array<i32>} : memref<128xi32, #tpu.memory_space<vmem>>, vector<16xi32>,
        %swap3A_347 = vector.shape_cast %swap3A_346 : vector<16xi32> to vector<16xi32>
        %swap3A_348 = vector.shape_cast %get3A_344 : vector<16xi32> to vector<16xi32>
        tpu.vector_store %arg10[%swap3A_345], %swap3A_348 {strides = array<i32>} : memref<128xi32, #tpu.memory_space<vmem>>, vector<16xi32>,
        %get3A_349 = arith.index_cast %scan3A_285 : i32 to index
        %get3A_350 = arith.constant 80 : index
        %get3A_351 = tpu.vector_load %arg8[%get3A_349, %get3A_350] {strides = array<i32>} : memref<160x128xi32, #tpu.memory_space<vmem>>, vector<1x16xi32>,
        %get3A_352 = vector.shape_cast %get3A_351 : vector<1x16xi32> to vector<16xi32>
        %swap3A_353 = arith.constant 80 : index
        %swap3A_354 = tpu.vector_load %arg10[%swap3A_353] {strides = array<i32>} : memref<128xi32, #tpu.memory_space<vmem>>, vector<16xi32>,
        %swap3A_355 = vector.shape_cast %swap3A_354 : vector<16xi32> to vector<16xi32>
        %swap3A_356 = vector.shape_cast %get3A_352 : vector<16xi32> to vector<16xi32>
        tpu.vector_store %arg10[%swap3A_353], %swap3A_356 {strides = array<i32>} : memref<128xi32, #tpu.memory_space<vmem>>, vector<16xi32>,
        %get3A_357 = arith.index_cast %scan3A_285 : i32 to index
        %get3A_358 = arith.constant 96 : index
        %get3A_359 = tpu.vector_load %arg8[%get3A_357, %get3A_358] {strides = array<i32>} : memref<160x128xi32, #tpu.memory_space<vmem>>, vector<1x16xi32>,
        %get3A_360 = vector.shape_cast %get3A_359 : vector<1x16xi32> to vector<16xi32>
        %swap3A_361 = arith.constant 96 : index
        %swap3A_362 = tpu.vector_load %arg10[%swap3A_361] {strides = array<i32>} : memref<128xi32, #tpu.memory_space<vmem>>, vector<16xi32>,
        %swap3A_363 = vector.shape_cast %swap3A_362 : vector<16xi32> to vector<16xi32>
        %swap3A_364 = vector.shape_cast %get3A_360 : vector<16xi32> to vector<16xi32>
        tpu.vector_store %arg10[%swap3A_361], %swap3A_364 {strides = array<i32>} : memref<128xi32, #tpu.memory_space<vmem>>, vector<16xi32>,
        %get3A_365 = arith.index_cast %scan3A_285 : i32 to index
        %get3A_366 = arith.constant 112 : index
        %get3A_367 = tpu.vector_load %arg8[%get3A_365, %get3A_366] {strides = array<i32>} : memref<160x128xi32, #tpu.memory_space<vmem>>, vector<1x16xi32>,
        %get3A_368 = vector.shape_cast %get3A_367 : vector<1x16xi32> to vector<16xi32>
        %swap3A_369 = arith.constant 112 : index
        %swap3A_370 = tpu.vector_load %arg10[%swap3A_369] {strides = array<i32>} : memref<128xi32, #tpu.memory_space<vmem>>, vector<16xi32>,
        %swap3A_371 = vector.shape_cast %swap3A_370 : vector<16xi32> to vector<16xi32>
        %swap3A_372 = vector.shape_cast %get3A_368 : vector<16xi32> to vector<16xi32>
        tpu.vector_store %arg10[%swap3A_369], %swap3A_372 {strides = array<i32>} : memref<128xi32, #tpu.memory_space<vmem>>, vector<16xi32>,
        %dma_start3A_373 = arith.constant 0 : i32
        %dma_start3A_374 = arith.constant 0 : i32
        %dma_start3A_375 = tpu.memref_slice %arg14[%dma_start3A_373, %dma_start3A_374] : memref<10240x16xf32, #tpu.memory_space<vmem_shared>> -> memref<10240x16xf32, #tpu.memory_space<vmem_shared>>
        tpu.enqueue_indirect_dma source(%arg12 : memref<128x16xf32, #tpu.memory_space<vmem>>) target(%dma_start3A_375 : memref<10240x16xf32, #tpu.memory_space<vmem_shared>>) offsets(%arg10 : memref<128xi32, #tpu.memory_space<vmem>>) semaphore(%arg17 : memref<!tpu.dma_semaphore, #tpu.memory_space<semaphore_mem>>) {add = true}
      } else {
      }
      %not3A = arith.constant true
      %not3A_289 = arith.xori %eq3A_287, %not3A : i1
      %convert_element_type3A_290 = arith.extui %not3A_289 : i1 to i32
      %cond3A_291 = arith.constant 0 : i32
      %cond3A_292 = arith.cmpi ne, %convert_element_type3A_290, %cond3A_291 : i32
      scf.if %cond3A_292 {
        %dma_wait3A_293 = arith.constant 0 : i32
        %dma_wait3A_294 = arith.constant 0 : i32
        %dma_wait3A_295 = tpu.memref_slice %arg14[%dma_wait3A_293, %dma_wait3A_294] : memref<10240x16xf32, #tpu.memory_space<vmem_shared>> -> memref<10240x16xf32, #tpu.memory_space<vmem_shared>>
        tpu.wait_indirect_dma semaphore(%arg17 : memref<!tpu.dma_semaphore, #tpu.memory_space<semaphore_mem>>) src(%arg12 : memref<128x16xf32, #tpu.memory_space<vmem>>) dst(%dma_wait3A_295 : memref<10240x16xf32, #tpu.memory_space<vmem_shared>>)
        %add3A_296 = arith.constant 1 : i32
        %add3A_297 = arith.addi %scan3A_285, %add3A_296 : i32
        %lt3A = arith.constant 160 : i32
        %lt3A_298 = arith.cmpi slt, %add3A_297, %lt3A : i32
        %convert_element_type3A_299 = arith.extui %lt3A_298 : i1 to i32
        %cond3A_300 = arith.constant 0 : i32
        %cond3A_301 = arith.cmpi ne, %convert_element_type3A_299, %cond3A_300 : i32
        scf.if %cond3A_301 {
          %add3A_375 = arith.constant 1 : i32
          %add3A_376 = arith.addi %scan3A_285, %add3A_375 : i32
          %dma_start3A_377 = arith.constant 0 : i32
          %dma_start3A_378 = tpu.memref_slice %arg7[%add3A_376, %dma_start3A_377] : memref<160x128xi32, #tpu.memory_space<vmem>> -> memref<1x128xi32, #tpu.memory_space<vmem>>
          %dma_start3A_379 = tpu.memref_squeeze %dma_start3A_378 : memref<1x128xi32, #tpu.memory_space<vmem>> -> memref<128xi32, #tpu.memory_space<vmem>>
          %dma_start3A_380 = arith.constant 0 : i32
          %dma_start3A_381 = arith.constant 0 : i32
          %dma_start3A_382 = tpu.memref_slice %arg2[%dma_start3A_380, %dma_start3A_381] : memref<10240x16xf32, #tpu.memory_space<hbm>> -> memref<10240x16xf32, #tpu.memory_space<hbm>>
          tpu.enqueue_indirect_dma source(%dma_start3A_382 : memref<10240x16xf32, #tpu.memory_space<hbm>>) target(%arg12 : memref<128x16xf32, #tpu.memory_space<vmem>>) offsets(%dma_start3A_379 : memref<128xi32, #tpu.memory_space<vmem>>) semaphore(%arg15 : memref<!tpu.dma_semaphore, #tpu.memory_space<semaphore_mem>>)
        } else {
        }
        %dma_wait3A_302 = arith.constant 0 : i32
        %dma_wait3A_303 = tpu.memref_slice %arg7[%scan3A_285, %dma_wait3A_302] : memref<160x128xi32, #tpu.memory_space<vmem>> -> memref<1x128xi32, #tpu.memory_space<vmem>>
        %dma_wait3A_304 = tpu.memref_squeeze %dma_wait3A_303 : memref<1x128xi32, #tpu.memory_space<vmem>> -> memref<128xi32, #tpu.memory_space<vmem>>
        %dma_wait3A_305 = arith.constant 0 : i32
        %dma_wait3A_306 = arith.constant 0 : i32
        %dma_wait3A_307 = tpu.memref_slice %arg2[%dma_wait3A_305, %dma_wait3A_306] : memref<10240x16xf32, #tpu.memory_space<hbm>> -> memref<10240x16xf32, #tpu.memory_space<hbm>>
        tpu.wait_indirect_dma semaphore(%arg16 : memref<!tpu.dma_semaphore, #tpu.memory_space<semaphore_mem>>) src(%dma_wait3A_307 : memref<10240x16xf32, #tpu.memory_space<hbm>>) dst(%arg13 : memref<128x16xf32, #tpu.memory_space<vmem>>)
        %get3A_308 = arith.index_cast %scan3A_285 : i32 to index
        %get3A_309 = arith.constant 0 : index
        %get3A_310 = tpu.vector_load %arg8[%get3A_308, %get3A_309] {strides = array<i32>} : memref<160x128xi32, #tpu.memory_space<vmem>>, vector<1x16xi32>,
        %get3A_311 = vector.shape_cast %get3A_310 : vector<1x16xi32> to vector<16xi32>
        %swap3A_312 = arith.constant 0 : index
        %swap3A_313 = tpu.vector_load %arg11[%swap3A_312] {strides = array<i32>} : memref<128xi32, #tpu.memory_space<vmem>>, vector<16xi32>,
        %swap3A_314 = vector.shape_cast %swap3A_313 : vector<16xi32> to vector<16xi32>
        %swap3A_315 = vector.shape_cast %get3A_311 : vector<16xi32> to vector<16xi32>
        tpu.vector_store %arg11[%swap3A_312], %swap3A_315 {strides = array<i32>} : memref<128xi32, #tpu.memory_space<vmem>>, vector<16xi32>,
        %get3A_316 = arith.index_cast %scan3A_285 : i32 to index
        %get3A_317 = arith.constant 16 : index
        %get3A_318 = tpu.vector_load %arg8[%get3A_316, %get3A_317] {strides = array<i32>} : memref<160x128xi32, #tpu.memory_space<vmem>>, vector<1x16xi32>,
        %get3A_319 = vector.shape_cast %get3A_318 : vector<1x16xi32> to vector<16xi32>
        %swap3A_320 = arith.constant 16 : index
        %swap3A_321 = tpu.vector_load %arg11[%swap3A_320] {strides = array<i32>} : memref<128xi32, #tpu.memory_space<vmem>>, vector<16xi32>,
        %swap3A_322 = vector.shape_cast %swap3A_321 : vector<16xi32> to vector<16xi32>
        %swap3A_323 = vector.shape_cast %get3A_319 : vector<16xi32> to vector<16xi32>
        tpu.vector_store %arg11[%swap3A_320], %swap3A_323 {strides = array<i32>} : memref<128xi32, #tpu.memory_space<vmem>>, vector<16xi32>,
        %get3A_324 = arith.index_cast %scan3A_285 : i32 to index
        %get3A_325 = arith.constant 32 : index
        %get3A_326 = tpu.vector_load %arg8[%get3A_324, %get3A_325] {strides = array<i32>} : memref<160x128xi32, #tpu.memory_space<vmem>>, vector<1x16xi32>,
        %get3A_327 = vector.shape_cast %get3A_326 : vector<1x16xi32> to vector<16xi32>
        %swap3A_328 = arith.constant 32 : index
        %swap3A_329 = tpu.vector_load %arg11[%swap3A_328] {strides = array<i32>} : memref<128xi32, #tpu.memory_space<vmem>>, vector<16xi32>,
        %swap3A_330 = vector.shape_cast %swap3A_329 : vector<16xi32> to vector<16xi32>
        %swap3A_331 = vector.shape_cast %get3A_327 : vector<16xi32> to vector<16xi32>
        tpu.vector_store %arg11[%swap3A_328], %swap3A_331 {strides = array<i32>} : memref<128xi32, #tpu.memory_space<vmem>>, vector<16xi32>,
        %get3A_332 = arith.index_cast %scan3A_285 : i32 to index
        %get3A_333 = arith.constant 48 : index
        %get3A_334 = tpu.vector_load %arg8[%get3A_332, %get3A_333] {strides = array<i32>} : memref<160x128xi32, #tpu.memory_space<vmem>>, vector<1x16xi32>,
        %get3A_335 = vector.shape_cast %get3A_334 : vector<1x16xi32> to vector<16xi32>
        %swap3A_336 = arith.constant 48 : index
        %swap3A_337 = tpu.vector_load %arg11[%swap3A_336] {strides = array<i32>} : memref<128xi32, #tpu.memory_space<vmem>>, vector<16xi32>,
        %swap3A_338 = vector.shape_cast %swap3A_337 : vector<16xi32> to vector<16xi32>
        %swap3A_339 = vector.shape_cast %get3A_335 : vector<16xi32> to vector<16xi32>
        tpu.vector_store %arg11[%swap3A_336], %swap3A_339 {strides = array<i32>} : memref<128xi32, #tpu.memory_space<vmem>>, vector<16xi32>,
        %get3A_340 = arith.index_cast %scan3A_285 : i32 to index
        %get3A_341 = arith.constant 64 : index
        %get3A_342 = tpu.vector_load %arg8[%get3A_340, %get3A_341] {strides = array<i32>} : memref<160x128xi32, #tpu.memory_space<vmem>>, vector<1x16xi32>,
        %get3A_343 = vector.shape_cast %get3A_342 : vector<1x16xi32> to vector<16xi32>
        %swap3A_344 = arith.constant 64 : index
        %swap3A_345 = tpu.vector_load %arg11[%swap3A_344] {strides = array<i32>} : memref<128xi32, #tpu.memory_space<vmem>>, vector<16xi32>,
        %swap3A_346 = vector.shape_cast %swap3A_345 : vector<16xi32> to vector<16xi32>
        %swap3A_347 = vector.shape_cast %get3A_343 : vector<16xi32> to vector<16xi32>
        tpu.vector_store %arg11[%swap3A_344], %swap3A_347 {strides = array<i32>} : memref<128xi32, #tpu.memory_space<vmem>>, vector<16xi32>,
        %get3A_348 = arith.index_cast %scan3A_285 : i32 to index
        %get3A_349 = arith.constant 80 : index
        %get3A_350 = tpu.vector_load %arg8[%get3A_348, %get3A_349] {strides = array<i32>} : memref<160x128xi32, #tpu.memory_space<vmem>>, vector<1x16xi32>,
        %get3A_351 = vector.shape_cast %get3A_350 : vector<1x16xi32> to vector<16xi32>
        %swap3A_352 = arith.constant 80 : index
        %swap3A_353 = tpu.vector_load %arg11[%swap3A_352] {strides = array<i32>} : memref<128xi32, #tpu.memory_space<vmem>>, vector<16xi32>,
        %swap3A_354 = vector.shape_cast %swap3A_353 : vector<16xi32> to vector<16xi32>
        %swap3A_355 = vector.shape_cast %get3A_351 : vector<16xi32> to vector<16xi32>
        tpu.vector_store %arg11[%swap3A_352], %swap3A_355 {strides = array<i32>} : memref<128xi32, #tpu.memory_space<vmem>>, vector<16xi32>,
        %get3A_356 = arith.index_cast %scan3A_285 : i32 to index
        %get3A_357 = arith.constant 96 : index
        %get3A_358 = tpu.vector_load %arg8[%get3A_356, %get3A_357] {strides = array<i32>} : memref<160x128xi32, #tpu.memory_space<vmem>>, vector<1x16xi32>,
        %get3A_359 = vector.shape_cast %get3A_358 : vector<1x16xi32> to vector<16xi32>
        %swap3A_360 = arith.constant 96 : index
        %swap3A_361 = tpu.vector_load %arg11[%swap3A_360] {strides = array<i32>} : memref<128xi32, #tpu.memory_space<vmem>>, vector<16xi32>,
        %swap3A_362 = vector.shape_cast %swap3A_361 : vector<16xi32> to vector<16xi32>
        %swap3A_363 = vector.shape_cast %get3A_359 : vector<16xi32> to vector<16xi32>
        tpu.vector_store %arg11[%swap3A_360], %swap3A_363 {strides = array<i32>} : memref<128xi32, #tpu.memory_space<vmem>>, vector<16xi32>,
        %get3A_364 = arith.index_cast %scan3A_285 : i32 to index
        %get3A_365 = arith.constant 112 : index
        %get3A_366 = tpu.vector_load %arg8[%get3A_364, %get3A_365] {strides = array<i32>} : memref<160x128xi32, #tpu.memory_space<vmem>>, vector<1x16xi32>,
        %get3A_367 = vector.shape_cast %get3A_366 : vector<1x16xi32> to vector<16xi32>
        %swap3A_368 = arith.constant 112 : index
        %swap3A_369 = tpu.vector_load %arg11[%swap3A_368] {strides = array<i32>} : memref<128xi32, #tpu.memory_space<vmem>>, vector<16xi32>,
        %swap3A_370 = vector.shape_cast %swap3A_369 : vector<16xi32> to vector<16xi32>
        %swap3A_371 = vector.shape_cast %get3A_367 : vector<16xi32> to vector<16xi32>
        tpu.vector_store %arg11[%swap3A_368], %swap3A_371 {strides = array<i32>} : memref<128xi32, #tpu.memory_space<vmem>>, vector<16xi32>,
        %dma_start3A_372 = arith.constant 0 : i32
        %dma_start3A_373 = arith.constant 0 : i32
        %dma_start3A_374 = tpu.memref_slice %arg14[%dma_start3A_372, %dma_start3A_373] : memref<10240x16xf32, #tpu.memory_space<vmem_shared>> -> memref<10240x16xf32, #tpu.memory_space<vmem_shared>>
        tpu.enqueue_indirect_dma source(%arg13 : memref<128x16xf32, #tpu.memory_space<vmem>>) target(%dma_start3A_374 : memref<10240x16xf32, #tpu.memory_space<vmem_shared>>) offsets(%arg11 : memref<128xi32, #tpu.memory_space<vmem>>) semaphore(%arg18 : memref<!tpu.dma_semaphore, #tpu.memory_space<semaphore_mem>>) {add = true}
      } else {
      }
    }
    %scan3A_231 = arith.constant 160 : i32
    %dma_wait3A = arith.constant 0 : i32
    %dma_wait3A_232 = arith.constant 0 : i32
    %dma_wait3A_233 = tpu.memref_slice %arg14[%dma_wait3A, %dma_wait3A_232] : memref<10240x16xf32, #tpu.memory_space<vmem_shared>> -> memref<10240x16xf32, #tpu.memory_space<vmem_shared>>
    tpu.wait_indirect_dma semaphore(%arg18 : memref<!tpu.dma_semaphore, #tpu.memory_space<semaphore_mem>>) src(%arg13 : memref<128x16xf32, #tpu.memory_space<vmem>>) dst(%dma_wait3A_233 : memref<10240x16xf32, #tpu.memory_space<vmem_shared>>)
    %barrier3A_234 = arith.constant 0 : index
    tpu.barrier barrier_id(%barrier3A_234)
    %mul3A_235 = arith.constant 320 : i32
    %mul3A_236 = arith.muli %arg1, %mul3A_235 : i32
    %dma_start3A_237 = arith.constant 0 : i32
    %dma_start3A_238 = arith.constant 0 : i32
    %dma_start3A_239 = tpu.memref_slice %arg9[%dma_start3A_237, %dma_start3A_238] : memref<3x128xi32, #tpu.memory_space<vmem>> -> memref<1x128xi32, #tpu.memory_space<vmem>>
    %dma_start3A_240 = tpu.memref_squeeze %dma_start3A_239 : memref<1x128xi32, #tpu.memory_space<vmem>> -> memref<128xi32, #tpu.memory_space<vmem>>
    %dma_start3A_241 = arith.constant 0 : i32
    %dma_start3A_242 = arith.constant 0 : i32
    %dma_start3A_243 = tpu.memref_slice %arg14[%dma_start3A_241, %dma_start3A_242] : memref<10240x16xf32, #tpu.memory_space<vmem_shared>> -> memref<10240x16xf32, #tpu.memory_space<vmem_shared>>
    tpu.enqueue_indirect_dma source(%dma_start3A_243 : memref<10240x16xf32, #tpu.memory_space<vmem_shared>>) target(%arg12 : memref<128x16xf32, #tpu.memory_space<vmem>>) offsets(%dma_start3A_240 : memref<128xi32, #tpu.memory_space<vmem>>) semaphore(%arg15 : memref<!tpu.dma_semaphore, #tpu.memory_space<semaphore_mem>>)
    %dma_wait3A_244 = arith.constant 0 : i32
    %dma_wait3A_245 = arith.constant 0 : i32
    %dma_wait3A_246 = tpu.memref_slice %arg9[%dma_wait3A_244, %dma_wait3A_245] : memref<3x128xi32, #tpu.memory_space<vmem>> -> memref<1x128xi32, #tpu.memory_space<vmem>>
    %dma_wait3A_247 = tpu.memref_squeeze %dma_wait3A_246 : memref<1x128xi32, #tpu.memory_space<vmem>> -> memref<128xi32, #tpu.memory_space<vmem>>
    %dma_wait3A_248 = arith.constant 0 : i32
    %dma_wait3A_249 = arith.constant 0 : i32
    %dma_wait3A_250 = tpu.memref_slice %arg14[%dma_wait3A_248, %dma_wait3A_249] : memref<10240x16xf32, #tpu.memory_space<vmem_shared>> -> memref<10240x16xf32, #tpu.memory_space<vmem_shared>>
    tpu.wait_indirect_dma semaphore(%arg15 : memref<!tpu.dma_semaphore, #tpu.memory_space<semaphore_mem>>) src(%dma_wait3A_250 : memref<10240x16xf32, #tpu.memory_space<vmem_shared>>) dst(%arg12 : memref<128x16xf32, #tpu.memory_space<vmem>>)
    %add3A_251 = arith.constant 0 : i32
    %add3A_252 = arith.addi %mul3A_236, %add3A_251 : i32
    "tpu.region"() ({
      %run_scoped3A = tpu.sem_alloc : memref<!tpu.dma_semaphore, #tpu.memory_space<semaphore_mem>>
      %dma_start3A_285 = arith.constant 0 : i32
      %dma_start3A_286 = arith.constant 0 : i32
      %dma_start3A_287 = tpu.memref_slice %arg12[%dma_start3A_285, %dma_start3A_286] : memref<128x16xf32, #tpu.memory_space<vmem>> -> memref<128x16xf32, #tpu.memory_space<vmem>>
      %dma_start3A_288 = arith.constant 0 : i32
      %dma_start3A_289 = tpu.memref_slice %arg6[%arg0, %add3A_252, %dma_start3A_288] : memref<2x5120x16xf32, #tpu.memory_space<hbm>> -> memref<1x128x16xf32, #tpu.memory_space<hbm>>
      %dma_start3A_290 = tpu.memref_squeeze %dma_start3A_289 : memref<1x128x16xf32, #tpu.memory_space<hbm>> -> memref<128x16xf32, #tpu.memory_space<hbm>>
      %dma_start3A_291 = arith.constant 0 : i32
      %dma_start3A_292 = tpu.memref_slice %arg6[%arg0, %add3A_252, %dma_start3A_291] : memref<2x5120x16xf32, #tpu.memory_space<hbm>> -> memref<1x128x16xf32, #tpu.memory_space<hbm>>
      %dma_start3A_293 = tpu.memref_squeeze %dma_start3A_292 : memref<1x128x16xf32, #tpu.memory_space<hbm>> -> memref<128x16xf32, #tpu.memory_space<hbm>>
      %dma_start3A_294 = arith.constant 0 : i32
      %dma_start3A_295 = arith.constant 0 : i32
      %dma_start3A_296 = tpu.memref_slice %arg12[%dma_start3A_294, %dma_start3A_295] : memref<128x16xf32, #tpu.memory_space<vmem>> -> memref<128x16xf32, #tpu.memory_space<vmem>>
      tpu.enqueue_dma source(%dma_start3A_296 : memref<128x16xf32, #tpu.memory_space<vmem>>) target(%dma_start3A_293 : memref<128x16xf32, #tpu.memory_space<hbm>>) target_semaphore(%run_scoped3A : memref<!tpu.dma_semaphore, #tpu.memory_space<semaphore_mem>>)
      %dma_wait3A_297 = arith.constant 0 : i32
      %dma_wait3A_298 = arith.constant 0 : i32
      %dma_wait3A_299 = tpu.memref_slice %arg12[%dma_wait3A_297, %dma_wait3A_298] : memref<128x16xf32, #tpu.memory_space<vmem>> -> memref<128x16xf32, #tpu.memory_space<vmem>>
      %dma_wait3A_300 = arith.constant 0 : i32
      %dma_wait3A_301 = tpu.memref_slice %arg6[%arg0, %add3A_252, %dma_wait3A_300] : memref<2x5120x16xf32, #tpu.memory_space<hbm>> -> memref<1x128x16xf32, #tpu.memory_space<hbm>>
      %dma_wait3A_302 = tpu.memref_squeeze %dma_wait3A_301 : memref<1x128x16xf32, #tpu.memory_space<hbm>> -> memref<128x16xf32, #tpu.memory_space<hbm>>
      %dma_wait3A_303 = arith.constant 0 : i32
      %dma_wait3A_304 = tpu.memref_slice %arg6[%arg0, %add3A_252, %dma_wait3A_303] : memref<2x5120x16xf32, #tpu.memory_space<hbm>> -> memref<1x128x16xf32, #tpu.memory_space<hbm>>
      %dma_wait3A_305 = tpu.memref_squeeze %dma_wait3A_304 : memref<1x128x16xf32, #tpu.memory_space<hbm>> -> memref<128x16xf32, #tpu.memory_space<hbm>>
      %dma_wait3A_306 = arith.constant 0 : i32
      %dma_wait3A_307 = arith.constant 0 : i32
      %dma_wait3A_308 = tpu.memref_slice %arg12[%dma_wait3A_306, %dma_wait3A_307] : memref<128x16xf32, #tpu.memory_space<vmem>> -> memref<128x16xf32, #tpu.memory_space<vmem>>
      tpu.wait_dma2 semaphore(%run_scoped3A : memref<!tpu.dma_semaphore, #tpu.memory_space<semaphore_mem>>) src(%dma_wait3A_308 : memref<128x16xf32, #tpu.memory_space<vmem>>) dst(%dma_wait3A_305 : memref<128x16xf32, #tpu.memory_space<hbm>>)
      tpu.yield
    }) : () -> ()
    %dma_start3A_253 = arith.constant 1 : i32
    %dma_start3A_254 = arith.constant 0 : i32
    %dma_start3A_255 = tpu.memref_slice %arg9[%dma_start3A_253, %dma_start3A_254] : memref<3x128xi32, #tpu.memory_space<vmem>> -> memref<1x128xi32, #tpu.memory_space<vmem>>
    %dma_start3A_256 = tpu.memref_squeeze %dma_start3A_255 : memref<1x128xi32, #tpu.memory_space<vmem>> -> memref<128xi32, #tpu.memory_space<vmem>>
    %dma_start3A_257 = arith.constant 0 : i32
    %dma_start3A_258 = arith.constant 0 : i32
    %dma_start3A_259 = tpu.memref_slice %arg14[%dma_start3A_257, %dma_start3A_258] : memref<10240x16xf32, #tpu.memory_space<vmem_shared>> -> memref<10240x16xf32, #tpu.memory_space<vmem_shared>>
    tpu.enqueue_indirect_dma source(%dma_start3A_259 : memref<10240x16xf32, #tpu.memory_space<vmem_shared>>) target(%arg12 : memref<128x16xf32, #tpu.memory_space<vmem>>) offsets(%dma_start3A_256 : memref<128xi32, #tpu.memory_space<vmem>>) semaphore(%arg15 : memref<!tpu.dma_semaphore, #tpu.memory_space<semaphore_mem>>)
    %dma_wait3A_260 = arith.constant 1 : i32
    %dma_wait3A_261 = arith.constant 0 : i32
    %dma_wait3A_262 = tpu.memref_slice %arg9[%dma_wait3A_260, %dma_wait3A_261] : memref<3x128xi32, #tpu.memory_space<vmem>> -> memref<1x128xi32, #tpu.memory_space<vmem>>
    %dma_wait3A_263 = tpu.memref_squeeze %dma_wait3A_262 : memref<1x128xi32, #tpu.memory_space<vmem>> -> memref<128xi32, #tpu.memory_space<vmem>>
    %dma_wait3A_264 = arith.constant 0 : i32
    %dma_wait3A_265 = arith.constant 0 : i32
    %dma_wait3A_266 = tpu.memref_slice %arg14[%dma_wait3A_264, %dma_wait3A_265] : memref<10240x16xf32, #tpu.memory_space<vmem_shared>> -> memref<10240x16xf32, #tpu.memory_space<vmem_shared>>
    tpu.wait_indirect_dma semaphore(%arg15 : memref<!tpu.dma_semaphore, #tpu.memory_space<semaphore_mem>>) src(%dma_wait3A_266 : memref<10240x16xf32, #tpu.memory_space<vmem_shared>>) dst(%arg12 : memref<128x16xf32, #tpu.memory_space<vmem>>)
    %add3A_267 = arith.constant 128 : i32
    %add3A_268 = arith.addi %mul3A_236, %add3A_267 : i32
    "tpu.region"() ({
      %run_scoped3A = tpu.sem_alloc : memref<!tpu.dma_semaphore, #tpu.memory_space<semaphore_mem>>
      %dma_start3A_285 = arith.constant 0 : i32
      %dma_start3A_286 = arith.constant 0 : i32
      %dma_start3A_287 = tpu.memref_slice %arg12[%dma_start3A_285, %dma_start3A_286] : memref<128x16xf32, #tpu.memory_space<vmem>> -> memref<128x16xf32, #tpu.memory_space<vmem>>
      %dma_start3A_288 = arith.constant 0 : i32
      %dma_start3A_289 = tpu.memref_slice %arg6[%arg0, %add3A_268, %dma_start3A_288] : memref<2x5120x16xf32, #tpu.memory_space<hbm>> -> memref<1x128x16xf32, #tpu.memory_space<hbm>>
      %dma_start3A_290 = tpu.memref_squeeze %dma_start3A_289 : memref<1x128x16xf32, #tpu.memory_space<hbm>> -> memref<128x16xf32, #tpu.memory_space<hbm>>
      %dma_start3A_291 = arith.constant 0 : i32
      %dma_start3A_292 = tpu.memref_slice %arg6[%arg0, %add3A_268, %dma_start3A_291] : memref<2x5120x16xf32, #tpu.memory_space<hbm>> -> memref<1x128x16xf32, #tpu.memory_space<hbm>>
      %dma_start3A_293 = tpu.memref_squeeze %dma_start3A_292 : memref<1x128x16xf32, #tpu.memory_space<hbm>> -> memref<128x16xf32, #tpu.memory_space<hbm>>
      %dma_start3A_294 = arith.constant 0 : i32
      %dma_start3A_295 = arith.constant 0 : i32
      %dma_start3A_296 = tpu.memref_slice %arg12[%dma_start3A_294, %dma_start3A_295] : memref<128x16xf32, #tpu.memory_space<vmem>> -> memref<128x16xf32, #tpu.memory_space<vmem>>
      tpu.enqueue_dma source(%dma_start3A_296 : memref<128x16xf32, #tpu.memory_space<vmem>>) target(%dma_start3A_293 : memref<128x16xf32, #tpu.memory_space<hbm>>) target_semaphore(%run_scoped3A : memref<!tpu.dma_semaphore, #tpu.memory_space<semaphore_mem>>)
      %dma_wait3A_297 = arith.constant 0 : i32
      %dma_wait3A_298 = arith.constant 0 : i32
      %dma_wait3A_299 = tpu.memref_slice %arg12[%dma_wait3A_297, %dma_wait3A_298] : memref<128x16xf32, #tpu.memory_space<vmem>> -> memref<128x16xf32, #tpu.memory_space<vmem>>
      %dma_wait3A_300 = arith.constant 0 : i32
      %dma_wait3A_301 = tpu.memref_slice %arg6[%arg0, %add3A_268, %dma_wait3A_300] : memref<2x5120x16xf32, #tpu.memory_space<hbm>> -> memref<1x128x16xf32, #tpu.memory_space<hbm>>
      %dma_wait3A_302 = tpu.memref_squeeze %dma_wait3A_301 : memref<1x128x16xf32, #tpu.memory_space<hbm>> -> memref<128x16xf32, #tpu.memory_space<hbm>>
      %dma_wait3A_303 = arith.constant 0 : i32
      %dma_wait3A_304 = tpu.memref_slice %arg6[%arg0, %add3A_268, %dma_wait3A_303] : memref<2x5120x16xf32, #tpu.memory_space<hbm>> -> memref<1x128x16xf32, #tpu.memory_space<hbm>>
      %dma_wait3A_305 = tpu.memref_squeeze %dma_wait3A_304 : memref<1x128x16xf32, #tpu.memory_space<hbm>> -> memref<128x16xf32, #tpu.memory_space<hbm>>
      %dma_wait3A_306 = arith.constant 0 : i32
      %dma_wait3A_307 = arith.constant 0 : i32
      %dma_wait3A_308 = tpu.memref_slice %arg12[%dma_wait3A_306, %dma_wait3A_307] : memref<128x16xf32, #tpu.memory_space<vmem>> -> memref<128x16xf32, #tpu.memory_space<vmem>>
      tpu.wait_dma2 semaphore(%run_scoped3A : memref<!tpu.dma_semaphore, #tpu.memory_space<semaphore_mem>>) src(%dma_wait3A_308 : memref<128x16xf32, #tpu.memory_space<vmem>>) dst(%dma_wait3A_305 : memref<128x16xf32, #tpu.memory_space<hbm>>)
      tpu.yield
    }) : () -> ()
    %dma_start3A_269 = arith.constant 2 : i32
    %dma_start3A_270 = arith.constant 0 : i32
    %dma_start3A_271 = tpu.memref_slice %arg9[%dma_start3A_269, %dma_start3A_270] : memref<3x128xi32, #tpu.memory_space<vmem>> -> memref<1x128xi32, #tpu.memory_space<vmem>>
    %dma_start3A_272 = tpu.memref_squeeze %dma_start3A_271 : memref<1x128xi32, #tpu.memory_space<vmem>> -> memref<128xi32, #tpu.memory_space<vmem>>
    %dma_start3A_273 = arith.constant 0 : i32
    %dma_start3A_274 = arith.constant 0 : i32
    %dma_start3A_275 = tpu.memref_slice %arg14[%dma_start3A_273, %dma_start3A_274] : memref<10240x16xf32, #tpu.memory_space<vmem_shared>> -> memref<10240x16xf32, #tpu.memory_space<vmem_shared>>
    tpu.enqueue_indirect_dma source(%dma_start3A_275 : memref<10240x16xf32, #tpu.memory_space<vmem_shared>>) target(%arg12 : memref<128x16xf32, #tpu.memory_space<vmem>>) offsets(%dma_start3A_272 : memref<128xi32, #tpu.memory_space<vmem>>) semaphore(%arg15 : memref<!tpu.dma_semaphore, #tpu.memory_space<semaphore_mem>>)
    %dma_wait3A_276 = arith.constant 2 : i32
    %dma_wait3A_277 = arith.constant 0 : i32
    %dma_wait3A_278 = tpu.memref_slice %arg9[%dma_wait3A_276, %dma_wait3A_277] : memref<3x128xi32, #tpu.memory_space<vmem>> -> memref<1x128xi32, #tpu.memory_space<vmem>>
    %dma_wait3A_279 = tpu.memref_squeeze %dma_wait3A_278 : memref<1x128xi32, #tpu.memory_space<vmem>> -> memref<128xi32, #tpu.memory_space<vmem>>
    %dma_wait3A_280 = arith.constant 0 : i32
    %dma_wait3A_281 = arith.constant 0 : i32
    %dma_wait3A_282 = tpu.memref_slice %arg14[%dma_wait3A_280, %dma_wait3A_281] : memref<10240x16xf32, #tpu.memory_space<vmem_shared>> -> memref<10240x16xf32, #tpu.memory_space<vmem_shared>>
    tpu.wait_indirect_dma semaphore(%arg15 : memref<!tpu.dma_semaphore, #tpu.memory_space<semaphore_mem>>) src(%dma_wait3A_282 : memref<10240x16xf32, #tpu.memory_space<vmem_shared>>) dst(%arg12 : memref<128x16xf32, #tpu.memory_space<vmem>>)
    %add3A_283 = arith.constant 256 : i32
    %add3A_284 = arith.addi %mul3A_236, %add3A_283 : i32
    "tpu.region"() ({
      %run_scoped3A = tpu.sem_alloc : memref<!tpu.dma_semaphore, #tpu.memory_space<semaphore_mem>>
      %dma_start3A_285 = arith.constant 0 : i32
      %dma_start3A_286 = arith.constant 0 : i32
      %dma_start3A_287 = tpu.memref_slice %arg12[%dma_start3A_285, %dma_start3A_286] : memref<128x16xf32, #tpu.memory_space<vmem>> -> memref<64x16xf32, #tpu.memory_space<vmem>>
      %dma_start3A_288 = arith.constant 0 : i32
      %dma_start3A_289 = tpu.memref_slice %arg6[%arg0, %add3A_284, %dma_start3A_288] : memref<2x5120x16xf32, #tpu.memory_space<hbm>> -> memref<1x64x16xf32, #tpu.memory_space<hbm>>
      %dma_start3A_290 = tpu.memref_squeeze %dma_start3A_289 : memref<1x64x16xf32, #tpu.memory_space<hbm>> -> memref<64x16xf32, #tpu.memory_space<hbm>>
      %dma_start3A_291 = arith.constant 0 : i32
      %dma_start3A_292 = tpu.memref_slice %arg6[%arg0, %add3A_284, %dma_start3A_291] : memref<2x5120x16xf32, #tpu.memory_space<hbm>> -> memref<1x64x16xf32, #tpu.memory_space<hbm>>
      %dma_start3A_293 = tpu.memref_squeeze %dma_start3A_292 : memref<1x64x16xf32, #tpu.memory_space<hbm>> -> memref<64x16xf32, #tpu.memory_space<hbm>>
      %dma_start3A_294 = arith.constant 0 : i32
      %dma_start3A_295 = arith.constant 0 : i32
      %dma_start3A_296 = tpu.memref_slice %arg12[%dma_start3A_294, %dma_start3A_295] : memref<128x16xf32, #tpu.memory_space<vmem>> -> memref<64x16xf32, #tpu.memory_space<vmem>>
      tpu.enqueue_dma source(%dma_start3A_296 : memref<64x16xf32, #tpu.memory_space<vmem>>) target(%dma_start3A_293 : memref<64x16xf32, #tpu.memory_space<hbm>>) target_semaphore(%run_scoped3A : memref<!tpu.dma_semaphore, #tpu.memory_space<semaphore_mem>>)
      %dma_wait3A_297 = arith.constant 0 : i32
      %dma_wait3A_298 = arith.constant 0 : i32
      %dma_wait3A_299 = tpu.memref_slice %arg12[%dma_wait3A_297, %dma_wait3A_298] : memref<128x16xf32, #tpu.memory_space<vmem>> -> memref<64x16xf32, #tpu.memory_space<vmem>>
      %dma_wait3A_300 = arith.constant 0 : i32
      %dma_wait3A_301 = tpu.memref_slice %arg6[%arg0, %add3A_284, %dma_wait3A_300] : memref<2x5120x16xf32, #tpu.memory_space<hbm>> -> memref<1x64x16xf32, #tpu.memory_space<hbm>>
      %dma_wait3A_302 = tpu.memref_squeeze %dma_wait3A_301 : memref<1x64x16xf32, #tpu.memory_space<hbm>> -> memref<64x16xf32, #tpu.memory_space<hbm>>
      %dma_wait3A_303 = arith.constant 0 : i32
      %dma_wait3A_304 = tpu.memref_slice %arg6[%arg0, %add3A_284, %dma_wait3A_303] : memref<2x5120x16xf32, #tpu.memory_space<hbm>> -> memref<1x64x16xf32, #tpu.memory_space<hbm>>
      %dma_wait3A_305 = tpu.memref_squeeze %dma_wait3A_304 : memref<1x64x16xf32, #tpu.memory_space<hbm>> -> memref<64x16xf32, #tpu.memory_space<hbm>>
      %dma_wait3A_306 = arith.constant 0 : i32
      %dma_wait3A_307 = arith.constant 0 : i32
      %dma_wait3A_308 = tpu.memref_slice %arg12[%dma_wait3A_306, %dma_wait3A_307] : memref<128x16xf32, #tpu.memory_space<vmem>> -> memref<64x16xf32, #tpu.memory_space<vmem>>
      tpu.wait_dma2 semaphore(%run_scoped3A : memref<!tpu.dma_semaphore, #tpu.memory_space<semaphore_mem>>) src(%dma_wait3A_308 : memref<64x16xf32, #tpu.memory_space<vmem>>) dst(%dma_wait3A_305 : memref<64x16xf32, #tpu.memory_space<hbm>>)
      tpu.yield
    }) : () -> ()
    return
  }
}

#map = affine_map<(d0, d1) -> (0, 0)>
#map1 = affine_map<(d0, d1) -> (0, 0, 0, 0)>
#map2 = affine_map<(d0, d1) -> (0, 0, 0)>
module attributes {stable_mosaic.version = 14 : i64} {
  func.func @_agg_body(%arg0: i32, %arg1: i32, %arg2: memref<10240x16xf32, #tpu.memory_space<hbm>>, %arg3: memref<2x16x160x128xi32, #tpu.memory_space<hbm>>, %arg4: memref<2x16x160x128xi32, #tpu.memory_space<hbm>>, %arg5: memref<32x3x128xi32, #tpu.memory_space<hbm>>, %arg6: memref<2x5120x16xf32, #tpu.memory_space<hbm>>, %arg7: memref<160x128xi32, #tpu.memory_space<vmem>>, %arg8: memref<160x128xi32, #tpu.memory_space<vmem>>, %arg9: memref<3x128xi32, #tpu.memory_space<vmem>>, %arg10: memref<128xi32, #tpu.memory_space<vmem>>, %arg11: memref<128xi32, #tpu.memory_space<vmem>>, %arg12: memref<128x16xf32, #tpu.memory_space<vmem>>, %arg13: memref<128x16xf32, #tpu.memory_space<vmem>>, %arg14: memref<10240x16xf32, #tpu.memory_space<vmem_shared>>, %arg15: memref<!tpu.dma_semaphore, #tpu.memory_space<semaphore_mem>>, %arg16: memref<!tpu.dma_semaphore, #tpu.memory_space<semaphore_mem>>, %arg17: memref<!tpu.dma_semaphore, #tpu.memory_space<semaphore_mem>>, %arg18: memref<!tpu.dma_semaphore, #tpu.memory_space<semaphore_mem>>) attributes {dimension_semantics = [#tpu.dimension_semantics<core_parallel>, #tpu.dimension_semantics<subcore_parallel>], iteration_bounds = array<i64: 2, 16>, scalar_prefetch = 0 : i64, scratch_operands = 12 : i64, tpu.core_type = #tpu.core_type<sc_vector_subcore>, window_params = [{transform_indices = #map}, {transform_indices = #map1}, {transform_indices = #map1}, {transform_indices = #map2}, {transform_indices = #map2}]} {
    %mul3A = arith.constant 16 : i32
    %mul3A_0 = arith.muli %arg0, %mul3A : i32
    %add3A = arith.addi %mul3A_0, %arg1 : i32
    "tpu.region"() ({
      %run_scoped3A = tpu.sem_alloc : memref<!tpu.dma_semaphore, #tpu.memory_space<semaphore_mem>>
      %dma_start3A_285 = arith.constant 0 : i32
      %dma_start3A_286 = arith.constant 0 : i32
      %dma_start3A_287 = tpu.memref_slice %arg5[%add3A, %dma_start3A_285, %dma_start3A_286] : memref<32x3x128xi32, #tpu.memory_space<hbm>> -> memref<1x3x128xi32, #tpu.memory_space<hbm>>
      %dma_start3A_288 = tpu.memref_squeeze %dma_start3A_287 : memref<1x3x128xi32, #tpu.memory_space<hbm>> -> memref<3x128xi32, #tpu.memory_space<hbm>>
      %dma_start3A_289 = arith.constant 0 : i32
      %dma_start3A_290 = arith.constant 0 : i32
      %dma_start3A_291 = tpu.memref_slice %arg5[%add3A, %dma_start3A_289, %dma_start3A_290] : memref<32x3x128xi32, #tpu.memory_space<hbm>> -> memref<1x3x128xi32, #tpu.memory_space<hbm>>
      %dma_start3A_292 = tpu.memref_squeeze %dma_start3A_291 : memref<1x3x128xi32, #tpu.memory_space<hbm>> -> memref<3x128xi32, #tpu.memory_space<hbm>>
      tpu.enqueue_dma source(%dma_start3A_292 : memref<3x128xi32, #tpu.memory_space<hbm>>) target(%arg9 : memref<3x128xi32, #tpu.memory_space<vmem>>) target_semaphore(%run_scoped3A : memref<!tpu.dma_semaphore, #tpu.memory_space<semaphore_mem>>)
      %dma_wait3A_293 = arith.constant 0 : i32
      %dma_wait3A_294 = arith.constant 0 : i32
      %dma_wait3A_295 = tpu.memref_slice %arg5[%add3A, %dma_wait3A_293, %dma_wait3A_294] : memref<32x3x128xi32, #tpu.memory_space<hbm>> -> memref<1x3x128xi32, #tpu.memory_space<hbm>>
      %dma_wait3A_296 = tpu.memref_squeeze %dma_wait3A_295 : memref<1x3x128xi32, #tpu.memory_space<hbm>> -> memref<3x128xi32, #tpu.memory_space<hbm>>
      %dma_wait3A_297 = arith.constant 0 : i32
      %dma_wait3A_298 = arith.constant 0 : i32
      %dma_wait3A_299 = tpu.memref_slice %arg5[%add3A, %dma_wait3A_297, %dma_wait3A_298] : memref<32x3x128xi32, #tpu.memory_space<hbm>> -> memref<1x3x128xi32, #tpu.memory_space<hbm>>
      %dma_wait3A_300 = tpu.memref_squeeze %dma_wait3A_299 : memref<1x3x128xi32, #tpu.memory_space<hbm>> -> memref<3x128xi32, #tpu.memory_space<hbm>>
      tpu.wait_dma2 semaphore(%run_scoped3A : memref<!tpu.dma_semaphore, #tpu.memory_space<semaphore_mem>>) src(%dma_wait3A_300 : memref<3x128xi32, #tpu.memory_space<hbm>>) dst(%arg9 : memref<3x128xi32, #tpu.memory_space<vmem>>)
      tpu.yield
    }) : () -> ()
    "tpu.region"() ({
      %run_scoped3A = tpu.sem_alloc : memref<!tpu.dma_semaphore, #tpu.memory_space<semaphore_mem>>
      %dma_start3A_285 = arith.constant 0 : i32
      %dma_start3A_286 = arith.constant 0 : i32
      %dma_start3A_287 = tpu.memref_slice %arg3[%arg0, %arg1, %dma_start3A_285, %dma_start3A_286] : memref<2x16x160x128xi32, #tpu.memory_space<hbm>> -> memref<1x1x160x128xi32, #tpu.memory_space<hbm>>
      %dma_start3A_288 = tpu.memref_squeeze %dma_start3A_287 : memref<1x1x160x128xi32, #tpu.memory_space<hbm>> -> memref<160x128xi32, #tpu.memory_space<hbm>>
      %dma_start3A_289 = arith.constant 0 : i32
      %dma_start3A_290 = arith.constant 0 : i32
      %dma_start3A_291 = tpu.memref_slice %arg3[%arg0, %arg1, %dma_start3A_289, %dma_start3A_290] : memref<2x16x160x128xi32, #tpu.memory_space<hbm>> -> memref<1x1x160x128xi32, #tpu.memory_space<hbm>>
      %dma_start3A_292 = tpu.memref_squeeze %dma_start3A_291 : memref<1x1x160x128xi32, #tpu.memory_space<hbm>> -> memref<160x128xi32, #tpu.memory_space<hbm>>
      tpu.enqueue_dma source(%dma_start3A_292 : memref<160x128xi32, #tpu.memory_space<hbm>>) target(%arg7 : memref<160x128xi32, #tpu.memory_space<vmem>>) target_semaphore(%run_scoped3A : memref<!tpu.dma_semaphore, #tpu.memory_space<semaphore_mem>>)
      %dma_wait3A_293 = arith.constant 0 : i32
      %dma_wait3A_294 = arith.constant 0 : i32
      %dma_wait3A_295 = tpu.memref_slice %arg3[%arg0, %arg1, %dma_wait3A_293, %dma_wait3A_294] : memref<2x16x160x128xi32, #tpu.memory_space<hbm>> -> memref<1x1x160x128xi32, #tpu.memory_space<hbm>>
      %dma_wait3A_296 = tpu.memref_squeeze %dma_wait3A_295 : memref<1x1x160x128xi32, #tpu.memory_space<hbm>> -> memref<160x128xi32, #tpu.memory_space<hbm>>
      %dma_wait3A_297 = arith.constant 0 : i32
      %dma_wait3A_298 = arith.constant 0 : i32
      %dma_wait3A_299 = tpu.memref_slice %arg3[%arg0, %arg1, %dma_wait3A_297, %dma_wait3A_298] : memref<2x16x160x128xi32, #tpu.memory_space<hbm>> -> memref<1x1x160x128xi32, #tpu.memory_space<hbm>>
      %dma_wait3A_300 = tpu.memref_squeeze %dma_wait3A_299 : memref<1x1x160x128xi32, #tpu.memory_space<hbm>> -> memref<160x128xi32, #tpu.memory_space<hbm>>
      tpu.wait_dma2 semaphore(%run_scoped3A : memref<!tpu.dma_semaphore, #tpu.memory_space<semaphore_mem>>) src(%dma_wait3A_300 : memref<160x128xi32, #tpu.memory_space<hbm>>) dst(%arg7 : memref<160x128xi32, #tpu.memory_space<vmem>>)
      tpu.yield
    }) : () -> ()
    "tpu.region"() ({
      %run_scoped3A = tpu.sem_alloc : memref<!tpu.dma_semaphore, #tpu.memory_space<semaphore_mem>>
      %dma_start3A_285 = arith.constant 0 : i32
      %dma_start3A_286 = arith.constant 0 : i32
      %dma_start3A_287 = tpu.memref_slice %arg4[%arg0, %arg1, %dma_start3A_285, %dma_start3A_286] : memref<2x16x160x128xi32, #tpu.memory_space<hbm>> -> memref<1x1x160x128xi32, #tpu.memory_space<hbm>>
      %dma_start3A_288 = tpu.memref_squeeze %dma_start3A_287 : memref<1x1x160x128xi32, #tpu.memory_space<hbm>> -> memref<160x128xi32, #tpu.memory_space<hbm>>
      %dma_start3A_289 = arith.constant 0 : i32
      %dma_start3A_290 = arith.constant 0 : i32
      %dma_start3A_291 = tpu.memref_slice %arg4[%arg0, %arg1, %dma_start3A_289, %dma_start3A_290] : memref<2x16x160x128xi32, #tpu.memory_space<hbm>> -> memref<1x1x160x128xi32, #tpu.memory_space<hbm>>
      %dma_start3A_292 = tpu.memref_squeeze %dma_start3A_291 : memref<1x1x160x128xi32, #tpu.memory_space<hbm>> -> memref<160x128xi32, #tpu.memory_space<hbm>>
      tpu.enqueue_dma source(%dma_start3A_292 : memref<160x128xi32, #tpu.memory_space<hbm>>) target(%arg8 : memref<160x128xi32, #tpu.memory_space<vmem>>) target_semaphore(%run_scoped3A : memref<!tpu.dma_semaphore, #tpu.memory_space<semaphore_mem>>)
      %dma_wait3A_293 = arith.constant 0 : i32
      %dma_wait3A_294 = arith.constant 0 : i32
      %dma_wait3A_295 = tpu.memref_slice %arg4[%arg0, %arg1, %dma_wait3A_293, %dma_wait3A_294] : memref<2x16x160x128xi32, #tpu.memory_space<hbm>> -> memref<1x1x160x128xi32, #tpu.memory_space<hbm>>
      %dma_wait3A_296 = tpu.memref_squeeze %dma_wait3A_295 : memref<1x1x160x128xi32, #tpu.memory_space<hbm>> -> memref<160x128xi32, #tpu.memory_space<hbm>>
      %dma_wait3A_297 = arith.constant 0 : i32
      %dma_wait3A_298 = arith.constant 0 : i32
      %dma_wait3A_299 = tpu.memref_slice %arg4[%arg0, %arg1, %dma_wait3A_297, %dma_wait3A_298] : memref<2x16x160x128xi32, #tpu.memory_space<hbm>> -> memref<1x1x160x128xi32, #tpu.memory_space<hbm>>
      %dma_wait3A_300 = tpu.memref_squeeze %dma_wait3A_299 : memref<1x1x160x128xi32, #tpu.memory_space<hbm>> -> memref<160x128xi32, #tpu.memory_space<hbm>>
      tpu.wait_dma2 semaphore(%run_scoped3A : memref<!tpu.dma_semaphore, #tpu.memory_space<semaphore_mem>>) src(%dma_wait3A_300 : memref<160x128xi32, #tpu.memory_space<hbm>>) dst(%arg8 : memref<160x128xi32, #tpu.memory_space<vmem>>)
      tpu.yield
    }) : () -> ()
    %scan3A = arith.constant 0 : i32
    %scan3A_1 = arith.constant 0 : i32
    %scan3A_2 = arith.constant 128 : i32
    %scan3A_3 = arith.addi %scan3A_1, %scan3A_2 : i32
    %scan3A_4 = arith.constant 1 : i32
    scf.for %scan3A_285 = %scan3A_1 to %scan3A_3 step %scan3A_4  : i32 {
      %broadcast_in_dim3A = arith.constant 0.000000e+00 : f32
      %broadcast_in_dim3A_286 = vector.broadcast %broadcast_in_dim3A : f32 to vector<16xf32>
      %swap3A_287 = arith.index_cast %scan3A_285 : i32 to index
      %swap3A_288 = arith.constant 0 : index
      %swap3A_289 = tpu.vector_load %arg12[%swap3A_287, %swap3A_288] {strides = array<i32>} : memref<128x16xf32, #tpu.memory_space<vmem>>, vector<1x16xf32>,
      %swap3A_290 = vector.shape_cast %swap3A_289 : vector<1x16xf32> to vector<16xf32>
      %swap3A_291 = vector.shape_cast %broadcast_in_dim3A_286 : vector<16xf32> to vector<1x16xf32>
      tpu.vector_store %arg12[%swap3A_287, %swap3A_288], %swap3A_291 {strides = array<i32>} : memref<128x16xf32, #tpu.memory_space<vmem>>, vector<1x16xf32>,
    }
    %scan3A_5 = arith.constant 128 : i32
    %get3A = arith.constant 0 : i32
    %get3A_6 = arith.index_cast %get3A : i32 to index
    %get3A_7 = arith.constant 0 : index
    %get3A_8 = tpu.vector_load %arg9[%get3A_6, %get3A_7] {strides = array<i32>} : memref<3x128xi32, #tpu.memory_space<vmem>>, vector<1x16xi32>,
    %get3A_9 = vector.shape_cast %get3A_8 : vector<1x16xi32> to vector<16xi32>
    %swap3A = arith.constant 0 : index
    %swap3A_10 = tpu.vector_load %arg10[%swap3A] {strides = array<i32>} : memref<128xi32, #tpu.memory_space<vmem>>, vector<16xi32>,
    %swap3A_11 = vector.shape_cast %swap3A_10 : vector<16xi32> to vector<16xi32>
    %swap3A_12 = vector.shape_cast %get3A_9 : vector<16xi32> to vector<16xi32>
    tpu.vector_store %arg10[%swap3A], %swap3A_12 {strides = array<i32>} : memref<128xi32, #tpu.memory_space<vmem>>, vector<16xi32>,
    %get3A_13 = arith.constant 0 : i32
    %get3A_14 = arith.index_cast %get3A_13 : i32 to index
    %get3A_15 = arith.constant 16 : index
    %get3A_16 = tpu.vector_load %arg9[%get3A_14, %get3A_15] {strides = array<i32>} : memref<3x128xi32, #tpu.memory_space<vmem>>, vector<1x16xi32>,
    %get3A_17 = vector.shape_cast %get3A_16 : vector<1x16xi32> to vector<16xi32>
    %swap3A_18 = arith.constant 16 : index
    %swap3A_19 = tpu.vector_load %arg10[%swap3A_18] {strides = array<i32>} : memref<128xi32, #tpu.memory_space<vmem>>, vector<16xi32>,
    %swap3A_20 = vector.shape_cast %swap3A_19 : vector<16xi32> to vector<16xi32>
    %swap3A_21 = vector.shape_cast %get3A_17 : vector<16xi32> to vector<16xi32>
    tpu.vector_store %arg10[%swap3A_18], %swap3A_21 {strides = array<i32>} : memref<128xi32, #tpu.memory_space<vmem>>, vector<16xi32>,
    %get3A_22 = arith.constant 0 : i32
    %get3A_23 = arith.index_cast %get3A_22 : i32 to index
    %get3A_24 = arith.constant 32 : index
    %get3A_25 = tpu.vector_load %arg9[%get3A_23, %get3A_24] {strides = array<i32>} : memref<3x128xi32, #tpu.memory_space<vmem>>, vector<1x16xi32>,
    %get3A_26 = vector.shape_cast %get3A_25 : vector<1x16xi32> to vector<16xi32>
    %swap3A_27 = arith.constant 32 : index
    %swap3A_28 = tpu.vector_load %arg10[%swap3A_27] {strides = array<i32>} : memref<128xi32, #tpu.memory_space<vmem>>, vector<16xi32>,
    %swap3A_29 = vector.shape_cast %swap3A_28 : vector<16xi32> to vector<16xi32>
    %swap3A_30 = vector.shape_cast %get3A_26 : vector<16xi32> to vector<16xi32>
    tpu.vector_store %arg10[%swap3A_27], %swap3A_30 {strides = array<i32>} : memref<128xi32, #tpu.memory_space<vmem>>, vector<16xi32>,
    %get3A_31 = arith.constant 0 : i32
    %get3A_32 = arith.index_cast %get3A_31 : i32 to index
    %get3A_33 = arith.constant 48 : index
    %get3A_34 = tpu.vector_load %arg9[%get3A_32, %get3A_33] {strides = array<i32>} : memref<3x128xi32, #tpu.memory_space<vmem>>, vector<1x16xi32>,
    %get3A_35 = vector.shape_cast %get3A_34 : vector<1x16xi32> to vector<16xi32>
    %swap3A_36 = arith.constant 48 : index
    %swap3A_37 = tpu.vector_load %arg10[%swap3A_36] {strides = array<i32>} : memref<128xi32, #tpu.memory_space<vmem>>, vector<16xi32>,
    %swap3A_38 = vector.shape_cast %swap3A_37 : vector<16xi32> to vector<16xi32>
    %swap3A_39 = vector.shape_cast %get3A_35 : vector<16xi32> to vector<16xi32>
    tpu.vector_store %arg10[%swap3A_36], %swap3A_39 {strides = array<i32>} : memref<128xi32, #tpu.memory_space<vmem>>, vector<16xi32>,
    %get3A_40 = arith.constant 0 : i32
    %get3A_41 = arith.index_cast %get3A_40 : i32 to index
    %get3A_42 = arith.constant 64 : index
    %get3A_43 = tpu.vector_load %arg9[%get3A_41, %get3A_42] {strides = array<i32>} : memref<3x128xi32, #tpu.memory_space<vmem>>, vector<1x16xi32>,
    %get3A_44 = vector.shape_cast %get3A_43 : vector<1x16xi32> to vector<16xi32>
    %swap3A_45 = arith.constant 64 : index
    %swap3A_46 = tpu.vector_load %arg10[%swap3A_45] {strides = array<i32>} : memref<128xi32, #tpu.memory_space<vmem>>, vector<16xi32>,
    %swap3A_47 = vector.shape_cast %swap3A_46 : vector<16xi32> to vector<16xi32>
    %swap3A_48 = vector.shape_cast %get3A_44 : vector<16xi32> to vector<16xi32>
    tpu.vector_store %arg10[%swap3A_45], %swap3A_48 {strides = array<i32>} : memref<128xi32, #tpu.memory_space<vmem>>, vector<16xi32>,
    %get3A_49 = arith.constant 0 : i32
    %get3A_50 = arith.index_cast %get3A_49 : i32 to index
    %get3A_51 = arith.constant 80 : index
    %get3A_52 = tpu.vector_load %arg9[%get3A_50, %get3A_51] {strides = array<i32>} : memref<3x128xi32, #tpu.memory_space<vmem>>, vector<1x16xi32>,
    %get3A_53 = vector.shape_cast %get3A_52 : vector<1x16xi32> to vector<16xi32>
    %swap3A_54 = arith.constant 80 : index
    %swap3A_55 = tpu.vector_load %arg10[%swap3A_54] {strides = array<i32>} : memref<128xi32, #tpu.memory_space<vmem>>, vector<16xi32>,
    %swap3A_56 = vector.shape_cast %swap3A_55 : vector<16xi32> to vector<16xi32>
    %swap3A_57 = vector.shape_cast %get3A_53 : vector<16xi32> to vector<16xi32>
    tpu.vector_store %arg10[%swap3A_54], %swap3A_57 {strides = array<i32>} : memref<128xi32, #tpu.memory_space<vmem>>, vector<16xi32>,
    %get3A_58 = arith.constant 0 : i32
    %get3A_59 = arith.index_cast %get3A_58 : i32 to index
    %get3A_60 = arith.constant 96 : index
    %get3A_61 = tpu.vector_load %arg9[%get3A_59, %get3A_60] {strides = array<i32>} : memref<3x128xi32, #tpu.memory_space<vmem>>, vector<1x16xi32>,
    %get3A_62 = vector.shape_cast %get3A_61 : vector<1x16xi32> to vector<16xi32>
    %swap3A_63 = arith.constant 96 : index
    %swap3A_64 = tpu.vector_load %arg10[%swap3A_63] {strides = array<i32>} : memref<128xi32, #tpu.memory_space<vmem>>, vector<16xi32>,
    %swap3A_65 = vector.shape_cast %swap3A_64 : vector<16xi32> to vector<16xi32>
    %swap3A_66 = vector.shape_cast %get3A_62 : vector<16xi32> to vector<16xi32>
    tpu.vector_store %arg10[%swap3A_63], %swap3A_66 {strides = array<i32>} : memref<128xi32, #tpu.memory_space<vmem>>, vector<16xi32>,
    %get3A_67 = arith.constant 0 : i32
    %get3A_68 = arith.index_cast %get3A_67 : i32 to index
    %get3A_69 = arith.constant 112 : index
    %get3A_70 = tpu.vector_load %arg9[%get3A_68, %get3A_69] {strides = array<i32>} : memref<3x128xi32, #tpu.memory_space<vmem>>, vector<1x16xi32>,
    %get3A_71 = vector.shape_cast %get3A_70 : vector<1x16xi32> to vector<16xi32>
    %swap3A_72 = arith.constant 112 : index
    %swap3A_73 = tpu.vector_load %arg10[%swap3A_72] {strides = array<i32>} : memref<128xi32, #tpu.memory_space<vmem>>, vector<16xi32>,
    %swap3A_74 = vector.shape_cast %swap3A_73 : vector<16xi32> to vector<16xi32>
    %swap3A_75 = vector.shape_cast %get3A_71 : vector<16xi32> to vector<16xi32>
    tpu.vector_store %arg10[%swap3A_72], %swap3A_75 {strides = array<i32>} : memref<128xi32, #tpu.memory_space<vmem>>, vector<16xi32>,
    "tpu.region"() ({
      %run_scoped3A = tpu.sem_alloc : memref<!tpu.dma_semaphore, #tpu.memory_space<semaphore_mem>>
      %dma_start3A_285 = arith.constant 0 : i32
      %dma_start3A_286 = arith.constant 0 : i32
      %dma_start3A_287 = tpu.memref_slice %arg14[%dma_start3A_285, %dma_start3A_286] : memref<10240x16xf32, #tpu.memory_space<vmem_shared>> -> memref<10240x16xf32, #tpu.memory_space<vmem_shared>>
      tpu.enqueue_indirect_dma source(%arg12 : memref<128x16xf32, #tpu.memory_space<vmem>>) target(%dma_start3A_287 : memref<10240x16xf32, #tpu.memory_space<vmem_shared>>) offsets(%arg10 : memref<128xi32, #tpu.memory_space<vmem>>) semaphore(%run_scoped3A : memref<!tpu.dma_semaphore, #tpu.memory_space<semaphore_mem>>)
      %dma_wait3A_288 = arith.constant 0 : i32
      %dma_wait3A_289 = arith.constant 0 : i32
      %dma_wait3A_290 = tpu.memref_slice %arg14[%dma_wait3A_288, %dma_wait3A_289] : memref<10240x16xf32, #tpu.memory_space<vmem_shared>> -> memref<10240x16xf32, #tpu.memory_space<vmem_shared>>
      tpu.wait_indirect_dma semaphore(%run_scoped3A : memref<!tpu.dma_semaphore, #tpu.memory_space<semaphore_mem>>) src(%arg12 : memref<128x16xf32, #tpu.memory_space<vmem>>) dst(%dma_wait3A_290 : memref<10240x16xf32, #tpu.memory_space<vmem_shared>>)
      tpu.yield
    }) : () -> ()
    %get3A_76 = arith.constant 1 : i32
    %get3A_77 = arith.index_cast %get3A_76 : i32 to index
    %get3A_78 = arith.constant 0 : index
    %get3A_79 = tpu.vector_load %arg9[%get3A_77, %get3A_78] {strides = array<i32>} : memref<3x128xi32, #tpu.memory_space<vmem>>, vector<1x16xi32>,
    %get3A_80 = vector.shape_cast %get3A_79 : vector<1x16xi32> to vector<16xi32>
    %swap3A_81 = arith.constant 0 : index
    %swap3A_82 = tpu.vector_load %arg10[%swap3A_81] {strides = array<i32>} : memref<128xi32, #tpu.memory_space<vmem>>, vector<16xi32>,
    %swap3A_83 = vector.shape_cast %swap3A_82 : vector<16xi32> to vector<16xi32>
    %swap3A_84 = vector.shape_cast %get3A_80 : vector<16xi32> to vector<16xi32>
    tpu.vector_store %arg10[%swap3A_81], %swap3A_84 {strides = array<i32>} : memref<128xi32, #tpu.memory_space<vmem>>, vector<16xi32>,
    %get3A_85 = arith.constant 1 : i32
    %get3A_86 = arith.index_cast %get3A_85 : i32 to index
    %get3A_87 = arith.constant 16 : index
    %get3A_88 = tpu.vector_load %arg9[%get3A_86, %get3A_87] {strides = array<i32>} : memref<3x128xi32, #tpu.memory_space<vmem>>, vector<1x16xi32>,
    %get3A_89 = vector.shape_cast %get3A_88 : vector<1x16xi32> to vector<16xi32>
    %swap3A_90 = arith.constant 16 : index
    %swap3A_91 = tpu.vector_load %arg10[%swap3A_90] {strides = array<i32>} : memref<128xi32, #tpu.memory_space<vmem>>, vector<16xi32>,
    %swap3A_92 = vector.shape_cast %swap3A_91 : vector<16xi32> to vector<16xi32>
    %swap3A_93 = vector.shape_cast %get3A_89 : vector<16xi32> to vector<16xi32>
    tpu.vector_store %arg10[%swap3A_90], %swap3A_93 {strides = array<i32>} : memref<128xi32, #tpu.memory_space<vmem>>, vector<16xi32>,
    %get3A_94 = arith.constant 1 : i32
    %get3A_95 = arith.index_cast %get3A_94 : i32 to index
    %get3A_96 = arith.constant 32 : index
    %get3A_97 = tpu.vector_load %arg9[%get3A_95, %get3A_96] {strides = array<i32>} : memref<3x128xi32, #tpu.memory_space<vmem>>, vector<1x16xi32>,
    %get3A_98 = vector.shape_cast %get3A_97 : vector<1x16xi32> to vector<16xi32>
    %swap3A_99 = arith.constant 32 : index
    %swap3A_100 = tpu.vector_load %arg10[%swap3A_99] {strides = array<i32>} : memref<128xi32, #tpu.memory_space<vmem>>, vector<16xi32>,
    %swap3A_101 = vector.shape_cast %swap3A_100 : vector<16xi32> to vector<16xi32>
    %swap3A_102 = vector.shape_cast %get3A_98 : vector<16xi32> to vector<16xi32>
    tpu.vector_store %arg10[%swap3A_99], %swap3A_102 {strides = array<i32>} : memref<128xi32, #tpu.memory_space<vmem>>, vector<16xi32>,
    %get3A_103 = arith.constant 1 : i32
    %get3A_104 = arith.index_cast %get3A_103 : i32 to index
    %get3A_105 = arith.constant 48 : index
    %get3A_106 = tpu.vector_load %arg9[%get3A_104, %get3A_105] {strides = array<i32>} : memref<3x128xi32, #tpu.memory_space<vmem>>, vector<1x16xi32>,
    %get3A_107 = vector.shape_cast %get3A_106 : vector<1x16xi32> to vector<16xi32>
    %swap3A_108 = arith.constant 48 : index
    %swap3A_109 = tpu.vector_load %arg10[%swap3A_108] {strides = array<i32>} : memref<128xi32, #tpu.memory_space<vmem>>, vector<16xi32>,
    %swap3A_110 = vector.shape_cast %swap3A_109 : vector<16xi32> to vector<16xi32>
    %swap3A_111 = vector.shape_cast %get3A_107 : vector<16xi32> to vector<16xi32>
    tpu.vector_store %arg10[%swap3A_108], %swap3A_111 {strides = array<i32>} : memref<128xi32, #tpu.memory_space<vmem>>, vector<16xi32>,
    %get3A_112 = arith.constant 1 : i32
    %get3A_113 = arith.index_cast %get3A_112 : i32 to index
    %get3A_114 = arith.constant 64 : index
    %get3A_115 = tpu.vector_load %arg9[%get3A_113, %get3A_114] {strides = array<i32>} : memref<3x128xi32, #tpu.memory_space<vmem>>, vector<1x16xi32>,
    %get3A_116 = vector.shape_cast %get3A_115 : vector<1x16xi32> to vector<16xi32>
    %swap3A_117 = arith.constant 64 : index
    %swap3A_118 = tpu.vector_load %arg10[%swap3A_117] {strides = array<i32>} : memref<128xi32, #tpu.memory_space<vmem>>, vector<16xi32>,
    %swap3A_119 = vector.shape_cast %swap3A_118 : vector<16xi32> to vector<16xi32>
    %swap3A_120 = vector.shape_cast %get3A_116 : vector<16xi32> to vector<16xi32>
    tpu.vector_store %arg10[%swap3A_117], %swap3A_120 {strides = array<i32>} : memref<128xi32, #tpu.memory_space<vmem>>, vector<16xi32>,
    %get3A_121 = arith.constant 1 : i32
    %get3A_122 = arith.index_cast %get3A_121 : i32 to index
    %get3A_123 = arith.constant 80 : index
    %get3A_124 = tpu.vector_load %arg9[%get3A_122, %get3A_123] {strides = array<i32>} : memref<3x128xi32, #tpu.memory_space<vmem>>, vector<1x16xi32>,
    %get3A_125 = vector.shape_cast %get3A_124 : vector<1x16xi32> to vector<16xi32>
    %swap3A_126 = arith.constant 80 : index
    %swap3A_127 = tpu.vector_load %arg10[%swap3A_126] {strides = array<i32>} : memref<128xi32, #tpu.memory_space<vmem>>, vector<16xi32>,
    %swap3A_128 = vector.shape_cast %swap3A_127 : vector<16xi32> to vector<16xi32>
    %swap3A_129 = vector.shape_cast %get3A_125 : vector<16xi32> to vector<16xi32>
    tpu.vector_store %arg10[%swap3A_126], %swap3A_129 {strides = array<i32>} : memref<128xi32, #tpu.memory_space<vmem>>, vector<16xi32>,
    %get3A_130 = arith.constant 1 : i32
    %get3A_131 = arith.index_cast %get3A_130 : i32 to index
    %get3A_132 = arith.constant 96 : index
    %get3A_133 = tpu.vector_load %arg9[%get3A_131, %get3A_132] {strides = array<i32>} : memref<3x128xi32, #tpu.memory_space<vmem>>, vector<1x16xi32>,
    %get3A_134 = vector.shape_cast %get3A_133 : vector<1x16xi32> to vector<16xi32>
    %swap3A_135 = arith.constant 96 : index
    %swap3A_136 = tpu.vector_load %arg10[%swap3A_135] {strides = array<i32>} : memref<128xi32, #tpu.memory_space<vmem>>, vector<16xi32>,
    %swap3A_137 = vector.shape_cast %swap3A_136 : vector<16xi32> to vector<16xi32>
    %swap3A_138 = vector.shape_cast %get3A_134 : vector<16xi32> to vector<16xi32>
    tpu.vector_store %arg10[%swap3A_135], %swap3A_138 {strides = array<i32>} : memref<128xi32, #tpu.memory_space<vmem>>, vector<16xi32>,
    %get3A_139 = arith.constant 1 : i32
    %get3A_140 = arith.index_cast %get3A_139 : i32 to index
    %get3A_141 = arith.constant 112 : index
    %get3A_142 = tpu.vector_load %arg9[%get3A_140, %get3A_141] {strides = array<i32>} : memref<3x128xi32, #tpu.memory_space<vmem>>, vector<1x16xi32>,
    %get3A_143 = vector.shape_cast %get3A_142 : vector<1x16xi32> to vector<16xi32>
    %swap3A_144 = arith.constant 112 : index
    %swap3A_145 = tpu.vector_load %arg10[%swap3A_144] {strides = array<i32>} : memref<128xi32, #tpu.memory_space<vmem>>, vector<16xi32>,
    %swap3A_146 = vector.shape_cast %swap3A_145 : vector<16xi32> to vector<16xi32>
    %swap3A_147 = vector.shape_cast %get3A_143 : vector<16xi32> to vector<16xi32>
    tpu.vector_store %arg10[%swap3A_144], %swap3A_147 {strides = array<i32>} : memref<128xi32, #tpu.memory_space<vmem>>, vector<16xi32>,
    "tpu.region"() ({
      %run_scoped3A = tpu.sem_alloc : memref<!tpu.dma_semaphore, #tpu.memory_space<semaphore_mem>>
      %dma_start3A_285 = arith.constant 0 : i32
      %dma_start3A_286 = arith.constant 0 : i32
      %dma_start3A_287 = tpu.memref_slice %arg14[%dma_start3A_285, %dma_start3A_286] : memref<10240x16xf32, #tpu.memory_space<vmem_shared>> -> memref<10240x16xf32, #tpu.memory_space<vmem_shared>>
      tpu.enqueue_indirect_dma source(%arg12 : memref<128x16xf32, #tpu.memory_space<vmem>>) target(%dma_start3A_287 : memref<10240x16xf32, #tpu.memory_space<vmem_shared>>) offsets(%arg10 : memref<128xi32, #tpu.memory_space<vmem>>) semaphore(%run_scoped3A : memref<!tpu.dma_semaphore, #tpu.memory_space<semaphore_mem>>)
      %dma_wait3A_288 = arith.constant 0 : i32
      %dma_wait3A_289 = arith.constant 0 : i32
      %dma_wait3A_290 = tpu.memref_slice %arg14[%dma_wait3A_288, %dma_wait3A_289] : memref<10240x16xf32, #tpu.memory_space<vmem_shared>> -> memref<10240x16xf32, #tpu.memory_space<vmem_shared>>
      tpu.wait_indirect_dma semaphore(%run_scoped3A : memref<!tpu.dma_semaphore, #tpu.memory_space<semaphore_mem>>) src(%arg12 : memref<128x16xf32, #tpu.memory_space<vmem>>) dst(%dma_wait3A_290 : memref<10240x16xf32, #tpu.memory_space<vmem_shared>>)
      tpu.yield
    }) : () -> ()
    %get3A_148 = arith.constant 2 : i32
    %get3A_149 = arith.index_cast %get3A_148 : i32 to index
    %get3A_150 = arith.constant 0 : index
    %get3A_151 = tpu.vector_load %arg9[%get3A_149, %get3A_150] {strides = array<i32>} : memref<3x128xi32, #tpu.memory_space<vmem>>, vector<1x16xi32>,
    %get3A_152 = vector.shape_cast %get3A_151 : vector<1x16xi32> to vector<16xi32>
    %swap3A_153 = arith.constant 0 : index
    %swap3A_154 = tpu.vector_load %arg10[%swap3A_153] {strides = array<i32>} : memref<128xi32, #tpu.memory_space<vmem>>, vector<16xi32>,
    %swap3A_155 = vector.shape_cast %swap3A_154 : vector<16xi32> to vector<16xi32>
    %swap3A_156 = vector.shape_cast %get3A_152 : vector<16xi32> to vector<16xi32>
    tpu.vector_store %arg10[%swap3A_153], %swap3A_156 {strides = array<i32>} : memref<128xi32, #tpu.memory_space<vmem>>, vector<16xi32>,
    %get3A_157 = arith.constant 2 : i32
    %get3A_158 = arith.index_cast %get3A_157 : i32 to index
    %get3A_159 = arith.constant 16 : index
    %get3A_160 = tpu.vector_load %arg9[%get3A_158, %get3A_159] {strides = array<i32>} : memref<3x128xi32, #tpu.memory_space<vmem>>, vector<1x16xi32>,
    %get3A_161 = vector.shape_cast %get3A_160 : vector<1x16xi32> to vector<16xi32>
    %swap3A_162 = arith.constant 16 : index
    %swap3A_163 = tpu.vector_load %arg10[%swap3A_162] {strides = array<i32>} : memref<128xi32, #tpu.memory_space<vmem>>, vector<16xi32>,
    %swap3A_164 = vector.shape_cast %swap3A_163 : vector<16xi32> to vector<16xi32>
    %swap3A_165 = vector.shape_cast %get3A_161 : vector<16xi32> to vector<16xi32>
    tpu.vector_store %arg10[%swap3A_162], %swap3A_165 {strides = array<i32>} : memref<128xi32, #tpu.memory_space<vmem>>, vector<16xi32>,
    %get3A_166 = arith.constant 2 : i32
    %get3A_167 = arith.index_cast %get3A_166 : i32 to index
    %get3A_168 = arith.constant 32 : index
    %get3A_169 = tpu.vector_load %arg9[%get3A_167, %get3A_168] {strides = array<i32>} : memref<3x128xi32, #tpu.memory_space<vmem>>, vector<1x16xi32>,
    %get3A_170 = vector.shape_cast %get3A_169 : vector<1x16xi32> to vector<16xi32>
    %swap3A_171 = arith.constant 32 : index
    %swap3A_172 = tpu.vector_load %arg10[%swap3A_171] {strides = array<i32>} : memref<128xi32, #tpu.memory_space<vmem>>, vector<16xi32>,
    %swap3A_173 = vector.shape_cast %swap3A_172 : vector<16xi32> to vector<16xi32>
    %swap3A_174 = vector.shape_cast %get3A_170 : vector<16xi32> to vector<16xi32>
    tpu.vector_store %arg10[%swap3A_171], %swap3A_174 {strides = array<i32>} : memref<128xi32, #tpu.memory_space<vmem>>, vector<16xi32>,
    %get3A_175 = arith.constant 2 : i32
    %get3A_176 = arith.index_cast %get3A_175 : i32 to index
    %get3A_177 = arith.constant 48 : index
    %get3A_178 = tpu.vector_load %arg9[%get3A_176, %get3A_177] {strides = array<i32>} : memref<3x128xi32, #tpu.memory_space<vmem>>, vector<1x16xi32>,
    %get3A_179 = vector.shape_cast %get3A_178 : vector<1x16xi32> to vector<16xi32>
    %swap3A_180 = arith.constant 48 : index
    %swap3A_181 = tpu.vector_load %arg10[%swap3A_180] {strides = array<i32>} : memref<128xi32, #tpu.memory_space<vmem>>, vector<16xi32>,
    %swap3A_182 = vector.shape_cast %swap3A_181 : vector<16xi32> to vector<16xi32>
    %swap3A_183 = vector.shape_cast %get3A_179 : vector<16xi32> to vector<16xi32>
    tpu.vector_store %arg10[%swap3A_180], %swap3A_183 {strides = array<i32>} : memref<128xi32, #tpu.memory_space<vmem>>, vector<16xi32>,
    %get3A_184 = arith.constant 2 : i32
    %get3A_185 = arith.index_cast %get3A_184 : i32 to index
    %get3A_186 = arith.constant 64 : index
    %get3A_187 = tpu.vector_load %arg9[%get3A_185, %get3A_186] {strides = array<i32>} : memref<3x128xi32, #tpu.memory_space<vmem>>, vector<1x16xi32>,
    %get3A_188 = vector.shape_cast %get3A_187 : vector<1x16xi32> to vector<16xi32>
    %swap3A_189 = arith.constant 64 : index
    %swap3A_190 = tpu.vector_load %arg10[%swap3A_189] {strides = array<i32>} : memref<128xi32, #tpu.memory_space<vmem>>, vector<16xi32>,
    %swap3A_191 = vector.shape_cast %swap3A_190 : vector<16xi32> to vector<16xi32>
    %swap3A_192 = vector.shape_cast %get3A_188 : vector<16xi32> to vector<16xi32>
    tpu.vector_store %arg10[%swap3A_189], %swap3A_192 {strides = array<i32>} : memref<128xi32, #tpu.memory_space<vmem>>, vector<16xi32>,
    %get3A_193 = arith.constant 2 : i32
    %get3A_194 = arith.index_cast %get3A_193 : i32 to index
    %get3A_195 = arith.constant 80 : index
    %get3A_196 = tpu.vector_load %arg9[%get3A_194, %get3A_195] {strides = array<i32>} : memref<3x128xi32, #tpu.memory_space<vmem>>, vector<1x16xi32>,
    %get3A_197 = vector.shape_cast %get3A_196 : vector<1x16xi32> to vector<16xi32>
    %swap3A_198 = arith.constant 80 : index
    %swap3A_199 = tpu.vector_load %arg10[%swap3A_198] {strides = array<i32>} : memref<128xi32, #tpu.memory_space<vmem>>, vector<16xi32>,
    %swap3A_200 = vector.shape_cast %swap3A_199 : vector<16xi32> to vector<16xi32>
    %swap3A_201 = vector.shape_cast %get3A_197 : vector<16xi32> to vector<16xi32>
    tpu.vector_store %arg10[%swap3A_198], %swap3A_201 {strides = array<i32>} : memref<128xi32, #tpu.memory_space<vmem>>, vector<16xi32>,
    %get3A_202 = arith.constant 2 : i32
    %get3A_203 = arith.index_cast %get3A_202 : i32 to index
    %get3A_204 = arith.constant 96 : index
    %get3A_205 = tpu.vector_load %arg9[%get3A_203, %get3A_204] {strides = array<i32>} : memref<3x128xi32, #tpu.memory_space<vmem>>, vector<1x16xi32>,
    %get3A_206 = vector.shape_cast %get3A_205 : vector<1x16xi32> to vector<16xi32>
    %swap3A_207 = arith.constant 96 : index
    %swap3A_208 = tpu.vector_load %arg10[%swap3A_207] {strides = array<i32>} : memref<128xi32, #tpu.memory_space<vmem>>, vector<16xi32>,
    %swap3A_209 = vector.shape_cast %swap3A_208 : vector<16xi32> to vector<16xi32>
    %swap3A_210 = vector.shape_cast %get3A_206 : vector<16xi32> to vector<16xi32>
    tpu.vector_store %arg10[%swap3A_207], %swap3A_210 {strides = array<i32>} : memref<128xi32, #tpu.memory_space<vmem>>, vector<16xi32>,
    %get3A_211 = arith.constant 2 : i32
    %get3A_212 = arith.index_cast %get3A_211 : i32 to index
    %get3A_213 = arith.constant 112 : index
    %get3A_214 = tpu.vector_load %arg9[%get3A_212, %get3A_213] {strides = array<i32>} : memref<3x128xi32, #tpu.memory_space<vmem>>, vector<1x16xi32>,
    %get3A_215 = vector.shape_cast %get3A_214 : vector<1x16xi32> to vector<16xi32>
    %swap3A_216 = arith.constant 112 : index
    %swap3A_217 = tpu.vector_load %arg10[%swap3A_216] {strides = array<i32>} : memref<128xi32, #tpu.memory_space<vmem>>, vector<16xi32>,
    %swap3A_218 = vector.shape_cast %swap3A_217 : vector<16xi32> to vector<16xi32>
    %swap3A_219 = vector.shape_cast %get3A_215 : vector<16xi32> to vector<16xi32>
    tpu.vector_store %arg10[%swap3A_216], %swap3A_219 {strides = array<i32>} : memref<128xi32, #tpu.memory_space<vmem>>, vector<16xi32>,
    "tpu.region"() ({
      %run_scoped3A = tpu.sem_alloc : memref<!tpu.dma_semaphore, #tpu.memory_space<semaphore_mem>>
      %dma_start3A_285 = arith.constant 0 : i32
      %dma_start3A_286 = arith.constant 0 : i32
      %dma_start3A_287 = tpu.memref_slice %arg14[%dma_start3A_285, %dma_start3A_286] : memref<10240x16xf32, #tpu.memory_space<vmem_shared>> -> memref<10240x16xf32, #tpu.memory_space<vmem_shared>>
      tpu.enqueue_indirect_dma source(%arg12 : memref<128x16xf32, #tpu.memory_space<vmem>>) target(%dma_start3A_287 : memref<10240x16xf32, #tpu.memory_space<vmem_shared>>) offsets(%arg10 : memref<128xi32, #tpu.memory_space<vmem>>) semaphore(%run_scoped3A : memref<!tpu.dma_semaphore, #tpu.memory_space<semaphore_mem>>)
      %dma_wait3A_288 = arith.constant 0 : i32
      %dma_wait3A_289 = arith.constant 0 : i32
      %dma_wait3A_290 = tpu.memref_slice %arg14[%dma_wait3A_288, %dma_wait3A_289] : memref<10240x16xf32, #tpu.memory_space<vmem_shared>> -> memref<10240x16xf32, #tpu.memory_space<vmem_shared>>
      tpu.wait_indirect_dma semaphore(%run_scoped3A : memref<!tpu.dma_semaphore, #tpu.memory_space<semaphore_mem>>) src(%arg12 : memref<128x16xf32, #tpu.memory_space<vmem>>) dst(%dma_wait3A_290 : memref<10240x16xf32, #tpu.memory_space<vmem_shared>>)
      tpu.yield
    }) : () -> ()
    %barrier3A = arith.constant 0 : index
    tpu.barrier barrier_id(%barrier3A)
    %dma_start3A = arith.constant 0 : i32
    %dma_start3A_220 = arith.constant 0 : i32
    %dma_start3A_221 = tpu.memref_slice %arg7[%dma_start3A, %dma_start3A_220] : memref<160x128xi32, #tpu.memory_space<vmem>> -> memref<1x128xi32, #tpu.memory_space<vmem>>
    %dma_start3A_222 = tpu.memref_squeeze %dma_start3A_221 : memref<1x128xi32, #tpu.memory_space<vmem>> -> memref<128xi32, #tpu.memory_space<vmem>>
    %dma_start3A_223 = arith.constant 0 : i32
    %dma_start3A_224 = arith.constant 0 : i32
    %dma_start3A_225 = tpu.memref_slice %arg2[%dma_start3A_223, %dma_start3A_224] : memref<10240x16xf32, #tpu.memory_space<hbm>> -> memref<10240x16xf32, #tpu.memory_space<hbm>>
    tpu.enqueue_indirect_dma source(%dma_start3A_225 : memref<10240x16xf32, #tpu.memory_space<hbm>>) target(%arg12 : memref<128x16xf32, #tpu.memory_space<vmem>>) offsets(%dma_start3A_222 : memref<128xi32, #tpu.memory_space<vmem>>) semaphore(%arg15 : memref<!tpu.dma_semaphore, #tpu.memory_space<semaphore_mem>>)
    %scan3A_226 = arith.constant 0 : i32
    %scan3A_227 = arith.constant 0 : i32
    %scan3A_228 = arith.constant 160 : i32
    %scan3A_229 = arith.addi %scan3A_227, %scan3A_228 : i32
    %scan3A_230 = arith.constant 1 : i32
    scf.for %scan3A_285 = %scan3A_227 to %scan3A_229 step %scan3A_230  : i32 {
      %rem3A = arith.constant 2 : i32
      %rem3A_286 = arith.remsi %scan3A_285, %rem3A : i32
      %eq3A = arith.constant 0 : i32
      %eq3A_287 = arith.cmpi eq, %rem3A_286, %eq3A : i32
      %convert_element_type3A = arith.extui %eq3A_287 : i1 to i32
      %cond3A = arith.constant 0 : i32
      %cond3A_288 = arith.cmpi ne, %convert_element_type3A, %cond3A : i32
      scf.if %cond3A_288 {
        %ge3A = arith.constant 1 : i32
        %ge3A_293 = arith.cmpi sge, %scan3A_285, %ge3A : i32
        %convert_element_type3A_294 = arith.extui %ge3A_293 : i1 to i32
        %cond3A_295 = arith.constant 0 : i32
        %cond3A_296 = arith.cmpi ne, %convert_element_type3A_294, %cond3A_295 : i32
        scf.if %cond3A_296 {
          %dma_wait3A_376 = arith.constant 0 : i32
          %dma_wait3A_377 = arith.constant 0 : i32
          %dma_wait3A_378 = tpu.memref_slice %arg14[%dma_wait3A_376, %dma_wait3A_377] : memref<10240x16xf32, #tpu.memory_space<vmem_shared>> -> memref<10240x16xf32, #tpu.memory_space<vmem_shared>>
          tpu.wait_indirect_dma semaphore(%arg18 : memref<!tpu.dma_semaphore, #tpu.memory_space<semaphore_mem>>) src(%arg13 : memref<128x16xf32, #tpu.memory_space<vmem>>) dst(%dma_wait3A_378 : memref<10240x16xf32, #tpu.memory_space<vmem_shared>>)
        } else {
        }
        %add3A_297 = arith.constant 1 : i32
        %add3A_298 = arith.addi %scan3A_285, %add3A_297 : i32
        %lt3A = arith.constant 160 : i32
        %lt3A_299 = arith.cmpi slt, %add3A_298, %lt3A : i32
        %convert_element_type3A_300 = arith.extui %lt3A_299 : i1 to i32
        %cond3A_301 = arith.constant 0 : i32
        %cond3A_302 = arith.cmpi ne, %convert_element_type3A_300, %cond3A_301 : i32
        scf.if %cond3A_302 {
          %add3A_376 = arith.constant 1 : i32
          %add3A_377 = arith.addi %scan3A_285, %add3A_376 : i32
          %dma_start3A_378 = arith.constant 0 : i32
          %dma_start3A_379 = tpu.memref_slice %arg7[%add3A_377, %dma_start3A_378] : memref<160x128xi32, #tpu.memory_space<vmem>> -> memref<1x128xi32, #tpu.memory_space<vmem>>
          %dma_start3A_380 = tpu.memref_squeeze %dma_start3A_379 : memref<1x128xi32, #tpu.memory_space<vmem>> -> memref<128xi32, #tpu.memory_space<vmem>>
          %dma_start3A_381 = arith.constant 0 : i32
          %dma_start3A_382 = arith.constant 0 : i32
          %dma_start3A_383 = tpu.memref_slice %arg2[%dma_start3A_381, %dma_start3A_382] : memref<10240x16xf32, #tpu.memory_space<hbm>> -> memref<10240x16xf32, #tpu.memory_space<hbm>>
          tpu.enqueue_indirect_dma source(%dma_start3A_383 : memref<10240x16xf32, #tpu.memory_space<hbm>>) target(%arg13 : memref<128x16xf32, #tpu.memory_space<vmem>>) offsets(%dma_start3A_380 : memref<128xi32, #tpu.memory_space<vmem>>) semaphore(%arg16 : memref<!tpu.dma_semaphore, #tpu.memory_space<semaphore_mem>>)
        } else {
        }
        %dma_wait3A_303 = arith.constant 0 : i32
        %dma_wait3A_304 = tpu.memref_slice %arg7[%scan3A_285, %dma_wait3A_303] : memref<160x128xi32, #tpu.memory_space<vmem>> -> memref<1x128xi32, #tpu.memory_space<vmem>>
        %dma_wait3A_305 = tpu.memref_squeeze %dma_wait3A_304 : memref<1x128xi32, #tpu.memory_space<vmem>> -> memref<128xi32, #tpu.memory_space<vmem>>
        %dma_wait3A_306 = arith.constant 0 : i32
        %dma_wait3A_307 = arith.constant 0 : i32
        %dma_wait3A_308 = tpu.memref_slice %arg2[%dma_wait3A_306, %dma_wait3A_307] : memref<10240x16xf32, #tpu.memory_space<hbm>> -> memref<10240x16xf32, #tpu.memory_space<hbm>>
        tpu.wait_indirect_dma semaphore(%arg15 : memref<!tpu.dma_semaphore, #tpu.memory_space<semaphore_mem>>) src(%dma_wait3A_308 : memref<10240x16xf32, #tpu.memory_space<hbm>>) dst(%arg12 : memref<128x16xf32, #tpu.memory_space<vmem>>)
        %get3A_309 = arith.index_cast %scan3A_285 : i32 to index
        %get3A_310 = arith.constant 0 : index
        %get3A_311 = tpu.vector_load %arg8[%get3A_309, %get3A_310] {strides = array<i32>} : memref<160x128xi32, #tpu.memory_space<vmem>>, vector<1x16xi32>,
        %get3A_312 = vector.shape_cast %get3A_311 : vector<1x16xi32> to vector<16xi32>
        %swap3A_313 = arith.constant 0 : index
        %swap3A_314 = tpu.vector_load %arg10[%swap3A_313] {strides = array<i32>} : memref<128xi32, #tpu.memory_space<vmem>>, vector<16xi32>,
        %swap3A_315 = vector.shape_cast %swap3A_314 : vector<16xi32> to vector<16xi32>
        %swap3A_316 = vector.shape_cast %get3A_312 : vector<16xi32> to vector<16xi32>
        tpu.vector_store %arg10[%swap3A_313], %swap3A_316 {strides = array<i32>} : memref<128xi32, #tpu.memory_space<vmem>>, vector<16xi32>,
        %get3A_317 = arith.index_cast %scan3A_285 : i32 to index
        %get3A_318 = arith.constant 16 : index
        %get3A_319 = tpu.vector_load %arg8[%get3A_317, %get3A_318] {strides = array<i32>} : memref<160x128xi32, #tpu.memory_space<vmem>>, vector<1x16xi32>,
        %get3A_320 = vector.shape_cast %get3A_319 : vector<1x16xi32> to vector<16xi32>
        %swap3A_321 = arith.constant 16 : index
        %swap3A_322 = tpu.vector_load %arg10[%swap3A_321] {strides = array<i32>} : memref<128xi32, #tpu.memory_space<vmem>>, vector<16xi32>,
        %swap3A_323 = vector.shape_cast %swap3A_322 : vector<16xi32> to vector<16xi32>
        %swap3A_324 = vector.shape_cast %get3A_320 : vector<16xi32> to vector<16xi32>
        tpu.vector_store %arg10[%swap3A_321], %swap3A_324 {strides = array<i32>} : memref<128xi32, #tpu.memory_space<vmem>>, vector<16xi32>,
        %get3A_325 = arith.index_cast %scan3A_285 : i32 to index
        %get3A_326 = arith.constant 32 : index
        %get3A_327 = tpu.vector_load %arg8[%get3A_325, %get3A_326] {strides = array<i32>} : memref<160x128xi32, #tpu.memory_space<vmem>>, vector<1x16xi32>,
        %get3A_328 = vector.shape_cast %get3A_327 : vector<1x16xi32> to vector<16xi32>
        %swap3A_329 = arith.constant 32 : index
        %swap3A_330 = tpu.vector_load %arg10[%swap3A_329] {strides = array<i32>} : memref<128xi32, #tpu.memory_space<vmem>>, vector<16xi32>,
        %swap3A_331 = vector.shape_cast %swap3A_330 : vector<16xi32> to vector<16xi32>
        %swap3A_332 = vector.shape_cast %get3A_328 : vector<16xi32> to vector<16xi32>
        tpu.vector_store %arg10[%swap3A_329], %swap3A_332 {strides = array<i32>} : memref<128xi32, #tpu.memory_space<vmem>>, vector<16xi32>,
        %get3A_333 = arith.index_cast %scan3A_285 : i32 to index
        %get3A_334 = arith.constant 48 : index
        %get3A_335 = tpu.vector_load %arg8[%get3A_333, %get3A_334] {strides = array<i32>} : memref<160x128xi32, #tpu.memory_space<vmem>>, vector<1x16xi32>,
        %get3A_336 = vector.shape_cast %get3A_335 : vector<1x16xi32> to vector<16xi32>
        %swap3A_337 = arith.constant 48 : index
        %swap3A_338 = tpu.vector_load %arg10[%swap3A_337] {strides = array<i32>} : memref<128xi32, #tpu.memory_space<vmem>>, vector<16xi32>,
        %swap3A_339 = vector.shape_cast %swap3A_338 : vector<16xi32> to vector<16xi32>
        %swap3A_340 = vector.shape_cast %get3A_336 : vector<16xi32> to vector<16xi32>
        tpu.vector_store %arg10[%swap3A_337], %swap3A_340 {strides = array<i32>} : memref<128xi32, #tpu.memory_space<vmem>>, vector<16xi32>,
        %get3A_341 = arith.index_cast %scan3A_285 : i32 to index
        %get3A_342 = arith.constant 64 : index
        %get3A_343 = tpu.vector_load %arg8[%get3A_341, %get3A_342] {strides = array<i32>} : memref<160x128xi32, #tpu.memory_space<vmem>>, vector<1x16xi32>,
        %get3A_344 = vector.shape_cast %get3A_343 : vector<1x16xi32> to vector<16xi32>
        %swap3A_345 = arith.constant 64 : index
        %swap3A_346 = tpu.vector_load %arg10[%swap3A_345] {strides = array<i32>} : memref<128xi32, #tpu.memory_space<vmem>>, vector<16xi32>,
        %swap3A_347 = vector.shape_cast %swap3A_346 : vector<16xi32> to vector<16xi32>
        %swap3A_348 = vector.shape_cast %get3A_344 : vector<16xi32> to vector<16xi32>
        tpu.vector_store %arg10[%swap3A_345], %swap3A_348 {strides = array<i32>} : memref<128xi32, #tpu.memory_space<vmem>>, vector<16xi32>,
        %get3A_349 = arith.index_cast %scan3A_285 : i32 to index
        %get3A_350 = arith.constant 80 : index
        %get3A_351 = tpu.vector_load %arg8[%get3A_349, %get3A_350] {strides = array<i32>} : memref<160x128xi32, #tpu.memory_space<vmem>>, vector<1x16xi32>,
        %get3A_352 = vector.shape_cast %get3A_351 : vector<1x16xi32> to vector<16xi32>
        %swap3A_353 = arith.constant 80 : index
        %swap3A_354 = tpu.vector_load %arg10[%swap3A_353] {strides = array<i32>} : memref<128xi32, #tpu.memory_space<vmem>>, vector<16xi32>,
        %swap3A_355 = vector.shape_cast %swap3A_354 : vector<16xi32> to vector<16xi32>
        %swap3A_356 = vector.shape_cast %get3A_352 : vector<16xi32> to vector<16xi32>
        tpu.vector_store %arg10[%swap3A_353], %swap3A_356 {strides = array<i32>} : memref<128xi32, #tpu.memory_space<vmem>>, vector<16xi32>,
        %get3A_357 = arith.index_cast %scan3A_285 : i32 to index
        %get3A_358 = arith.constant 96 : index
        %get3A_359 = tpu.vector_load %arg8[%get3A_357, %get3A_358] {strides = array<i32>} : memref<160x128xi32, #tpu.memory_space<vmem>>, vector<1x16xi32>,
        %get3A_360 = vector.shape_cast %get3A_359 : vector<1x16xi32> to vector<16xi32>
        %swap3A_361 = arith.constant 96 : index
        %swap3A_362 = tpu.vector_load %arg10[%swap3A_361] {strides = array<i32>} : memref<128xi32, #tpu.memory_space<vmem>>, vector<16xi32>,
        %swap3A_363 = vector.shape_cast %swap3A_362 : vector<16xi32> to vector<16xi32>
        %swap3A_364 = vector.shape_cast %get3A_360 : vector<16xi32> to vector<16xi32>
        tpu.vector_store %arg10[%swap3A_361], %swap3A_364 {strides = array<i32>} : memref<128xi32, #tpu.memory_space<vmem>>, vector<16xi32>,
        %get3A_365 = arith.index_cast %scan3A_285 : i32 to index
        %get3A_366 = arith.constant 112 : index
        %get3A_367 = tpu.vector_load %arg8[%get3A_365, %get3A_366] {strides = array<i32>} : memref<160x128xi32, #tpu.memory_space<vmem>>, vector<1x16xi32>,
        %get3A_368 = vector.shape_cast %get3A_367 : vector<1x16xi32> to vector<16xi32>
        %swap3A_369 = arith.constant 112 : index
        %swap3A_370 = tpu.vector_load %arg10[%swap3A_369] {strides = array<i32>} : memref<128xi32, #tpu.memory_space<vmem>>, vector<16xi32>,
        %swap3A_371 = vector.shape_cast %swap3A_370 : vector<16xi32> to vector<16xi32>
        %swap3A_372 = vector.shape_cast %get3A_368 : vector<16xi32> to vector<16xi32>
        tpu.vector_store %arg10[%swap3A_369], %swap3A_372 {strides = array<i32>} : memref<128xi32, #tpu.memory_space<vmem>>, vector<16xi32>,
        %dma_start3A_373 = arith.constant 0 : i32
        %dma_start3A_374 = arith.constant 0 : i32
        %dma_start3A_375 = tpu.memref_slice %arg14[%dma_start3A_373, %dma_start3A_374] : memref<10240x16xf32, #tpu.memory_space<vmem_shared>> -> memref<10240x16xf32, #tpu.memory_space<vmem_shared>>
        tpu.enqueue_indirect_dma source(%arg12 : memref<128x16xf32, #tpu.memory_space<vmem>>) target(%dma_start3A_375 : memref<10240x16xf32, #tpu.memory_space<vmem_shared>>) offsets(%arg10 : memref<128xi32, #tpu.memory_space<vmem>>) semaphore(%arg17 : memref<!tpu.dma_semaphore, #tpu.memory_space<semaphore_mem>>) {add = true}
      } else {
      }
      %not3A = arith.constant true
      %not3A_289 = arith.xori %eq3A_287, %not3A : i1
      %convert_element_type3A_290 = arith.extui %not3A_289 : i1 to i32
      %cond3A_291 = arith.constant 0 : i32
      %cond3A_292 = arith.cmpi ne, %convert_element_type3A_290, %cond3A_291 : i32
      scf.if %cond3A_292 {
        %dma_wait3A_293 = arith.constant 0 : i32
        %dma_wait3A_294 = arith.constant 0 : i32
        %dma_wait3A_295 = tpu.memref_slice %arg14[%dma_wait3A_293, %dma_wait3A_294] : memref<10240x16xf32, #tpu.memory_space<vmem_shared>> -> memref<10240x16xf32, #tpu.memory_space<vmem_shared>>
        tpu.wait_indirect_dma semaphore(%arg17 : memref<!tpu.dma_semaphore, #tpu.memory_space<semaphore_mem>>) src(%arg12 : memref<128x16xf32, #tpu.memory_space<vmem>>) dst(%dma_wait3A_295 : memref<10240x16xf32, #tpu.memory_space<vmem_shared>>)
        %add3A_296 = arith.constant 1 : i32
        %add3A_297 = arith.addi %scan3A_285, %add3A_296 : i32
        %lt3A = arith.constant 160 : i32
        %lt3A_298 = arith.cmpi slt, %add3A_297, %lt3A : i32
        %convert_element_type3A_299 = arith.extui %lt3A_298 : i1 to i32
        %cond3A_300 = arith.constant 0 : i32
        %cond3A_301 = arith.cmpi ne, %convert_element_type3A_299, %cond3A_300 : i32
        scf.if %cond3A_301 {
          %add3A_375 = arith.constant 1 : i32
          %add3A_376 = arith.addi %scan3A_285, %add3A_375 : i32
          %dma_start3A_377 = arith.constant 0 : i32
          %dma_start3A_378 = tpu.memref_slice %arg7[%add3A_376, %dma_start3A_377] : memref<160x128xi32, #tpu.memory_space<vmem>> -> memref<1x128xi32, #tpu.memory_space<vmem>>
          %dma_start3A_379 = tpu.memref_squeeze %dma_start3A_378 : memref<1x128xi32, #tpu.memory_space<vmem>> -> memref<128xi32, #tpu.memory_space<vmem>>
          %dma_start3A_380 = arith.constant 0 : i32
          %dma_start3A_381 = arith.constant 0 : i32
          %dma_start3A_382 = tpu.memref_slice %arg2[%dma_start3A_380, %dma_start3A_381] : memref<10240x16xf32, #tpu.memory_space<hbm>> -> memref<10240x16xf32, #tpu.memory_space<hbm>>
          tpu.enqueue_indirect_dma source(%dma_start3A_382 : memref<10240x16xf32, #tpu.memory_space<hbm>>) target(%arg12 : memref<128x16xf32, #tpu.memory_space<vmem>>) offsets(%dma_start3A_379 : memref<128xi32, #tpu.memory_space<vmem>>) semaphore(%arg15 : memref<!tpu.dma_semaphore, #tpu.memory_space<semaphore_mem>>)
        } else {
        }
        %dma_wait3A_302 = arith.constant 0 : i32
        %dma_wait3A_303 = tpu.memref_slice %arg7[%scan3A_285, %dma_wait3A_302] : memref<160x128xi32, #tpu.memory_space<vmem>> -> memref<1x128xi32, #tpu.memory_space<vmem>>
        %dma_wait3A_304 = tpu.memref_squeeze %dma_wait3A_303 : memref<1x128xi32, #tpu.memory_space<vmem>> -> memref<128xi32, #tpu.memory_space<vmem>>
        %dma_wait3A_305 = arith.constant 0 : i32
        %dma_wait3A_306 = arith.constant 0 : i32
        %dma_wait3A_307 = tpu.memref_slice %arg2[%dma_wait3A_305, %dma_wait3A_306] : memref<10240x16xf32, #tpu.memory_space<hbm>> -> memref<10240x16xf32, #tpu.memory_space<hbm>>
        tpu.wait_indirect_dma semaphore(%arg16 : memref<!tpu.dma_semaphore, #tpu.memory_space<semaphore_mem>>) src(%dma_wait3A_307 : memref<10240x16xf32, #tpu.memory_space<hbm>>) dst(%arg13 : memref<128x16xf32, #tpu.memory_space<vmem>>)
        %get3A_308 = arith.index_cast %scan3A_285 : i32 to index
        %get3A_309 = arith.constant 0 : index
        %get3A_310 = tpu.vector_load %arg8[%get3A_308, %get3A_309] {strides = array<i32>} : memref<160x128xi32, #tpu.memory_space<vmem>>, vector<1x16xi32>,
        %get3A_311 = vector.shape_cast %get3A_310 : vector<1x16xi32> to vector<16xi32>
        %swap3A_312 = arith.constant 0 : index
        %swap3A_313 = tpu.vector_load %arg11[%swap3A_312] {strides = array<i32>} : memref<128xi32, #tpu.memory_space<vmem>>, vector<16xi32>,
        %swap3A_314 = vector.shape_cast %swap3A_313 : vector<16xi32> to vector<16xi32>
        %swap3A_315 = vector.shape_cast %get3A_311 : vector<16xi32> to vector<16xi32>
        tpu.vector_store %arg11[%swap3A_312], %swap3A_315 {strides = array<i32>} : memref<128xi32, #tpu.memory_space<vmem>>, vector<16xi32>,
        %get3A_316 = arith.index_cast %scan3A_285 : i32 to index
        %get3A_317 = arith.constant 16 : index
        %get3A_318 = tpu.vector_load %arg8[%get3A_316, %get3A_317] {strides = array<i32>} : memref<160x128xi32, #tpu.memory_space<vmem>>, vector<1x16xi32>,
        %get3A_319 = vector.shape_cast %get3A_318 : vector<1x16xi32> to vector<16xi32>
        %swap3A_320 = arith.constant 16 : index
        %swap3A_321 = tpu.vector_load %arg11[%swap3A_320] {strides = array<i32>} : memref<128xi32, #tpu.memory_space<vmem>>, vector<16xi32>,
        %swap3A_322 = vector.shape_cast %swap3A_321 : vector<16xi32> to vector<16xi32>
        %swap3A_323 = vector.shape_cast %get3A_319 : vector<16xi32> to vector<16xi32>
        tpu.vector_store %arg11[%swap3A_320], %swap3A_323 {strides = array<i32>} : memref<128xi32, #tpu.memory_space<vmem>>, vector<16xi32>,
        %get3A_324 = arith.index_cast %scan3A_285 : i32 to index
        %get3A_325 = arith.constant 32 : index
        %get3A_326 = tpu.vector_load %arg8[%get3A_324, %get3A_325] {strides = array<i32>} : memref<160x128xi32, #tpu.memory_space<vmem>>, vector<1x16xi32>,
        %get3A_327 = vector.shape_cast %get3A_326 : vector<1x16xi32> to vector<16xi32>
        %swap3A_328 = arith.constant 32 : index
        %swap3A_329 = tpu.vector_load %arg11[%swap3A_328] {strides = array<i32>} : memref<128xi32, #tpu.memory_space<vmem>>, vector<16xi32>,
        %swap3A_330 = vector.shape_cast %swap3A_329 : vector<16xi32> to vector<16xi32>
        %swap3A_331 = vector.shape_cast %get3A_327 : vector<16xi32> to vector<16xi32>
        tpu.vector_store %arg11[%swap3A_328], %swap3A_331 {strides = array<i32>} : memref<128xi32, #tpu.memory_space<vmem>>, vector<16xi32>,
        %get3A_332 = arith.index_cast %scan3A_285 : i32 to index
        %get3A_333 = arith.constant 48 : index
        %get3A_334 = tpu.vector_load %arg8[%get3A_332, %get3A_333] {strides = array<i32>} : memref<160x128xi32, #tpu.memory_space<vmem>>, vector<1x16xi32>,
        %get3A_335 = vector.shape_cast %get3A_334 : vector<1x16xi32> to vector<16xi32>
        %swap3A_336 = arith.constant 48 : index
        %swap3A_337 = tpu.vector_load %arg11[%swap3A_336] {strides = array<i32>} : memref<128xi32, #tpu.memory_space<vmem>>, vector<16xi32>,
        %swap3A_338 = vector.shape_cast %swap3A_337 : vector<16xi32> to vector<16xi32>
        %swap3A_339 = vector.shape_cast %get3A_335 : vector<16xi32> to vector<16xi32>
        tpu.vector_store %arg11[%swap3A_336], %swap3A_339 {strides = array<i32>} : memref<128xi32, #tpu.memory_space<vmem>>, vector<16xi32>,
        %get3A_340 = arith.index_cast %scan3A_285 : i32 to index
        %get3A_341 = arith.constant 64 : index
        %get3A_342 = tpu.vector_load %arg8[%get3A_340, %get3A_341] {strides = array<i32>} : memref<160x128xi32, #tpu.memory_space<vmem>>, vector<1x16xi32>,
        %get3A_343 = vector.shape_cast %get3A_342 : vector<1x16xi32> to vector<16xi32>
        %swap3A_344 = arith.constant 64 : index
        %swap3A_345 = tpu.vector_load %arg11[%swap3A_344] {strides = array<i32>} : memref<128xi32, #tpu.memory_space<vmem>>, vector<16xi32>,
        %swap3A_346 = vector.shape_cast %swap3A_345 : vector<16xi32> to vector<16xi32>
        %swap3A_347 = vector.shape_cast %get3A_343 : vector<16xi32> to vector<16xi32>
        tpu.vector_store %arg11[%swap3A_344], %swap3A_347 {strides = array<i32>} : memref<128xi32, #tpu.memory_space<vmem>>, vector<16xi32>,
        %get3A_348 = arith.index_cast %scan3A_285 : i32 to index
        %get3A_349 = arith.constant 80 : index
        %get3A_350 = tpu.vector_load %arg8[%get3A_348, %get3A_349] {strides = array<i32>} : memref<160x128xi32, #tpu.memory_space<vmem>>, vector<1x16xi32>,
        %get3A_351 = vector.shape_cast %get3A_350 : vector<1x16xi32> to vector<16xi32>
        %swap3A_352 = arith.constant 80 : index
        %swap3A_353 = tpu.vector_load %arg11[%swap3A_352] {strides = array<i32>} : memref<128xi32, #tpu.memory_space<vmem>>, vector<16xi32>,
        %swap3A_354 = vector.shape_cast %swap3A_353 : vector<16xi32> to vector<16xi32>
        %swap3A_355 = vector.shape_cast %get3A_351 : vector<16xi32> to vector<16xi32>
        tpu.vector_store %arg11[%swap3A_352], %swap3A_355 {strides = array<i32>} : memref<128xi32, #tpu.memory_space<vmem>>, vector<16xi32>,
        %get3A_356 = arith.index_cast %scan3A_285 : i32 to index
        %get3A_357 = arith.constant 96 : index
        %get3A_358 = tpu.vector_load %arg8[%get3A_356, %get3A_357] {strides = array<i32>} : memref<160x128xi32, #tpu.memory_space<vmem>>, vector<1x16xi32>,
        %get3A_359 = vector.shape_cast %get3A_358 : vector<1x16xi32> to vector<16xi32>
        %swap3A_360 = arith.constant 96 : index
        %swap3A_361 = tpu.vector_load %arg11[%swap3A_360] {strides = array<i32>} : memref<128xi32, #tpu.memory_space<vmem>>, vector<16xi32>,
        %swap3A_362 = vector.shape_cast %swap3A_361 : vector<16xi32> to vector<16xi32>
        %swap3A_363 = vector.shape_cast %get3A_359 : vector<16xi32> to vector<16xi32>
        tpu.vector_store %arg11[%swap3A_360], %swap3A_363 {strides = array<i32>} : memref<128xi32, #tpu.memory_space<vmem>>, vector<16xi32>,
        %get3A_364 = arith.index_cast %scan3A_285 : i32 to index
        %get3A_365 = arith.constant 112 : index
        %get3A_366 = tpu.vector_load %arg8[%get3A_364, %get3A_365] {strides = array<i32>} : memref<160x128xi32, #tpu.memory_space<vmem>>, vector<1x16xi32>,
        %get3A_367 = vector.shape_cast %get3A_366 : vector<1x16xi32> to vector<16xi32>
        %swap3A_368 = arith.constant 112 : index
        %swap3A_369 = tpu.vector_load %arg11[%swap3A_368] {strides = array<i32>} : memref<128xi32, #tpu.memory_space<vmem>>, vector<16xi32>,
        %swap3A_370 = vector.shape_cast %swap3A_369 : vector<16xi32> to vector<16xi32>
        %swap3A_371 = vector.shape_cast %get3A_367 : vector<16xi32> to vector<16xi32>
        tpu.vector_store %arg11[%swap3A_368], %swap3A_371 {strides = array<i32>} : memref<128xi32, #tpu.memory_space<vmem>>, vector<16xi32>,
        %dma_start3A_372 = arith.constant 0 : i32
        %dma_start3A_373 = arith.constant 0 : i32
        %dma_start3A_374 = tpu.memref_slice %arg14[%dma_start3A_372, %dma_start3A_373] : memref<10240x16xf32, #tpu.memory_space<vmem_shared>> -> memref<10240x16xf32, #tpu.memory_space<vmem_shared>>
        tpu.enqueue_indirect_dma source(%arg13 : memref<128x16xf32, #tpu.memory_space<vmem>>) target(%dma_start3A_374 : memref<10240x16xf32, #tpu.memory_space<vmem_shared>>) offsets(%arg11 : memref<128xi32, #tpu.memory_space<vmem>>) semaphore(%arg18 : memref<!tpu.dma_semaphore, #tpu.memory_space<semaphore_mem>>) {add = true}
      } else {
      }
    }
    %scan3A_231 = arith.constant 160 : i32
    %dma_wait3A = arith.constant 0 : i32
    %dma_wait3A_232 = arith.constant 0 : i32
    %dma_wait3A_233 = tpu.memref_slice %arg14[%dma_wait3A, %dma_wait3A_232] : memref<10240x16xf32, #tpu.memory_space<vmem_shared>> -> memref<10240x16xf32, #tpu.memory_space<vmem_shared>>
    tpu.wait_indirect_dma semaphore(%arg18 : memref<!tpu.dma_semaphore, #tpu.memory_space<semaphore_mem>>) src(%arg13 : memref<128x16xf32, #tpu.memory_space<vmem>>) dst(%dma_wait3A_233 : memref<10240x16xf32, #tpu.memory_space<vmem_shared>>)
    %barrier3A_234 = arith.constant 0 : index
    tpu.barrier barrier_id(%barrier3A_234)
    %mul3A_235 = arith.constant 320 : i32
    %mul3A_236 = arith.muli %arg1, %mul3A_235 : i32
    %dma_start3A_237 = arith.constant 0 : i32
    %dma_start3A_238 = arith.constant 0 : i32
    %dma_start3A_239 = tpu.memref_slice %arg9[%dma_start3A_237, %dma_start3A_238] : memref<3x128xi32, #tpu.memory_space<vmem>> -> memref<1x128xi32, #tpu.memory_space<vmem>>
    %dma_start3A_240 = tpu.memref_squeeze %dma_start3A_239 : memref<1x128xi32, #tpu.memory_space<vmem>> -> memref<128xi32, #tpu.memory_space<vmem>>
    %dma_start3A_241 = arith.constant 0 : i32
    %dma_start3A_242 = arith.constant 0 : i32
    %dma_start3A_243 = tpu.memref_slice %arg14[%dma_start3A_241, %dma_start3A_242] : memref<10240x16xf32, #tpu.memory_space<vmem_shared>> -> memref<10240x16xf32, #tpu.memory_space<vmem_shared>>
    tpu.enqueue_indirect_dma source(%dma_start3A_243 : memref<10240x16xf32, #tpu.memory_space<vmem_shared>>) target(%arg12 : memref<128x16xf32, #tpu.memory_space<vmem>>) offsets(%dma_start3A_240 : memref<128xi32, #tpu.memory_space<vmem>>) semaphore(%arg15 : memref<!tpu.dma_semaphore, #tpu.memory_space<semaphore_mem>>)
    %dma_wait3A_244 = arith.constant 0 : i32
    %dma_wait3A_245 = arith.constant 0 : i32
    %dma_wait3A_246 = tpu.memref_slice %arg9[%dma_wait3A_244, %dma_wait3A_245] : memref<3x128xi32, #tpu.memory_space<vmem>> -> memref<1x128xi32, #tpu.memory_space<vmem>>
    %dma_wait3A_247 = tpu.memref_squeeze %dma_wait3A_246 : memref<1x128xi32, #tpu.memory_space<vmem>> -> memref<128xi32, #tpu.memory_space<vmem>>
    %dma_wait3A_248 = arith.constant 0 : i32
    %dma_wait3A_249 = arith.constant 0 : i32
    %dma_wait3A_250 = tpu.memref_slice %arg14[%dma_wait3A_248, %dma_wait3A_249] : memref<10240x16xf32, #tpu.memory_space<vmem_shared>> -> memref<10240x16xf32, #tpu.memory_space<vmem_shared>>
    tpu.wait_indirect_dma semaphore(%arg15 : memref<!tpu.dma_semaphore, #tpu.memory_space<semaphore_mem>>) src(%dma_wait3A_250 : memref<10240x16xf32, #tpu.memory_space<vmem_shared>>) dst(%arg12 : memref<128x16xf32, #tpu.memory_space<vmem>>)
    %add3A_251 = arith.constant 0 : i32
    %add3A_252 = arith.addi %mul3A_236, %add3A_251 : i32
    "tpu.region"() ({
      %run_scoped3A = tpu.sem_alloc : memref<!tpu.dma_semaphore, #tpu.memory_space<semaphore_mem>>
      %dma_start3A_285 = arith.constant 0 : i32
      %dma_start3A_286 = arith.constant 0 : i32
      %dma_start3A_287 = tpu.memref_slice %arg12[%dma_start3A_285, %dma_start3A_286] : memref<128x16xf32, #tpu.memory_space<vmem>> -> memref<128x16xf32, #tpu.memory_space<vmem>>
      %dma_start3A_288 = arith.constant 0 : i32
      %dma_start3A_289 = tpu.memref_slice %arg6[%arg0, %add3A_252, %dma_start3A_288] : memref<2x5120x16xf32, #tpu.memory_space<hbm>> -> memref<1x128x16xf32, #tpu.memory_space<hbm>>
      %dma_start3A_290 = tpu.memref_squeeze %dma_start3A_289 : memref<1x128x16xf32, #tpu.memory_space<hbm>> -> memref<128x16xf32, #tpu.memory_space<hbm>>
      %dma_start3A_291 = arith.constant 0 : i32
      %dma_start3A_292 = tpu.memref_slice %arg6[%arg0, %add3A_252, %dma_start3A_291] : memref<2x5120x16xf32, #tpu.memory_space<hbm>> -> memref<1x128x16xf32, #tpu.memory_space<hbm>>
      %dma_start3A_293 = tpu.memref_squeeze %dma_start3A_292 : memref<1x128x16xf32, #tpu.memory_space<hbm>> -> memref<128x16xf32, #tpu.memory_space<hbm>>
      %dma_start3A_294 = arith.constant 0 : i32
      %dma_start3A_295 = arith.constant 0 : i32
      %dma_start3A_296 = tpu.memref_slice %arg12[%dma_start3A_294, %dma_start3A_295] : memref<128x16xf32, #tpu.memory_space<vmem>> -> memref<128x16xf32, #tpu.memory_space<vmem>>
      tpu.enqueue_dma source(%dma_start3A_296 : memref<128x16xf32, #tpu.memory_space<vmem>>) target(%dma_start3A_293 : memref<128x16xf32, #tpu.memory_space<hbm>>) target_semaphore(%run_scoped3A : memref<!tpu.dma_semaphore, #tpu.memory_space<semaphore_mem>>)
      %dma_wait3A_297 = arith.constant 0 : i32
      %dma_wait3A_298 = arith.constant 0 : i32
      %dma_wait3A_299 = tpu.memref_slice %arg12[%dma_wait3A_297, %dma_wait3A_298] : memref<128x16xf32, #tpu.memory_space<vmem>> -> memref<128x16xf32, #tpu.memory_space<vmem>>
      %dma_wait3A_300 = arith.constant 0 : i32
      %dma_wait3A_301 = tpu.memref_slice %arg6[%arg0, %add3A_252, %dma_wait3A_300] : memref<2x5120x16xf32, #tpu.memory_space<hbm>> -> memref<1x128x16xf32, #tpu.memory_space<hbm>>
      %dma_wait3A_302 = tpu.memref_squeeze %dma_wait3A_301 : memref<1x128x16xf32, #tpu.memory_space<hbm>> -> memref<128x16xf32, #tpu.memory_space<hbm>>
      %dma_wait3A_303 = arith.constant 0 : i32
      %dma_wait3A_304 = tpu.memref_slice %arg6[%arg0, %add3A_252, %dma_wait3A_303] : memref<2x5120x16xf32, #tpu.memory_space<hbm>> -> memref<1x128x16xf32, #tpu.memory_space<hbm>>
      %dma_wait3A_305 = tpu.memref_squeeze %dma_wait3A_304 : memref<1x128x16xf32, #tpu.memory_space<hbm>> -> memref<128x16xf32, #tpu.memory_space<hbm>>
      %dma_wait3A_306 = arith.constant 0 : i32
      %dma_wait3A_307 = arith.constant 0 : i32
      %dma_wait3A_308 = tpu.memref_slice %arg12[%dma_wait3A_306, %dma_wait3A_307] : memref<128x16xf32, #tpu.memory_space<vmem>> -> memref<128x16xf32, #tpu.memory_space<vmem>>
      tpu.wait_dma2 semaphore(%run_scoped3A : memref<!tpu.dma_semaphore, #tpu.memory_space<semaphore_mem>>) src(%dma_wait3A_308 : memref<128x16xf32, #tpu.memory_space<vmem>>) dst(%dma_wait3A_305 : memref<128x16xf32, #tpu.memory_space<hbm>>)
      tpu.yield
    }) : () -> ()
    %dma_start3A_253 = arith.constant 1 : i32
    %dma_start3A_254 = arith.constant 0 : i32
    %dma_start3A_255 = tpu.memref_slice %arg9[%dma_start3A_253, %dma_start3A_254] : memref<3x128xi32, #tpu.memory_space<vmem>> -> memref<1x128xi32, #tpu.memory_space<vmem>>
    %dma_start3A_256 = tpu.memref_squeeze %dma_start3A_255 : memref<1x128xi32, #tpu.memory_space<vmem>> -> memref<128xi32, #tpu.memory_space<vmem>>
    %dma_start3A_257 = arith.constant 0 : i32
    %dma_start3A_258 = arith.constant 0 : i32
    %dma_start3A_259 = tpu.memref_slice %arg14[%dma_start3A_257, %dma_start3A_258] : memref<10240x16xf32, #tpu.memory_space<vmem_shared>> -> memref<10240x16xf32, #tpu.memory_space<vmem_shared>>
    tpu.enqueue_indirect_dma source(%dma_start3A_259 : memref<10240x16xf32, #tpu.memory_space<vmem_shared>>) target(%arg12 : memref<128x16xf32, #tpu.memory_space<vmem>>) offsets(%dma_start3A_256 : memref<128xi32, #tpu.memory_space<vmem>>) semaphore(%arg15 : memref<!tpu.dma_semaphore, #tpu.memory_space<semaphore_mem>>)
    %dma_wait3A_260 = arith.constant 1 : i32
    %dma_wait3A_261 = arith.constant 0 : i32
    %dma_wait3A_262 = tpu.memref_slice %arg9[%dma_wait3A_260, %dma_wait3A_261] : memref<3x128xi32, #tpu.memory_space<vmem>> -> memref<1x128xi32, #tpu.memory_space<vmem>>
    %dma_wait3A_263 = tpu.memref_squeeze %dma_wait3A_262 : memref<1x128xi32, #tpu.memory_space<vmem>> -> memref<128xi32, #tpu.memory_space<vmem>>
    %dma_wait3A_264 = arith.constant 0 : i32
    %dma_wait3A_265 = arith.constant 0 : i32
    %dma_wait3A_266 = tpu.memref_slice %arg14[%dma_wait3A_264, %dma_wait3A_265] : memref<10240x16xf32, #tpu.memory_space<vmem_shared>> -> memref<10240x16xf32, #tpu.memory_space<vmem_shared>>
    tpu.wait_indirect_dma semaphore(%arg15 : memref<!tpu.dma_semaphore, #tpu.memory_space<semaphore_mem>>) src(%dma_wait3A_266 : memref<10240x16xf32, #tpu.memory_space<vmem_shared>>) dst(%arg12 : memref<128x16xf32, #tpu.memory_space<vmem>>)
    %add3A_267 = arith.constant 128 : i32
    %add3A_268 = arith.addi %mul3A_236, %add3A_267 : i32
    "tpu.region"() ({
      %run_scoped3A = tpu.sem_alloc : memref<!tpu.dma_semaphore, #tpu.memory_space<semaphore_mem>>
      %dma_start3A_285 = arith.constant 0 : i32
      %dma_start3A_286 = arith.constant 0 : i32
      %dma_start3A_287 = tpu.memref_slice %arg12[%dma_start3A_285, %dma_start3A_286] : memref<128x16xf32, #tpu.memory_space<vmem>> -> memref<128x16xf32, #tpu.memory_space<vmem>>
      %dma_start3A_288 = arith.constant 0 : i32
      %dma_start3A_289 = tpu.memref_slice %arg6[%arg0, %add3A_268, %dma_start3A_288] : memref<2x5120x16xf32, #tpu.memory_space<hbm>> -> memref<1x128x16xf32, #tpu.memory_space<hbm>>
      %dma_start3A_290 = tpu.memref_squeeze %dma_start3A_289 : memref<1x128x16xf32, #tpu.memory_space<hbm>> -> memref<128x16xf32, #tpu.memory_space<hbm>>
      %dma_start3A_291 = arith.constant 0 : i32
      %dma_start3A_292 = tpu.memref_slice %arg6[%arg0, %add3A_268, %dma_start3A_291] : memref<2x5120x16xf32, #tpu.memory_space<hbm>> -> memref<1x128x16xf32, #tpu.memory_space<hbm>>
      %dma_start3A_293 = tpu.memref_squeeze %dma_start3A_292 : memref<1x128x16xf32, #tpu.memory_space<hbm>> -> memref<128x16xf32, #tpu.memory_space<hbm>>
      %dma_start3A_294 = arith.constant 0 : i32
      %dma_start3A_295 = arith.constant 0 : i32
      %dma_start3A_296 = tpu.memref_slice %arg12[%dma_start3A_294, %dma_start3A_295] : memref<128x16xf32, #tpu.memory_space<vmem>> -> memref<128x16xf32, #tpu.memory_space<vmem>>
      tpu.enqueue_dma source(%dma_start3A_296 : memref<128x16xf32, #tpu.memory_space<vmem>>) target(%dma_start3A_293 : memref<128x16xf32, #tpu.memory_space<hbm>>) target_semaphore(%run_scoped3A : memref<!tpu.dma_semaphore, #tpu.memory_space<semaphore_mem>>)
      %dma_wait3A_297 = arith.constant 0 : i32
      %dma_wait3A_298 = arith.constant 0 : i32
      %dma_wait3A_299 = tpu.memref_slice %arg12[%dma_wait3A_297, %dma_wait3A_298] : memref<128x16xf32, #tpu.memory_space<vmem>> -> memref<128x16xf32, #tpu.memory_space<vmem>>
      %dma_wait3A_300 = arith.constant 0 : i32
      %dma_wait3A_301 = tpu.memref_slice %arg6[%arg0, %add3A_268, %dma_wait3A_300] : memref<2x5120x16xf32, #tpu.memory_space<hbm>> -> memref<1x128x16xf32, #tpu.memory_space<hbm>>
      %dma_wait3A_302 = tpu.memref_squeeze %dma_wait3A_301 : memref<1x128x16xf32, #tpu.memory_space<hbm>> -> memref<128x16xf32, #tpu.memory_space<hbm>>
      %dma_wait3A_303 = arith.constant 0 : i32
      %dma_wait3A_304 = tpu.memref_slice %arg6[%arg0, %add3A_268, %dma_wait3A_303] : memref<2x5120x16xf32, #tpu.memory_space<hbm>> -> memref<1x128x16xf32, #tpu.memory_space<hbm>>
      %dma_wait3A_305 = tpu.memref_squeeze %dma_wait3A_304 : memref<1x128x16xf32, #tpu.memory_space<hbm>> -> memref<128x16xf32, #tpu.memory_space<hbm>>
      %dma_wait3A_306 = arith.constant 0 : i32
      %dma_wait3A_307 = arith.constant 0 : i32
      %dma_wait3A_308 = tpu.memref_slice %arg12[%dma_wait3A_306, %dma_wait3A_307] : memref<128x16xf32, #tpu.memory_space<vmem>> -> memref<128x16xf32, #tpu.memory_space<vmem>>
      tpu.wait_dma2 semaphore(%run_scoped3A : memref<!tpu.dma_semaphore, #tpu.memory_space<semaphore_mem>>) src(%dma_wait3A_308 : memref<128x16xf32, #tpu.memory_space<vmem>>) dst(%dma_wait3A_305 : memref<128x16xf32, #tpu.memory_space<hbm>>)
      tpu.yield
    }) : () -> ()
    %dma_start3A_269 = arith.constant 2 : i32
    %dma_start3A_270 = arith.constant 0 : i32
    %dma_start3A_271 = tpu.memref_slice %arg9[%dma_start3A_269, %dma_start3A_270] : memref<3x128xi32, #tpu.memory_space<vmem>> -> memref<1x128xi32, #tpu.memory_space<vmem>>
    %dma_start3A_272 = tpu.memref_squeeze %dma_start3A_271 : memref<1x128xi32, #tpu.memory_space<vmem>> -> memref<128xi32, #tpu.memory_space<vmem>>
    %dma_start3A_273 = arith.constant 0 : i32
    %dma_start3A_274 = arith.constant 0 : i32
    %dma_start3A_275 = tpu.memref_slice %arg14[%dma_start3A_273, %dma_start3A_274] : memref<10240x16xf32, #tpu.memory_space<vmem_shared>> -> memref<10240x16xf32, #tpu.memory_space<vmem_shared>>
    tpu.enqueue_indirect_dma source(%dma_start3A_275 : memref<10240x16xf32, #tpu.memory_space<vmem_shared>>) target(%arg12 : memref<128x16xf32, #tpu.memory_space<vmem>>) offsets(%dma_start3A_272 : memref<128xi32, #tpu.memory_space<vmem>>) semaphore(%arg15 : memref<!tpu.dma_semaphore, #tpu.memory_space<semaphore_mem>>)
    %dma_wait3A_276 = arith.constant 2 : i32
    %dma_wait3A_277 = arith.constant 0 : i32
    %dma_wait3A_278 = tpu.memref_slice %arg9[%dma_wait3A_276, %dma_wait3A_277] : memref<3x128xi32, #tpu.memory_space<vmem>> -> memref<1x128xi32, #tpu.memory_space<vmem>>
    %dma_wait3A_279 = tpu.memref_squeeze %dma_wait3A_278 : memref<1x128xi32, #tpu.memory_space<vmem>> -> memref<128xi32, #tpu.memory_space<vmem>>
    %dma_wait3A_280 = arith.constant 0 : i32
    %dma_wait3A_281 = arith.constant 0 : i32
    %dma_wait3A_282 = tpu.memref_slice %arg14[%dma_wait3A_280, %dma_wait3A_281] : memref<10240x16xf32, #tpu.memory_space<vmem_shared>> -> memref<10240x16xf32, #tpu.memory_space<vmem_shared>>
    tpu.wait_indirect_dma semaphore(%arg15 : memref<!tpu.dma_semaphore, #tpu.memory_space<semaphore_mem>>) src(%dma_wait3A_282 : memref<10240x16xf32, #tpu.memory_space<vmem_shared>>) dst(%arg12 : memref<128x16xf32, #tpu.memory_space<vmem>>)
    %add3A_283 = arith.constant 256 : i32
    %add3A_284 = arith.addi %mul3A_236, %add3A_283 : i32
    "tpu.region"() ({
      %run_scoped3A = tpu.sem_alloc : memref<!tpu.dma_semaphore, #tpu.memory_space<semaphore_mem>>
      %dma_start3A_285 = arith.constant 0 : i32
      %dma_start3A_286 = arith.constant 0 : i32
      %dma_start3A_287 = tpu.memref_slice %arg12[%dma_start3A_285, %dma_start3A_286] : memref<128x16xf32, #tpu.memory_space<vmem>> -> memref<64x16xf32, #tpu.memory_space<vmem>>
      %dma_start3A_288 = arith.constant 0 : i32
      %dma_start3A_289 = tpu.memref_slice %arg6[%arg0, %add3A_284, %dma_start3A_288] : memref<2x5120x16xf32, #tpu.memory_space<hbm>> -> memref<1x64x16xf32, #tpu.memory_space<hbm>>
      %dma_start3A_290 = tpu.memref_squeeze %dma_start3A_289 : memref<1x64x16xf32, #tpu.memory_space<hbm>> -> memref<64x16xf32, #tpu.memory_space<hbm>>
      %dma_start3A_291 = arith.constant 0 : i32
      %dma_start3A_292 = tpu.memref_slice %arg6[%arg0, %add3A_284, %dma_start3A_291] : memref<2x5120x16xf32, #tpu.memory_space<hbm>> -> memref<1x64x16xf32, #tpu.memory_space<hbm>>
      %dma_start3A_293 = tpu.memref_squeeze %dma_start3A_292 : memref<1x64x16xf32, #tpu.memory_space<hbm>> -> memref<64x16xf32, #tpu.memory_space<hbm>>
      %dma_start3A_294 = arith.constant 0 : i32
      %dma_start3A_295 = arith.constant 0 : i32
      %dma_start3A_296 = tpu.memref_slice %arg12[%dma_start3A_294, %dma_start3A_295] : memref<128x16xf32, #tpu.memory_space<vmem>> -> memref<64x16xf32, #tpu.memory_space<vmem>>
      tpu.enqueue_dma source(%dma_start3A_296 : memref<64x16xf32, #tpu.memory_space<vmem>>) target(%dma_start3A_293 : memref<64x16xf32, #tpu.memory_space<hbm>>) target_semaphore(%run_scoped3A : memref<!tpu.dma_semaphore, #tpu.memory_space<semaphore_mem>>)
      %dma_wait3A_297 = arith.constant 0 : i32
      %dma_wait3A_298 = arith.constant 0 : i32
      %dma_wait3A_299 = tpu.memref_slice %arg12[%dma_wait3A_297, %dma_wait3A_298] : memref<128x16xf32, #tpu.memory_space<vmem>> -> memref<64x16xf32, #tpu.memory_space<vmem>>
      %dma_wait3A_300 = arith.constant 0 : i32
      %dma_wait3A_301 = tpu.memref_slice %arg6[%arg0, %add3A_284, %dma_wait3A_300] : memref<2x5120x16xf32, #tpu.memory_space<hbm>> -> memref<1x64x16xf32, #tpu.memory_space<hbm>>
      %dma_wait3A_302 = tpu.memref_squeeze %dma_wait3A_301 : memref<1x64x16xf32, #tpu.memory_space<hbm>> -> memref<64x16xf32, #tpu.memory_space<hbm>>
      %dma_wait3A_303 = arith.constant 0 : i32
      %dma_wait3A_304 = tpu.memref_slice %arg6[%arg0, %add3A_284, %dma_wait3A_303] : memref<2x5120x16xf32, #tpu.memory_space<hbm>> -> memref<1x64x16xf32, #tpu.memory_space<hbm>>
      %dma_wait3A_305 = tpu.memref_squeeze %dma_wait3A_304 : memref<1x64x16xf32, #tpu.memory_space<hbm>> -> memref<64x16xf32, #tpu.memory_space<hbm>>
      %dma_wait3A_306 = arith.constant 0 : i32
      %dma_wait3A_307 = arith.constant 0 : i32
      %dma_wait3A_308 = tpu.memref_slice %arg12[%dma_wait3A_306, %dma_wait3A_307] : memref<128x16xf32, #tpu.memory_space<vmem>> -> memref<64x16xf32, #tpu.memory_space<vmem>>
      tpu.wait_dma2 semaphore(%run_scoped3A : memref<!tpu.dma_semaphore, #tpu.memory_space<semaphore_mem>>) src(%dma_wait3A_308 : memref<64x16xf32, #tpu.memory_space<vmem>>) dst(%dma_wait3A_305 : memref<64x16xf32, #tpu.memory_space<hbm>>)
      tpu.yield
    }) : () -> ()
    return
  }
}

module attributes {stable_mosaic.version = 14 : i64} {
  func.func @_mm1_body(%arg0: memref<10000x128xf32, #tpu.memory_space<vmem>>, %arg1: memref<128x16xf32, #tpu.memory_space<vmem>>, %arg2: memref<10240x16xf32, #tpu.memory_space<vmem>>) attributes {dimension_semantics = [], scalar_prefetch = 0 : i64, scratch_operands = 0 : i64, tpu.core_type = #tpu.core_type<tc>} {
    %get3A = arith.constant 0 : index
    %get3A_0 = arith.constant 0 : index
    %get3A_1 = vector.load %arg0[%get3A, %get3A_0] : memref<10000x128xf32, #tpu.memory_space<vmem>>, vector<10000x128xf32>
    %get3A_2 = arith.constant 0 : index
    %get3A_3 = arith.constant 0 : index
    %get3A_4 = vector.load %arg1[%get3A_2, %get3A_3] : memref<128x16xf32, #tpu.memory_space<vmem>>, vector<128x16xf32>
    %dot_general3A = arith.constant dense<0.000000e+00> : vector<10000x16xf32>
    %dot_general3A_5 = tpu.matmul %get3A_1, %get3A_4, %dot_general3A {dimension_numbers = #tpu.dot_dimension_numbers<[1], [0], [0], [1], [0, 0, 1, 1], [], []>, transpose_lhs_hint = false} : vector<10000x128xf32>, vector<128x16xf32>, vector<10000x16xf32> -> vector<10000x16xf32>
    %broadcast_in_dim3A = arith.constant 0.000000e+00 : f32
    %broadcast_in_dim3A_6 = vector.broadcast %broadcast_in_dim3A : f32 to vector<10240x16xf32>
    %swap3A = arith.constant 0 : index
    %swap3A_7 = arith.constant 0 : index
    %swap3A_8 = vector.load %arg2[%swap3A, %swap3A_7] : memref<10240x16xf32, #tpu.memory_space<vmem>>, vector<10240x16xf32>
    tpu.vector_store %arg2[%swap3A, %swap3A_7], %broadcast_in_dim3A_6 {strides = array<i32>} : memref<10240x16xf32, #tpu.memory_space<vmem>>, vector<10240x16xf32>,
    %swap3A_9 = arith.constant 0 : index
    %swap3A_10 = arith.constant 0 : index
    %swap3A_11 = vector.load %arg2[%swap3A_9, %swap3A_10] : memref<10240x16xf32, #tpu.memory_space<vmem>>, vector<10000x16xf32>
    tpu.vector_store %arg2[%swap3A_9, %swap3A_10], %dot_general3A_5 {strides = array<i32>} : memref<10240x16xf32, #tpu.memory_space<vmem>>, vector<10000x16xf32>,
    return
  }
}

module attributes {stable_mosaic.version = 14 : i64} {
  func.func @_mid_body(%arg0: memref<2x5120x16xf32, #tpu.memory_space<vmem>>, %arg1: memref<1x16xf32, #tpu.memory_space<vmem>>, %arg2: memref<16x16xf32, #tpu.memory_space<vmem>>, %arg3: memref<10240x16xf32, #tpu.memory_space<vmem>>) attributes {dimension_semantics = [], scalar_prefetch = 0 : i64, scratch_operands = 0 : i64, tpu.core_type = #tpu.core_type<tc>} {
    %get3A = arith.constant 0 : index
    %get3A_0 = arith.constant 0 : index
    %get3A_1 = arith.constant 0 : index
    %get3A_2 = vector.load %arg0[%get3A, %get3A_0, %get3A_1] : memref<2x5120x16xf32, #tpu.memory_space<vmem>>, vector<1x5120x16xf32>
    %get3A_3 = vector.shape_cast %get3A_2 : vector<1x5120x16xf32> to vector<5120x16xf32>
    %get3A_4 = arith.constant 1 : index
    %get3A_5 = arith.constant 0 : index
    %get3A_6 = arith.constant 0 : index
    %get3A_7 = vector.load %arg0[%get3A_4, %get3A_5, %get3A_6] : memref<2x5120x16xf32, #tpu.memory_space<vmem>>, vector<1x4880x16xf32>
    %get3A_8 = vector.shape_cast %get3A_7 : vector<1x4880x16xf32> to vector<4880x16xf32>
    %concatenate3A = tpu.concatenate %get3A_3, %get3A_8 in 0 : vector<5120x16xf32>, vector<4880x16xf32> -> vector<10000x16xf32>
    %get3A_9 = arith.constant 0 : index
    %get3A_10 = arith.constant 0 : index
    %get3A_11 = vector.load %arg1[%get3A_9, %get3A_10] : memref<1x16xf32, #tpu.memory_space<vmem>>, vector<1x16xf32>
    %add3A = vector.broadcast %get3A_11 : vector<1x16xf32> to vector<10000x16xf32>
    %add3A_12 = arith.addf %concatenate3A, %add3A : vector<10000x16xf32>
    %max3A = arith.constant 0.000000e+00 : f32
    %max3A_13 = vector.broadcast %max3A : f32 to vector<10000x16xf32>
    %max3A_14 = arith.maximumf %add3A_12, %max3A_13 : vector<10000x16xf32>
    %get3A_15 = arith.constant 0 : index
    %get3A_16 = arith.constant 0 : index
    %get3A_17 = vector.load %arg2[%get3A_15, %get3A_16] : memref<16x16xf32, #tpu.memory_space<vmem>>, vector<16x16xf32>
    %dot_general3A = arith.constant dense<0.000000e+00> : vector<10000x16xf32>
    %dot_general3A_18 = tpu.matmul %max3A_14, %get3A_17, %dot_general3A {dimension_numbers = #tpu.dot_dimension_numbers<[1], [0], [0], [1], [0, 0, 1, 1], [], []>, transpose_lhs_hint = false} : vector<10000x16xf32>, vector<16x16xf32>, vector<10000x16xf32> -> vector<10000x16xf32>
    %broadcast_in_dim3A = arith.constant 0.000000e+00 : f32
    %broadcast_in_dim3A_19 = vector.broadcast %broadcast_in_dim3A : f32 to vector<10240x16xf32>
    %swap3A = arith.constant 0 : index
    %swap3A_20 = arith.constant 0 : index
    %swap3A_21 = vector.load %arg3[%swap3A, %swap3A_20] : memref<10240x16xf32, #tpu.memory_space<vmem>>, vector<10240x16xf32>
    tpu.vector_store %arg3[%swap3A, %swap3A_20], %broadcast_in_dim3A_19 {strides = array<i32>} : memref<10240x16xf32, #tpu.memory_space<vmem>>, vector<10240x16xf32>,
    %swap3A_22 = arith.constant 0 : index
    %swap3A_23 = arith.constant 0 : index
    %swap3A_24 = vector.load %arg3[%swap3A_22, %swap3A_23] : memref<10240x16xf32, #tpu.memory_space<vmem>>, vector<10000x16xf32>
    tpu.vector_store %arg3[%swap3A_22, %swap3A_23], %dot_general3A_18 {strides = array<i32>} : memref<10240x16xf32, #tpu.memory_space<vmem>>, vector<10000x16xf32>,
    return
  }
}

module attributes {stable_mosaic.version = 14 : i64} {
  func.func @_fin_body(%arg0: memref<2x5120x16xf32, #tpu.memory_space<vmem>>, %arg1: memref<1x7xf32, #tpu.memory_space<vmem>>, %arg2: memref<10000x7xf32, #tpu.memory_space<vmem>>) attributes {dimension_semantics = [], scalar_prefetch = 0 : i64, scratch_operands = 0 : i64, tpu.core_type = #tpu.core_type<tc>} {
    %get3A = arith.constant 0 : index
    %get3A_0 = arith.constant 0 : index
    %get3A_1 = arith.constant 0 : index
    %get3A_2 = vector.load %arg0[%get3A, %get3A_0, %get3A_1] : memref<2x5120x16xf32, #tpu.memory_space<vmem>>, vector<1x5120x7xf32>
    %get3A_3 = vector.shape_cast %get3A_2 : vector<1x5120x7xf32> to vector<5120x7xf32>
    %get3A_4 = arith.constant 1 : index
    %get3A_5 = arith.constant 0 : index
    %get3A_6 = arith.constant 0 : index
    %get3A_7 = vector.load %arg0[%get3A_4, %get3A_5, %get3A_6] : memref<2x5120x16xf32, #tpu.memory_space<vmem>>, vector<1x4880x7xf32>
    %get3A_8 = vector.shape_cast %get3A_7 : vector<1x4880x7xf32> to vector<4880x7xf32>
    %concatenate3A = tpu.concatenate %get3A_3, %get3A_8 in 0 : vector<5120x7xf32>, vector<4880x7xf32> -> vector<10000x7xf32>
    %get3A_9 = arith.constant 0 : index
    %get3A_10 = arith.constant 0 : index
    %get3A_11 = vector.load %arg1[%get3A_9, %get3A_10] : memref<1x7xf32, #tpu.memory_space<vmem>>, vector<1x7xf32>
    %add3A = vector.broadcast %get3A_11 : vector<1x7xf32> to vector<10000x7xf32>
    %add3A_12 = arith.addf %concatenate3A, %add3A : vector<10000x7xf32>
    %swap3A = arith.constant 0 : index
    %swap3A_13 = arith.constant 0 : index
    %swap3A_14 = vector.load %arg2[%swap3A, %swap3A_13] : memref<10000x7xf32, #tpu.memory_space<vmem>>, vector<10000x7xf32>
    tpu.vector_store %arg2[%swap3A, %swap3A_13], %add3A_12 {strides = array<i32>} : memref<10000x7xf32, #tpu.memory_space<vmem>>, vector<10000x7xf32>,
    return
  }
}

</mosaic_0001>

<sc_bundles>
// kernel: kernel.10.cloned.1.call-start
scs
__scs_entry_jumppad:
0x0: {  	(pc) =	sbr.rel $0x88, $3  }
0x1: {  	(tag) =	ssettag $0x0;
	lr =	simm.s32 $0x1  }
0x2: {  	[smem:$0x3F9B] =	sst lr;
	_ =	strace $0xD0000000  }
0x3: {  	_ = 	snop  }
0x4: {  	_ = 	snop  }
0x5: {  	_ = 	snop  }
0x6: {  	_ = 	snop  }
0x7: {  	_ = 	snop  }
__scs_overlays_trampoline_lowered:
0x8: {  	[smem:$0x3FAA] =	sst s0  }
0x9: {  	[smem:$0x3FAB] =	sst s1  }
0xa: {  	[smem:$0x3FAC] =	sst s2  }
0xb: {  	[smem:$0x3FAD] =	sst s3  }
0xc: {  	[smem:$0x3FAE] =	sst s4  }
0xd: {  	[smem:$0x3FAF] =	sst s5  }
0xe: {  	[smem:$0x3FB0] =	sst s6  }
0xf: {  	[smem:$0x3FB1] =	sst s7  }
0x10: {  	[smem:$0x3FB2] =	sst s8  }
0x11: {  	[smem:$0x3FB3] =	sst s9;
	s0 =	simm.s32 @!p0 $0x0  }
0x12: {  	s1 =	sld [smem:$0x3F99];
	s0 =	simm.s32 @p0 $0x1  }
0x13: {  	[smem:$0x3FB4] =	sst s0;
	s0 =	simm.s32 @!p1 $0x0  }
0x14: {  	s2 =	sld [smem:$0x3F98];
	s0 =	simm.s32 @p1 $0x1  }
0x15: {  	[smem:$0x3FB5] =	sst s0;
	s0 =	simm.s32 @!p2 $0x0  }
0x16: {  	s3 =	sld [smem:$0x3FDB];
	s0 =	simm.s32 @p2 $0x1  }
0x17: {  	s4 =	simm.s32 $0x1BF5;
	[smem:$0x3FB7] =	sst s0  }
0x18: {  	s0 =	sld [smem:$0x3F9A];
	_ =	swait.ge [sflag:s4], $0x0  }
0x19: {  	s7 =	sld [smem:$0x3F9B]  }
0x1a: {  	s8 =	sadd.s32 $0xFFFFE003, lr  }
0x1b: {  	s9 =	sadd.s32 $0xFFFFFEF7, lr;
	s5 =	simm.s32 $0xFFFFFFFF;
	p2 =	slt.u32 s8, $0xFFFFF086  }
0x1c: {  	p1 =	slt.u32 s9, $0xF7A;
	s5 =	simm.s32 @!p2 $0x0  }
0x1d: {  	s5 =	simm.s32 @p1 $0x1;
	p0 =	seq.s32 s7, s2  }
0x1e: {  	s7 =	smul.u32 @!p0 $0xF7A, s2;
	p2 =	seq.s32 @!p0 s5, $0x0  }
0x1f: {  	s9 =	smul.u32 $0xF7A, s1;
	s8 =	simm.s32 @!p0 $0x1BF5;
	p2 =	por !p2, p0  }
0x20: {  	[sflag:s8] =	ssyncset.s32 @!p0 $0xFFFFF086;
	s6 =	sadd.s32 @!p0 s3, s7;
	s7 =	simm.s32 @!p0 $0x108  }
0x21: {  	s3 =	sadd.s32 s3, s9;
	s6 =	sadd.s32 @!p0 $0x88, s6;
	s7 =	simm.s32 @p2 $0x1082  }
0x22: {  	[simem:s7], [sflag:s8] =	dma.local @!p0 [hbm:s6], $0xF7A  }
0x23: {  	s9 =	sor.u32 $0xD0000000, s2;
	s6 =	simm.s32 $0x108;
	_ =	swait.ge @!p0 [sflag:s8], $0x0  }
0x24: {  	s3 =	sadd.s32 $0x88, s3;
	s6 =	simm.s32 @!p1 $0x1082;
	[sflag:s4] =	ssyncset.s32 $0xFFFFF086  }
0x25: {  	[simem:s6], [sflag:s4] =	dma.local [hbm:s3], $0xF7A  }
0x26: {  	[smem:$0x3F9B] =	sst s1;
	(tag) =	ssettag s2;
	_ =	strace s9  }
0x27: {  	s1 =	sld [smem:$0x3FAB]  }
0x28: {  	s2 =	sld [smem:$0x3FAC]  }
0x29: {  	s4 =	sld [smem:$0x3FAE]  }
0x2a: {  	p0 =	seq.s32 s5, $0x0;
	s5 =	sld [smem:$0x3FAF]  }
0x2b: {  	s6 =	sld [smem:$0x3FB0]  }
0x2c: {  	s7 =	sld [smem:$0x3FB1]  }
0x2d: {  	s3 =	simm.s32 $0x108;
	s8 =	sld [smem:$0x3FB2]  }
0x2e: {  	s3 =	simm.s32 @!p0 $0x1082;
	s9 =	sld [smem:$0x3FB3]  }
0x2f: {  	lr =	sadd.s32 s0, s3;
	s0 =	sld [smem:$0x3FAA]  }
0x30: {  	s3 =	sld [smem:$0x3FAD]  }
0x31: {  	[smem:$0x3FB6] =	sst s10  }
0x32: {  	s10 =	sld [smem:$0x3FB4];
	_ =	sdelay $0x3  }
0x33: {  	p0 =	seq.s32 s10, $0x1;
	s10 =	sld [smem:$0x3FB6];
	_ =	sdelay $0x3  }
0x34: {  	[smem:$0x3FB6] =	sst s10  }
0x35: {  	s10 =	sld [smem:$0x3FB5];
	_ =	sdelay $0x3  }
0x36: {  	p1 =	seq.s32 s10, $0x1;
	s10 =	sld [smem:$0x3FB6];
	_ =	sdelay $0x3  }
0x37: {  	[smem:$0x3FB6] =	sst s10  }
0x38: {  	s10 =	sld [smem:$0x3FB7]  }
0x39: {  	_ = 	snop;
	(pc) =	sbr.ind lr, $3  }
0x3a: {  	_ = 	snop  }
0x3b: {  	_ = 	snop  }
0x3c: {  	p2 =	seq.s32 s10, $0x1;
	s10 =	sld [smem:$0x3FB6]  }
0x3d: {  	_ =	shalt  }
0x3e: {  	_ =	shalt  }
0x3f: {  	_ =	shalt  }
0x40: {  	_ =	shalt  }
0x41: {  	_ =	shalt  }
0x42: {  	_ =	shalt  }
0x43: {  	_ =	shalt  }
0x44: {  	_ =	shalt  }
0x45: {  	_ =	shalt  }
0x46: {  	_ =	shalt  }
0x47: {  	_ =	shalt  }
0x48: {  	_ =	shalt  }
0x49: {  	_ =	shalt  }
0x4a: {  	_ =	shalt  }
0x4b: {  	_ =	shalt  }
0x4c: {  	_ =	shalt  }
0x4d: {  	_ =	shalt  }
0x4e: {  	_ =	shalt  }
0x4f: {  	_ =	shalt  }
0x50: {  	_ =	shalt  }
0x51: {  	_ =	shalt  }
0x52: {  	_ =	shalt  }
0x53: {  	_ =	shalt  }
0x54: {  	_ =	shalt  }
0x55: {  	_ =	shalt  }
0x56: {  	_ =	shalt  }
0x57: {  	_ =	shalt  }
0x58: {  	_ =	shalt  }
0x59: {  	_ =	shalt  }
0x5a: {  	_ =	shalt  }
0x5b: {  	_ =	shalt  }
0x5c: {  	_ =	shalt  }
0x5d: {  	_ =	shalt  }
0x5e: {  	_ =	shalt  }
0x5f: {  	_ =	shalt  }
0x60: {  	_ =	shalt  }
0x61: {  	_ =	shalt  }
0x62: {  	_ =	shalt  }
0x63: {  	_ =	shalt  }
0x64: {  	_ =	shalt  }
0x65: {  	_ =	shalt  }
0x66: {  	_ =	shalt  }
0x67: {  	_ =	shalt  }
0x68: {  	_ =	shalt  }
0x69: {  	_ =	shalt  }
0x6a: {  	_ =	shalt  }
0x6b: {  	_ =	shalt  }
0x6c: {  	_ =	shalt  }
0x6d: {  	_ =	shalt  }
0x6e: {  	_ =	shalt  }
0x6f: {  	_ =	shalt  }
0x70: {  	_ =	shalt  }
0x71: {  	_ =	shalt  }
0x72: {  	_ =	shalt  }
0x73: {  	_ =	shalt  }
0x74: {  	_ =	shalt  }
0x75: {  	_ =	shalt  }
0x76: {  	_ =	shalt  }
0x77: {  	_ =	shalt  }
0x78: {  	_ =	shalt  }
0x79: {  	_ =	shalt  }
0x7a: {  	_ =	shalt  }
0x7b: {  	_ =	shalt  }
0x7c: {  	_ =	shalt  }
0x7d: {  	_ =	shalt  }
0x7e: {  	_ =	shalt  }
0x7f: {  	_ =	shalt  }
0x80: {  	_ =	shalt  }
0x81: {  	_ =	shalt  }
0x82: {  	_ =	shalt  }
0x83: {  	_ =	shalt  }
0x84: {  	_ =	shalt  }
0x85: {  	_ =	shalt  }
0x86: {  	_ =	shalt  }
0x87: {  	_ =	shalt  }
.Lfunc_end0:
.L_simem_size_0:
called_computation.1_lowered:
.L_overlay_start_0:
0x88: {  	s2 =	sld [smem:$0x3FD9]  }
0x89: {  	s3 =	sld [smem:$0x3FFE];
	_ =	sdelay $0x1  }
0x8a: {  	s1 =	srdreg.scid  }
0x8b: {  	s0 =	sand.u32 $0x1, s1  }
0x8c: {  	s17 =	sshll.u32 s0, $0xA;
	s2 =	sadd.s32 s3, s2  }
0x8d: {  	s2 =	sadd.s32 s2, s17  }
0x8e: {  	[smem:$0x3FC2] =	sst s2  }
0x8f: {  	_ = 	snop  }
0x90: {  	s2 =	sld [smem:$0x3FD0];
	(tm) =	ssettm $0x1  }
0x91: {  	s18 =	sld [smem:$0x3FFB];
	_ =	sdelay $0x3  }
0x92: {  	_ =	strace s18  }
0x93: {  	s3 =	sld [smem:$0x3FFC];
	_ =	sdelay $0x3  }
0x94: {  	_ =	strace s3  }
0x95: {  	s3 =	sld [smem:$0x3FFD];
	_ =	sdelay $0x3  }
0x96: {  	_ =	strace s3  }
0x97: {  	_ =	strace $0x8FFFFFFF  }
0x98: {  	s19 =	sld [smem:$0x3FDB];
	_ =	sdelay $0x1  }
0x99: {  	s4 =	simm.s32 $_scs_section_size  }
0x9a: {  	s5 =	simm.s32 $_size__tile_overlayer_lowered;
	s6 =	simm.s32 $_tile_overlayer_lowered  }
0x9b: {  	s22 =	simm.s32 $0x1BFF;
	s21 =	sshll.u32 s6, $0x1;
	s3 =	sadd.s32 s4, s19  }
0x9c: {  	s7 =	simm.s32 $0x0;
	s20 =	sshll.u32 s5, $0x1;
	s5 =	sadd.s32 s21, s3  }
0x9d: {  	[timem:s7], [sflag:s22] =	dma.local [hbm:s5], s20  }
0x9e: {  	_ =	swait.ge [sflag:s22], s20  }
0x9f: {  	s4 =	ssub.s32 $0x0, s20;
	[sflag:s22] =	ssyncset.done $0x0  }
0xa0: {  	[sflag:s22] =	ssyncadd.s32 s4;
	_ =	sdelay $0x1  }
0xa1: {  	s23 =	simm.s32 $0x1B8B  }
0xa2: {  	_ =	swait.ge [sflag:s23], $0x1  }
0xa3: {  	[sflag:s23] =	ssyncset.done $0x0  }
0xa4: {  	s25 =	simm.s32 $0x1B8E;
	s24 =	sld [smem:$0x3FFE];
	[sflag:s23] =	ssyncadd.s32 $0xFFFFFFFF  }
0xa5: {  	s26 =	simm.s32 $execute0_lowered;
	[smem:$0x3FD2] =	sst s25  }
0xa6: {  	s5 =	sshll.u32 s26, $0x1;
	_ =	strace $0x80000049;
	[dreg:$0x1] =	wrdreg $0xFFFFFFFF  }
0xa7: {  	s28 =	simm.s32 $_size_execute0_lowered;
	s3 =	sadd.s32 s3, s5;
	[dreg:$0x0] =	wrdreg $0x0  }
0xa8: {  	s5 =	sshll.u32 s28, $0x1;
	[dreg:$0x2] =	wrdreg s3  }
0xa9: {  	[dreg:$0x3] =	wrdreg s5  }
0xaa: {  	[dreg:$0x4] =	wrdreg $0xC0  }
0xab: {  	_ =	task [dreg:s7], $0x5FFFF  }
0xac: {  	[dreg:$0x1] =	wrdreg $0xFFFFFFFF  }
0xad: {  	[dreg:$0x0] =	wrdreg $0x60  }
0xae: {  	[dreg:$0x2] =	wrdreg s24  }
0xaf: {  	[dreg:$0x3] =	wrdreg s2  }
0xb0: {  	[dreg:$0x4] =	wrdreg $0xB2800  }
0xb1: {  	[dreg:$0x5] =	wrdreg $0x9  }
0xb2: {  	_ =	task.clear_ibuf [dreg:s7], $0x6FFFF;
	_ =	strace $0x90000049  }
0xb3: {  	s29 =	simm.s32 $0x9;
	_ =	strace $0x8000004B  }
0xb4: {  	_ =	swait.ge [sflag:s29], $0x1  }
0xb5: {  	[sflag:s29] =	ssyncadd.s32 $0xFFFFFFFF  }
0xb6: {  	_ =	strace $0x9000004B  }
0xb7: {  	_ =	sfence  }
0xb8: {  	s30 =	sld [smem:$0x0];
	_ =	sdelay $0x2  }
0xb9: {  	s31 =	sshll.u32 s1, $0xD;
	s1 =	sshrl.u32 s1, $0x2  }
0xba: {  	s3 =	sand.u32 $0x4000, s31;
	s1 =	sadd.s32 s1, s30  }
0xbb: {  	s0 =	sor.u32 s3, s0;
	s1 =	sshll.u32 s1, $0x11  }
0xbc: {  	s0 =	sor.u32 s1, s0  }
0xbd: {  	s0 =	sadd.s32 $0x8F2B, s0  }
0xbe: {  	[sflag:s0] =	ssyncadd.remote.s32 $0x1  }
0xbf: {  	_ =	sfence.sel $0xFFFF  }
0xc0: {  	[dreg:$0x0] =	wrdreg $0xFFFFFFFF;
	(pc) =	sbr.abs _section_cstart, $3  }
0xc1: {  	[dreg:$0x1] =	wrdreg $0xFFFFFFFF  }
0xc2: {  	_ =	task.clear_ibuf [dreg:s7], $0x2FFFF;
	_ =	strace $0x9FFFFFFF  }
0xc3: {  	(tm) =	ssettm $0x7FFFFFFF  }
tec
execute0_lowered:
.L_overlay_start_1:
0x0: {  	(tag) =	ssettag $0x1  }
0x1: {  	s0 =	rddreg [dreg:$0x0]  }
0x2: {  	s2 =	rddreg [dreg:$0x1]  }
0x3: {  	s1 =	rddreg [dreg:$0x2];
	s3 =	srdreg.scid  }
0x4: {  	s10 =	stileid.u32;
	s12 =	simm.s32 $0xA000;
	s13 =	simm.s32 $0x5  }
0x5: {  	s15 =	simm.s32 $0x80;
	s16 =	simm.s32 $0xA180;
	s17 =	simm.s32 $0xA280  }
0x6: {  	s18 =	simm.s32 $0xAA80;
	s19 =	simm.s32 $0x3;
	s20 =	simm.s32 $0x2  }
0x7: {  	s22 =	simm.s32 $0x4;
	s23 =	simm.s32 $0x1;
	s6 =	smul.u32 $0x5000, s10  }
0x8: {  	s24 =	simm.s32 $0xA080;
	s5 =	sand.u32 $0x1, s3;
	s8 =	smul.u32 $0x1400, s10  }
0x9: {  	s25 =	simm.s32 $0xA100;
	s3 =	simm.s32 $0x0;
	s4 =	smul.u32 $0x50000, s5  }
0xa: {  	s26 =	simm.s32 $0x0;
	[smem:$0x7FF] =	sst s3;
	s7 =	smul.u32 $0x14000, s5  }
0xb: {  	s9 =	sshll.u32 s5, $0x4;
	s5 =	ssub.s32 $0x2, s5;
	_ =	strace $0x8000004A  }
0xc: {  	s9 =	sor.u32 s10, s9;
	s31 =	sshrl.u32 s5, $0x1;
	s6 =	sadd.s32 s6, s4  }
0xd: {  	s4 =	sadd.s32 $0x1000, s0;
	s7 =	sadd.s32 s8, s7;
	s28 =	smul.u32 $0x30, s9  }
0xe: {  	s11 =	ssub.s32 s5, s31;
	s6 =	sshrl.u32 s6, $0x3;
	s30 =	sshrl.u32 s7, $0x3  }
0xf: {  	s11 =	smax.u32 s11, $0x1;
	s29 =	sadd.s32 s6, s0;
	s0 =	sadd.s32 s30, s0  }
0x10: {  	s5 =	sadd.s32 s2, s28;
	s6 =	sadd.s32 $0x1A000, s29;
	s7 =	sadd.s32 $0x6000, s29  }
0x11: {  	v0 =	vimm.f32 $0.0e+00;
	s8 =	sadd.s32 $0x2E000, s0;
	s9 =	sadd.s32 $0x2E100, s0;
	s10 =	sadd.s32 $0x2E200, s0  }
.LBB2_1:
0x12: {  	[tilespmem:s12], [sflag:$0x5] =	stream.linear.gather [hbm4b:s5+s3], $0x180, $0x38;
	[tilespmem:$0xDA80] =	vst v63  }
0x13: {  	_ =	swait.ge [sflag:s13], $0x180  }
0x14: {  	[sflag:s13] =	ssyncset.done $0x0  }
0x15: {  	[sflag:s13] =	ssyncadd.s32 $0xFFFFFE80  }
0x16: {  	[tilespmem:s3], [sflag:$0x5] =	stream.linear.gather [hbm4b:s6+s3], $0x5000, $0x38;
	[tilespmem:$0xDA80] =	vst v63  }
0x17: {  	_ =	swait.ge [sflag:s13], $0x5000  }
0x18: {  	[sflag:s13] =	ssyncset.done $0x0  }
0x19: {  	s0 =	simm.s32 $0x5000;
	[sflag:s13] =	ssyncadd.s32 $0xFFFFB000  }
0x1a: {  	[tilespmem:s0], [sflag:$0x5] =	stream.linear.gather [hbm4b:s7+s3], $0x5000, $0x38;
	[tilespmem:$0xDA80] =	vst v63  }
0x1b: {  	_ =	swait.ge [sflag:s13], $0x5000  }
0x1c: {  	[sflag:s13] =	ssyncset.done $0x0  }
0x1d: {  	s2 =	simm.s32 $0x0;
	s0 =	simm.s32 $0x40;
	[sflag:s13] =	ssyncadd.s32 $0xFFFFB000  }
.LBB2_2:
0x1e: {  	p0 =	sne.s32 s0, $0x1FC0;
	[tilespmem:s2+$0xA280] =	vst v0;
	s2 =	smov.u32 s0;
	s0 =	sadd.s32 $0x40, s0  }
.Ltmp0:
0x1f: {  	(pc) =	sbr.rel @p0 .LBB2_2-.Ltmp0, $2  }
0x20: {  	_ =	sdelay $0x2  }
0x21: {  	s2 =	sshra.s32 s2, $0x2  }
0x22: {  	[tilespmem:s2+$0xA280] =	vst v0  }
0x23: {  	v1 =	vld [tilespmem:$0xA000]  }
0x24: {  	v2 =	vld [tilespmem:$0xA010]  }
0x25: {  	v3 =	vld [tilespmem:$0xA020]  }
0x26: {  	v4 =	vld [tilespmem:$0xA030]  }
0x27: {  	v5 =	vld [tilespmem:$0xA040]  }
0x28: {  	[tilespmem:$0xA180] =	vst v1;
	v1 =	vld [tilespmem:$0xA050]  }
0x29: {  	[tilespmem:$0xA190] =	vst v2;
	v2 =	vld [tilespmem:$0xA060]  }
0x2a: {  	[tilespmem:$0xA1A0] =	vst v3;
	v3 =	vld [tilespmem:$0xA070]  }
0x2b: {  	[tilespmem:$0xA1B0] =	vst v4  }
0x2c: {  	[tilespmem:$0xA1C0] =	vst v5  }
0x2d: {  	[tilespmem:$0xA1D0] =	vst v1  }
0x2e: {  	[tilespmem:$0xA1E0] =	vst v2  }
0x2f: {  	[tilespmem:$0xA1F0] =	vst v3  }
0x30: {  	[spmem:s1] =	stream.indirect.scatter [tilespmem:s17], [sflag:$0x5], $0x10, s16, s15, $0xb8;
	[tilespmem:$0xDA80] =	vst v63  }
0x31: {  	_ =	swait.ge [sflag:s13], $0x800  }
0x32: {  	[sflag:s13] =	ssyncset.done $0x0  }
0x33: {  	[sflag:s13] =	ssyncadd.s32 $0xFFFFF800  }
0x34: {  	v1 =	vld [tilespmem:$0xA080]  }
0x35: {  	v2 =	vld [tilespmem:$0xA090]  }
0x36: {  	v3 =	vld [tilespmem:$0xA0A0]  }
0x37: {  	v58 =	vld [tilespmem:$0xA0B0]  }
0x38: {  	v59 =	vld [tilespmem:$0xA0C0]  }
0x39: {  	[tilespmem:$0xA180] =	vst v1;
	v1 =	vld [tilespmem:$0xA0D0]  }
0x3a: {  	[tilespmem:$0xA190] =	vst v2;
	v2 =	vld [tilespmem:$0xA0E0]  }
0x3b: {  	[tilespmem:$0xA1A0] =	vst v3;
	v3 =	vld [tilespmem:$0xA0F0]  }
0x3c: {  	[tilespmem:$0xA1B0] =	vst v58  }
0x3d: {  	[tilespmem:$0xA1C0] =	vst v59  }
0x3e: {  	[tilespmem:$0xA1D0] =	vst v1  }
0x3f: {  	[tilespmem:$0xA1E0] =	vst v2  }
0x40: {  	[tilespmem:$0xA1F0] =	vst v3  }
0x41: {  	[spmem:s1] =	stream.indirect.scatter [tilespmem:s17], [sflag:$0x5], $0x10, s16, s15, $0xb8;
	[tilespmem:$0xDA80] =	vst v63  }
0x42: {  	_ =	swait.ge [sflag:s13], $0x800  }
0x43: {  	[sflag:s13] =	ssyncset.done $0x0  }
0x44: {  	[sflag:s13] =	ssyncadd.s32 $0xFFFFF800  }
0x45: {  	v1 =	vld [tilespmem:$0xA100]  }
0x46: {  	v2 =	vld [tilespmem:$0xA110]  }
0x47: {  	v3 =	vld [tilespmem:$0xA120]  }
0x48: {  	v60 =	vld [tilespmem:$0xA130]  }
0x49: {  	v61 =	vld [tilespmem:$0xA140]  }
0x4a: {  	[tilespmem:$0xA180] =	vst v1;
	v1 =	vld [tilespmem:$0xA150]  }
0x4b: {  	[tilespmem:$0xA190] =	vst v2;
	v2 =	vld [tilespmem:$0xA160]  }
0x4c: {  	[tilespmem:$0xA1A0] =	vst v3;
	v3 =	vld [tilespmem:$0xA170]  }
0x4d: {  	[tilespmem:$0xA1B0] =	vst v60  }
0x4e: {  	[tilespmem:$0xA1C0] =	vst v61  }
0x4f: {  	[tilespmem:$0xA1D0] =	vst v1  }
0x50: {  	[tilespmem:$0xA1E0] =	vst v2  }
0x51: {  	[tilespmem:$0xA1F0] =	vst v3  }
0x52: {  	[spmem:s1] =	stream.indirect.scatter [tilespmem:s17], [sflag:$0x5], $0x10, s16, s15, $0xb8;
	[tilespmem:$0xDA80] =	vst v63  }
0x53: {  	_ =	swait.ge [sflag:s13], $0x800  }
0x54: {  	[sflag:s13] =	ssyncset.done $0x0  }
0x55: {  	[sflag:s13] =	ssyncadd.s32 $0xFFFFF800  }
0x56: {  	[bflag:$0x0] =	sbarrier.arrive $0xFFFF  }
0x57: {  	[tilespmem:s17], [sflag:$0x1] =	stream.indirect.gather [hbm4b:s4+s15], $0x10, s3, s15, $0xb8;
	[tilespmem:$0xDA80] =	vst v63  }
0x58: {  	s0 =	simm.s32 $0x1  }
0x59: {  	[tilespmem:s18], [sflag:$0x2] =	stream.indirect.gather [hbm4b:s4+s15], $0x10, s15, s15, $0xb8;
	[tilespmem:$0xDA80] =	vst v63  }
0x5a: {  	_ =	swait.ge [sflag:s0], $0x800  }
0x5b: {  	[sflag:s0] =	ssyncset.done $0x0  }
0x5c: {  	[sflag:s0] =	ssyncadd.s32 $0xFFFFF800  }
0x5d: {  	v1 =	vld [tilespmem:$0x5000]  }
0x5e: {  	v2 =	vld [tilespmem:$0x5010]  }
0x5f: {  	v3 =	vld [tilespmem:$0x5020]  }
0x60: {  	v62 =	vld [tilespmem:$0x5030]  }
0x61: {  	v63 =	vld [tilespmem:$0x5040]  }
0x62: {  	[tilespmem:$0xA180] =	vst v1;
	v1 =	vld [tilespmem:$0x5050]  }
0x63: {  	[tilespmem:$0xA190] =	vst v2;
	v2 =	vld [tilespmem:$0x5060]  }
0x64: {  	[tilespmem:$0xA1A0] =	vst v3;
	v3 =	vld [tilespmem:$0x5070]  }
0x65: {  	[tilespmem:$0xA1B0] =	vst v62  }
0x66: {  	[tilespmem:$0xA1C0] =	vst v63  }
0x67: {  	s0 =	sand.u32 $0x1, s0;
	[tilespmem:$0xA1D0] =	vst v1  }
0x68: {  	p0 =	seq.s32 s0, $0x1;
	[tilespmem:$0xA1E0] =	vst v2  }
0x69: {  	s0 =	simm.s32 @p0 $0x3;
	[tilespmem:$0xA1F0] =	vst v3  }
0x6a: {  	[spmem:s1] =	stream.indirect.scatter.add.f32 [tilespmem:s17], [sflag:$0x3], $0x10, s16, s15, $0xb8;
	[tilespmem:$0xDA80] =	vst v63  }
0x6b: {  	_ =	swait.ge @p0 [sflag:s0], $0x800;
	p0 =	por p0, p0  }
0x6c: {  	s28 =	simm.s32 $0x100;
	[sflag:s0] =	ssyncset.done @p0 $0x0;
	s2 =	simm.s32 @p0 $0x2  }
0x6d: {  	s14 =	simm.s32 @p0 $0xA280;
	[sflag:s0] =	ssyncadd.s32 @p0 $0xFFFFF800;
	s0 =	simm.s32 @p0 $0x80  }
0x6e: {  	[tilespmem:s14], [sflag:$0x1] =	stream.indirect.gather @p0 [hbm4b:s4+s0], $0x10, s28, s0, $0xb8;
	[tilespmem:$0xDA80] =	vst v63  }
0x6f: {  	_ =	swait.ge @p0 [sflag:s2], $0x800  }
0x70: {  	[sflag:s2] =	ssyncset.done @p0 $0x0  }
0x71: {  	s14 =	simm.s32 $0x50F0;
	[sflag:s2] =	ssyncadd.s32 @p0 $0xFFFFF800  }
0x72: {  	v1 =	vld @p0 [tilespmem:s14+$0xFFFFFF90];
	_ =	sdelay $0x4  }
0x73: {  	[tilespmem:$0xA200] =	vst @p0 v1  }
0x74: {  	v1 =	vld @p0 [tilespmem:s14+$0xFFFFFFA0];
	_ =	sdelay $0x4  }
0x75: {  	[tilespmem:$0xA210] =	vst @p0 v1  }
0x76: {  	v1 =	vld @p0 [tilespmem:s14+$0xFFFFFFB0];
	_ =	sdelay $0x4  }
0x77: {  	[tilespmem:$0xA220] =	vst @p0 v1  }
0x78: {  	v1 =	vld @p0 [tilespmem:s14+$0xFFFFFFC0];
	_ =	sdelay $0x4  }
0x79: {  	[tilespmem:$0xA230] =	vst @p0 v1  }
0x7a: {  	v1 =	vld @p0 [tilespmem:s14+$0xFFFFFFD0];
	_ =	sdelay $0x4  }
0x7b: {  	[tilespmem:$0xA240] =	vst @p0 v1  }
0x7c: {  	v1 =	vld @p0 [tilespmem:s14+$0xFFFFFFE0];
	_ =	sdelay $0x4  }
0x7d: {  	[tilespmem:$0xA250] =	vst @p0 v1  }
0x7e: {  	v1 =	vld @p0 [tilespmem:s14+$0xFFFFFFF0];
	_ =	sdelay $0x4  }
0x7f: {  	[tilespmem:$0xA260] =	vst @p0 v1  }
0x80: {  	v1 =	vld @p0 [tilespmem:s14+$0x0];
	_ =	sdelay $0x4  }
0x81: {  	s29 =	simm.s32 @p0 $0xAA80;
	s30 =	simm.s32 @!p0 $0x4;
	s2 =	simm.s32 @p0 $0xA200;
	[tilespmem:$0xA270] =	vst @p0 v1  }
0x82: {  	[spmem:s1] =	stream.indirect.scatter.add.f32 @p0 [tilespmem:s29], [sflag:$0x4], $0x10, s2, s0, $0xb8;
	[tilespmem:$0xDA80] =	vst v63  }
0x83: {  	_ =	swait.ge @!p0 [sflag:s30], $0x800  }
0x84: {  	s2 =	simm.s32 @!p0 $0x1;
	[sflag:s30] =	ssyncset.done @!p0 $0x0  }
0x85: {  	s0 =	simm.s32 @!p0 $0x80;
	s29 =	simm.s32 @!p0 $0xAA80;
	[sflag:s30] =	ssyncadd.s32 @!p0 $0xFFFFF800  }
0x86: {  	[tilespmem:s29], [sflag:$0x2] =	stream.indirect.gather @!p0 [hbm4b:s4+s0], $0x10, s28, s0, $0xb8;
	[tilespmem:$0xDA80] =	vst v63  }
0x87: {  	_ =	swait.ge @!p0 [sflag:s2], $0x800  }
0x88: {  	[sflag:s2] =	ssyncset.done @!p0 $0x0  }
0x89: {  	[sflag:s2] =	ssyncadd.s32 @!p0 $0xFFFFF800  }
0x8a: {  	v1 =	vld @!p0 [tilespmem:s14+$0xFFFFFF90];
	_ =	sdelay $0x4  }
0x8b: {  	[tilespmem:$0xA180] =	vst @!p0 v1  }
0x8c: {  	v1 =	vld @!p0 [tilespmem:s14+$0xFFFFFFA0];
	_ =	sdelay $0x4  }
0x8d: {  	[tilespmem:$0xA190] =	vst @!p0 v1  }
0x8e: {  	v1 =	vld @!p0 [tilespmem:s14+$0xFFFFFFB0];
	_ =	sdelay $0x4  }
0x8f: {  	[tilespmem:$0xA1A0] =	vst @!p0 v1  }
0x90: {  	v1 =	vld @!p0 [tilespmem:s14+$0xFFFFFFC0];
	_ =	sdelay $0x4  }
0x91: {  	[tilespmem:$0xA1B0] =	vst @!p0 v1  }
0x92: {  	v1 =	vld @!p0 [tilespmem:s14+$0xFFFFFFD0];
	_ =	sdelay $0x4  }
0x93: {  	[tilespmem:$0xA1C0] =	vst @!p0 v1  }
0x94: {  	v1 =	vld @!p0 [tilespmem:s14+$0xFFFFFFE0];
	_ =	sdelay $0x4  }
0x95: {  	[tilespmem:$0xA1D0] =	vst @!p0 v1  }
0x96: {  	v1 =	vld @!p0 [tilespmem:s14+$0xFFFFFFF0];
	_ =	sdelay $0x4  }
0x97: {  	[tilespmem:$0xA1E0] =	vst @!p0 v1  }
0x98: {  	v1 =	vld @!p0 [tilespmem:s14+$0x0]  }
0x99: {  	s31 =	simm.s32 $0x2  }
0x9a: {  	s30 =	simm.s32 $0x3;
	s29 =	simm.s32 $0x5170;
	s2 =	sand.u32 $0x1, s31  }
0x9b: {  	p2 =	seq.s32 s2, $0x1;
	s2 =	simm.s32 @!p0 $0xA180;
	s14 =	simm.s32 @!p0 $0xA280  }
.LBB2_4:
0x9c: {  	s21 =	simm.s32 @p2 $0x3  }
0x9d: {  	[tilespmem:$0xA1F0] =	vst @!p0 v1;
	s28 =	sadd.s32 $0x80, s28;
	s31 =	smov.u32 s30;
	s30 =	sadd.s32 $0x1, s30  }
0x9e: {  	[spmem:s1] =	stream.indirect.scatter.add.f32 @!p0 [tilespmem:s14], [sflag:$0x3], $0x10, s2, s0, $0xb8;
	[tilespmem:$0xDA80] =	vst v63  }
0x9f: {  	p1 =	sne.s32 s30, $0x9F;
	p0 =	por p2, p2;
	_ =	swait.ge @p2 [sflag:s21], $0x800  }
0xa0: {  	s2 =	simm.s32 @p0 $0x2;
	[sflag:s21] =	ssyncset.done @p0 $0x0  }
0xa1: {  	s0 =	simm.s32 @p0 $0x80;
	s14 =	simm.s32 @p0 $0xA280;
	[sflag:s21] =	ssyncadd.s32 @p0 $0xFFFFF800  }
0xa2: {  	[tilespmem:s14], [sflag:$0x1] =	stream.indirect.gather @p0 [hbm4b:s4+s0], $0x10, s28, s0, $0xb8;
	[tilespmem:$0xDA80] =	vst v63  }
0xa3: {  	_ =	swait.ge @p0 [sflag:s2], $0x800  }
0xa4: {  	[sflag:s2] =	ssyncset.done @p0 $0x0  }
0xa5: {  	[sflag:s2] =	ssyncadd.s32 @p0 $0xFFFFF800  }
0xa6: {  	v1 =	vld @p0 [tilespmem:s29+$0xFFFFFF90];
	_ =	sdelay $0x4  }
0xa7: {  	[tilespmem:$0xA200] =	vst @p0 v1  }
0xa8: {  	v1 =	vld @p0 [tilespmem:s29+$0xFFFFFFA0];
	_ =	sdelay $0x4  }
0xa9: {  	[tilespmem:$0xA210] =	vst @p0 v1  }
0xaa: {  	v1 =	vld @p0 [tilespmem:s29+$0xFFFFFFB0];
	_ =	sdelay $0x4  }
0xab: {  	[tilespmem:$0xA220] =	vst @p0 v1  }
0xac: {  	v1 =	vld @p0 [tilespmem:s29+$0xFFFFFFC0];
	_ =	sdelay $0x4  }
0xad: {  	[tilespmem:$0xA230] =	vst @p0 v1  }
0xae: {  	v1 =	vld @p0 [tilespmem:s29+$0xFFFFFFD0];
	_ =	sdelay $0x4  }
0xaf: {  	[tilespmem:$0xA240] =	vst @p0 v1  }
0xb0: {  	v1 =	vld @p0 [tilespmem:s29+$0xFFFFFFE0];
	_ =	sdelay $0x4  }
0xb1: {  	[tilespmem:$0xA250] =	vst @p0 v1  }
0xb2: {  	v1 =	vld @p0 [tilespmem:s29+$0xFFFFFFF0];
	_ =	sdelay $0x4  }
0xb3: {  	[tilespmem:$0xA260] =	vst @p0 v1  }
0xb4: {  	v1 =	vld @p0 [tilespmem:s29+$0x0];
	_ =	sdelay $0x4  }
0xb5: {  	s21 =	simm.s32 @!p0 $0x4;
	s14 =	simm.s32 @p0 $0xAA80;
	s2 =	simm.s32 @p0 $0xA200;
	[tilespmem:$0xA270] =	vst @p0 v1  }
0xb6: {  	[spmem:s1] =	stream.indirect.scatter.add.f32 @p0 [tilespmem:s14], [sflag:$0x4], $0x10, s2, s0, $0xb8;
	[tilespmem:$0xDA80] =	vst v63  }
0xb7: {  	_ =	swait.ge @!p0 [sflag:s21], $0x800  }
0xb8: {  	s2 =	simm.s32 @!p0 $0x1;
	[sflag:s21] =	ssyncset.done @!p0 $0x0  }
0xb9: {  	s0 =	simm.s32 @!p0 $0x80;
	s14 =	simm.s32 @!p0 $0xAA80;
	[sflag:s21] =	ssyncadd.s32 @!p0 $0xFFFFF800  }
0xba: {  	[tilespmem:s14], [sflag:$0x2] =	stream.indirect.gather @!p0 [hbm4b:s4+s0], $0x10, s28, s0, $0xb8;
	[tilespmem:$0xDA80] =	vst v63  }
0xbb: {  	_ =	swait.ge @!p0 [sflag:s2], $0x800  }
0xbc: {  	[sflag:s2] =	ssyncset.done @!p0 $0x0  }
0xbd: {  	[sflag:s2] =	ssyncadd.s32 @!p0 $0xFFFFF800  }
0xbe: {  	v1 =	vld @!p0 [tilespmem:s29+$0xFFFFFF90];
	_ =	sdelay $0x4  }
0xbf: {  	[tilespmem:$0xA180] =	vst @!p0 v1  }
0xc0: {  	v1 =	vld @!p0 [tilespmem:s29+$0xFFFFFFA0];
	_ =	sdelay $0x4  }
0xc1: {  	[tilespmem:$0xA190] =	vst @!p0 v1  }
0xc2: {  	v1 =	vld @!p0 [tilespmem:s29+$0xFFFFFFB0];
	_ =	sdelay $0x4  }
0xc3: {  	[tilespmem:$0xA1A0] =	vst @!p0 v1  }
0xc4: {  	v1 =	vld @!p0 [tilespmem:s29+$0xFFFFFFC0];
	_ =	sdelay $0x4  }
0xc5: {  	[tilespmem:$0xA1B0] =	vst @!p0 v1  }
0xc6: {  	v1 =	vld @!p0 [tilespmem:s29+$0xFFFFFFD0];
	_ =	sdelay $0x4  }
0xc7: {  	[tilespmem:$0xA1C0] =	vst @!p0 v1  }
0xc8: {  	v1 =	vld @!p0 [tilespmem:s29+$0xFFFFFFE0];
	_ =	sdelay $0x4  }
0xc9: {  	[tilespmem:$0xA1D0] =	vst @!p0 v1  }
0xca: {  	v1 =	vld @!p0 [tilespmem:s29+$0xFFFFFFF0];
	_ =	sdelay $0x4  }
0xcb: {  	[tilespmem:$0xA1E0] =	vst @!p0 v1  }
.Ltmp1:
0xcc: {  	v1 =	vld @!p0 [tilespmem:s29+$0x0];
	(pc) =	sbr.rel @p1 .LBB2_4-.Ltmp1, $3  }
0xcd: {  	_ =	sdelay $0x1  }
0xce: {  	s2 =	sand.u32 $0x1, s31;
	s29 =	sadd.s32 $0x80, s29  }
0xcf: {  	s14 =	simm.s32 @!p0 $0xA280;
	p2 =	seq.s32 s2, $0x1;
	s2 =	simm.s32 @!p0 $0xA180  }
0xd0: {  	s21 =	simm.s32 @p2 $0x3;
	[tilespmem:$0xA1F0] =	vst @!p0 v1  }
0xd1: {  	[spmem:s1] =	stream.indirect.scatter.add.f32 @!p0 [tilespmem:s14], [sflag:$0x3], $0x10, s2, s0, $0xb8;
	[tilespmem:$0xDA80] =	vst v63  }
0xd2: {  	p0 =	por p2, p2;
	_ =	swait.ge @p2 [sflag:s21], $0x800  }
0xd3: {  	s0 =	sadd.s32 $0x80, s28;
	s2 =	simm.s32 @p0 $0x2;
	[sflag:s21] =	ssyncset.done @p0 $0x0  }
0xd4: {  	s14 =	simm.s32 @p0 $0x80;
	[sflag:s21] =	ssyncadd.s32 @p0 $0xFFFFF800;
	s21 =	simm.s32 @p0 $0xA280  }
0xd5: {  	[tilespmem:s21], [sflag:$0x1] =	stream.indirect.gather @p0 [hbm4b:s4+s14], $0x10, s0, s14, $0xb8;
	[tilespmem:$0xDA80] =	vst v63  }
0xd6: {  	_ =	swait.ge @p0 [sflag:s2], $0x800  }
0xd7: {  	[sflag:s2] =	ssyncset.done @p0 $0x0  }
0xd8: {  	[sflag:s2] =	ssyncadd.s32 @p0 $0xFFFFF800  }
0xd9: {  	v1 =	vld @p0 [tilespmem:s29+$0xFFFFFF90];
	_ =	sdelay $0x4  }
0xda: {  	[tilespmem:$0xA200] =	vst @p0 v1  }
0xdb: {  	v1 =	vld @p0 [tilespmem:s29+$0xFFFFFFA0];
	_ =	sdelay $0x4  }
0xdc: {  	[tilespmem:$0xA210] =	vst @p0 v1  }
0xdd: {  	v1 =	vld @p0 [tilespmem:s29+$0xFFFFFFB0];
	_ =	sdelay $0x4  }
0xde: {  	[tilespmem:$0xA220] =	vst @p0 v1  }
0xdf: {  	v1 =	vld @p0 [tilespmem:s29+$0xFFFFFFC0];
	_ =	sdelay $0x4  }
0xe0: {  	[tilespmem:$0xA230] =	vst @p0 v1  }
0xe1: {  	v1 =	vld @p0 [tilespmem:s29+$0xFFFFFFD0];
	_ =	sdelay $0x4  }
0xe2: {  	[tilespmem:$0xA240] =	vst @p0 v1  }
0xe3: {  	v1 =	vld @p0 [tilespmem:s29+$0xFFFFFFE0];
	_ =	sdelay $0x4  }
0xe4: {  	[tilespmem:$0xA250] =	vst @p0 v1  }
0xe5: {  	v1 =	vld @p0 [tilespmem:s29+$0xFFFFFFF0];
	_ =	sdelay $0x4  }
0xe6: {  	[tilespmem:$0xA260] =	vst @p0 v1  }
0xe7: {  	v1 =	vld @p0 [tilespmem:s29+$0x0];
	_ =	sdelay $0x4  }
0xe8: {  	s28 =	simm.s32 @!p0 $0x4;
	s21 =	simm.s32 @p0 $0xAA80;
	s2 =	simm.s32 @p0 $0xA200;
	[tilespmem:$0xA270] =	vst @p0 v1  }
0xe9: {  	[spmem:s1] =	stream.indirect.scatter.add.f32 @p0 [tilespmem:s21], [sflag:$0x4], $0x10, s2, s14, $0xb8;
	[tilespmem:$0xDA80] =	vst v63  }
0xea: {  	_ =	swait.ge @!p0 [sflag:s28], $0x800  }
0xeb: {  	s2 =	simm.s32 @!p0 $0x1;
	[sflag:s28] =	ssyncset.done @!p0 $0x0  }
0xec: {  	s14 =	simm.s32 @!p0 $0x80;
	s21 =	simm.s32 @!p0 $0xAA80;
	[sflag:s28] =	ssyncadd.s32 @!p0 $0xFFFFF800  }
0xed: {  	[tilespmem:s21], [sflag:$0x2] =	stream.indirect.gather @!p0 [hbm4b:s4+s14], $0x10, s0, s14, $0xb8;
	[tilespmem:$0xDA80] =	vst v63  }
0xee: {  	_ =	swait.ge @!p0 [sflag:s2], $0x800  }
0xef: {  	[sflag:s2] =	ssyncset.done @!p0 $0x0  }
0xf0: {  	[sflag:s2] =	ssyncadd.s32 @!p0 $0xFFFFF800  }
0xf1: {  	v1 =	vld @!p0 [tilespmem:s29+$0xFFFFFF90];
	_ =	sdelay $0x4  }
0xf2: {  	[tilespmem:$0xA180] =	vst @!p0 v1  }
0xf3: {  	v1 =	vld @!p0 [tilespmem:s29+$0xFFFFFFA0];
	_ =	sdelay $0x4  }
0xf4: {  	[tilespmem:$0xA190] =	vst @!p0 v1  }
0xf5: {  	v1 =	vld @!p0 [tilespmem:s29+$0xFFFFFFB0];
	_ =	sdelay $0x4  }
0xf6: {  	[tilespmem:$0xA1A0] =	vst @!p0 v1  }
0xf7: {  	v1 =	vld @!p0 [tilespmem:s29+$0xFFFFFFC0];
	_ =	sdelay $0x4  }
0xf8: {  	[tilespmem:$0xA1B0] =	vst @!p0 v1  }
0xf9: {  	v1 =	vld @!p0 [tilespmem:s29+$0xFFFFFFD0];
	_ =	sdelay $0x4  }
0xfa: {  	[tilespmem:$0xA1C0] =	vst @!p0 v1  }
0xfb: {  	v1 =	vld @!p0 [tilespmem:s29+$0xFFFFFFE0];
	_ =	sdelay $0x4  }
0xfc: {  	[tilespmem:$0xA1D0] =	vst @!p0 v1  }
0xfd: {  	v1 =	vld @!p0 [tilespmem:s29+$0xFFFFFFF0];
	_ =	sdelay $0x4  }
0xfe: {  	[tilespmem:$0xA1E0] =	vst @!p0 v1  }
0xff: {  	v1 =	vld @!p0 [tilespmem:s29+$0x0];
	_ =	sdelay $0x4  }
0x100: {  	s0 =	simm.s32 @!p0 $0xA180;
	s2 =	simm.s32 @!p0 $0xA280;
	[tilespmem:$0xA1F0] =	vst @!p0 v1  }
0x101: {  	[spmem:s1] =	stream.indirect.scatter.add.f32 @!p0 [tilespmem:s2], [sflag:$0x3], $0x10, s0, s14, $0xb8;
	[tilespmem:$0xDA80] =	vst v63  }
0x102: {  	_ =	swait.ge [sflag:s19], $0x800  }
0x103: {  	[sflag:s19] =	ssyncset.done $0x0  }
0x104: {  	[sflag:s19] =	ssyncadd.s32 $0xFFFFF800  }
0x105: {  	_ =	swait.ge [sflag:s20], $0x800  }
0x106: {  	[sflag:s20] =	ssyncset.done $0x0  }
0x107: {  	[sflag:s20] =	ssyncadd.s32 $0xFFFFF800  }
0x108: {  	v1 =	vld [tilespmem:$0x9F80]  }
0x109: {  	v2 =	vld [tilespmem:$0x9F90]  }
0x10a: {  	v3 =	vld [tilespmem:$0x9FA0]  }
0x10b: {  	v4 =	vld [tilespmem:$0x9FB0]  }
0x10c: {  	v5 =	vld [tilespmem:$0x9FC0]  }
0x10d: {  	[tilespmem:$0xA200] =	vst v1;
	v1 =	vld [tilespmem:$0x9FD0]  }
0x10e: {  	[tilespmem:$0xA210] =	vst v2;
	v2 =	vld [tilespmem:$0x9FE0]  }
0x10f: {  	[tilespmem:$0xA220] =	vst v3;
	v3 =	vld [tilespmem:$0x9FF0]  }
0x110: {  	[tilespmem:$0xA230] =	vst v4  }
0x111: {  	[tilespmem:$0xA240] =	vst v5  }
0x112: {  	[tilespmem:$0xA250] =	vst v1  }
0x113: {  	[tilespmem:$0xA260] =	vst v2  }
0x114: {  	s31 =	simm.s32 $0xA200;
	[tilespmem:$0xA270] =	vst v3  }
0x115: {  	[spmem:s1] =	stream.indirect.scatter.add.f32 [tilespmem:s18], [sflag:$0x4], $0x10, s31, s15, $0xb8;
	[tilespmem:$0xDA80] =	vst v63  }
0x116: {  	_ =	swait.ge [sflag:s22], $0x800  }
0x117: {  	[sflag:s22] =	ssyncset.done $0x0  }
0x118: {  	[sflag:s22] =	ssyncadd.s32 $0xFFFFF800  }
0x119: {  	[bflag:$0x0] =	sbarrier.arrive $0xFFFF  }
0x11a: {  	[tilespmem:s17], [sflag:$0x1] =	stream.indirect.gather [spmem:s1], $0x10, s12, s15, $0xb8;
	[tilespmem:$0xDA80] =	vst v63  }
0x11b: {  	_ =	swait.ge [sflag:s23], $0x800  }
0x11c: {  	[sflag:s23] =	ssyncset.done $0x0  }
0x11d: {  	[sflag:s23] =	ssyncadd.s32 $0xFFFFF800  }
0x11e: {  	[hbm4b:s8+s3] =	stream.linear.scatter [tilespmem:s17], [sflag:$0x5], $0x800, $0x38;
	[tilespmem:$0xDA80] =	vst v63  }
0x11f: {  	_ =	swait.ge [sflag:s13], $0x800  }
0x120: {  	[sflag:s13] =	ssyncset.done $0x0  }
0x121: {  	[sflag:s13] =	ssyncadd.s32 $0xFFFFF800  }
0x122: {  	[tilespmem:s17], [sflag:$0x1] =	stream.indirect.gather [spmem:s1], $0x10, s24, s15, $0xb8;
	[tilespmem:$0xDA80] =	vst v63  }
0x123: {  	_ =	swait.ge [sflag:s23], $0x800  }
0x124: {  	[sflag:s23] =	ssyncset.done $0x0  }
0x125: {  	[sflag:s23] =	ssyncadd.s32 $0xFFFFF800  }
0x126: {  	[hbm4b:s9+s3] =	stream.linear.scatter [tilespmem:s17], [sflag:$0x5], $0x800, $0x38;
	[tilespmem:$0xDA80] =	vst v63  }
0x127: {  	_ =	swait.ge [sflag:s13], $0x800  }
0x128: {  	[sflag:s13] =	ssyncset.done $0x0  }
0x129: {  	[sflag:s13] =	ssyncadd.s32 $0xFFFFF800  }
0x12a: {  	[tilespmem:s17], [sflag:$0x1] =	stream.indirect.gather [spmem:s1], $0x10, s25, s15, $0xb8;
	[tilespmem:$0xDA80] =	vst v63  }
0x12b: {  	s26 =	sadd.s32 $0x1, s26;
	_ =	swait.ge [sflag:s23], $0x800  }
0x12c: {  	p0 =	sne.s32 s26, s11;
	[sflag:s23] =	ssyncset.done $0x0  }
.Ltmp2:
0x12d: {  	[sflag:s23] =	ssyncadd.s32 $0xFFFFF800;
	(pc) =	sbr.rel @p0 .LBB2_1-.Ltmp2, $4  }
0x12e: {  	[hbm4b:s10+s3] =	stream.linear.scatter [tilespmem:s17], [sflag:$0x5], $0x400, $0x38;
	[tilespmem:$0xDA80] =	vst v63  }
0x12f: {  	_ =	swait.ge [sflag:s13], $0x400  }
0x130: {  	[sflag:s13] =	ssyncset.done $0x0  }
0x131: {  	[sflag:s13] =	ssyncadd.s32 $0xFFFFFC00  }
0x132: {  	_ =	sfence.sel $0x180000  }
0x133: {  	[bflag:$0x0] =	sbarrier.arrive $0xFFFF  }
0x134: {  	_ =	strace $0x9000004A  }
0x135: {  	s0 =	stileid.u32;
	[bflag:$0x2] =	sbarrier.arrive $0xFFFF  }
0x136: {  	p0 =	sne.s32 s0, $0x0;
	s0 =	rddreg [dreg:$0x3]  }
0x137: {  	s0 =	sadd.s32 @!p0 $0x100000, s0  }
0x138: {  	[sflag:s0] =	ssyncadd.tile.s32 @!p0 $0x1;
	_ =	shalt  }
.Lfunc_end2:
_tile_overlayer_lowered:
.L_overlay_start_2:
0x139: {  	(tag) =	ssettag $0x2  }
0x13a: {  	s0 =	rddreg [dreg:$0x0];
	s2 =	stileid.u32  }
0x13b: {  	s1 =	rddreg [dreg:$0x1];
	p0 =	sne.s32 s2, $0x0  }
0x13c: {  	s3 =	rddreg [dreg:$0x2];
	[bflag:$0x3] =	sbarrier.arrive $0xFFFF;
	s2 =	simm.s32 @!p0 $0x1C05  }
0x13d: {  	[timem:s3], [sflag:s2] =	dma.local @!p0 [hbm:s0], s1  }
0x13e: {  	s0 =	simm.s32 @!p0 $0x5  }
0x13f: {  	_ =	swait.ge @!p0 [sflag:s0], s1  }
0x140: {  	s1 =	ssub.s32 @!p0 $0x0, s1;
	[sflag:s0] =	ssyncset.done @!p0 $0x0  }
0x141: {  	[sflag:s0] =	ssyncadd.s32 @!p0 s1  }
0x142: {  	[bflag:$0x3] =	sbarrier.arrive $0xFFFF  }
0x143: {  	_ =	shalt  }

// kernel: kernel.7.cloned.1.call-start
scs
__scs_entry_jumppad:
0x0: {  	(pc) =	sbr.rel $0x88, $3  }
0x1: {  	(tag) =	ssettag $0x0;
	lr =	simm.s32 $0x1  }
0x2: {  	[smem:$0x3F9B] =	sst lr;
	_ =	strace $0xD0000000  }
0x3: {  	_ = 	snop  }
0x4: {  	_ = 	snop  }
0x5: {  	_ = 	snop  }
0x6: {  	_ = 	snop  }
0x7: {  	_ = 	snop  }
__scs_overlays_trampoline_lowered:
0x8: {  	[smem:$0x3FAA] =	sst s0  }
0x9: {  	[smem:$0x3FAB] =	sst s1  }
0xa: {  	[smem:$0x3FAC] =	sst s2  }
0xb: {  	[smem:$0x3FAD] =	sst s3  }
0xc: {  	[smem:$0x3FAE] =	sst s4  }
0xd: {  	[smem:$0x3FAF] =	sst s5  }
0xe: {  	[smem:$0x3FB0] =	sst s6  }
0xf: {  	[smem:$0x3FB1] =	sst s7  }
0x10: {  	[smem:$0x3FB2] =	sst s8  }
0x11: {  	[smem:$0x3FB3] =	sst s9;
	s0 =	simm.s32 @!p0 $0x0  }
0x12: {  	s1 =	sld [smem:$0x3F99];
	s0 =	simm.s32 @p0 $0x1  }
0x13: {  	[smem:$0x3FB4] =	sst s0;
	s0 =	simm.s32 @!p1 $0x0  }
0x14: {  	s2 =	sld [smem:$0x3F98];
	s0 =	simm.s32 @p1 $0x1  }
0x15: {  	[smem:$0x3FB5] =	sst s0;
	s0 =	simm.s32 @!p2 $0x0  }
0x16: {  	s3 =	sld [smem:$0x3FDB];
	s0 =	simm.s32 @p2 $0x1  }
0x17: {  	s4 =	simm.s32 $0x1BF5;
	[smem:$0x3FB7] =	sst s0  }
0x18: {  	s0 =	sld [smem:$0x3F9A];
	_ =	swait.ge [sflag:s4], $0x0  }
0x19: {  	s7 =	sld [smem:$0x3F9B]  }
0x1a: {  	s8 =	sadd.s32 $0xFFFFE003, lr  }
0x1b: {  	s9 =	sadd.s32 $0xFFFFFEF7, lr;
	s5 =	simm.s32 $0xFFFFFFFF;
	p2 =	slt.u32 s8, $0xFFFFF086  }
0x1c: {  	p1 =	slt.u32 s9, $0xF7A;
	s5 =	simm.s32 @!p2 $0x0  }
0x1d: {  	s5 =	simm.s32 @p1 $0x1;
	p0 =	seq.s32 s7, s2  }
0x1e: {  	s7 =	smul.u32 @!p0 $0xF7A, s2;
	p2 =	seq.s32 @!p0 s5, $0x0  }
0x1f: {  	s9 =	smul.u32 $0xF7A, s1;
	s8 =	simm.s32 @!p0 $0x1BF5;
	p2 =	por !p2, p0  }
0x20: {  	[sflag:s8] =	ssyncset.s32 @!p0 $0xFFFFF086;
	s6 =	sadd.s32 @!p0 s3, s7;
	s7 =	simm.s32 @!p0 $0x108  }
0x21: {  	s3 =	sadd.s32 s3, s9;
	s6 =	sadd.s32 @!p0 $0x88, s6;
	s7 =	simm.s32 @p2 $0x1082  }
0x22: {  	[simem:s7], [sflag:s8] =	dma.local @!p0 [hbm:s6], $0xF7A  }
0x23: {  	s9 =	sor.u32 $0xD0000000, s2;
	s6 =	simm.s32 $0x108;
	_ =	swait.ge @!p0 [sflag:s8], $0x0  }
0x24: {  	s3 =	sadd.s32 $0x88, s3;
	s6 =	simm.s32 @!p1 $0x1082;
	[sflag:s4] =	ssyncset.s32 $0xFFFFF086  }
0x25: {  	[simem:s6], [sflag:s4] =	dma.local [hbm:s3], $0xF7A  }
0x26: {  	[smem:$0x3F9B] =	sst s1;
	(tag) =	ssettag s2;
	_ =	strace s9  }
0x27: {  	s1 =	sld [smem:$0x3FAB]  }
0x28: {  	s2 =	sld [smem:$0x3FAC]  }
0x29: {  	s4 =	sld [smem:$0x3FAE]  }
0x2a: {  	p0 =	seq.s32 s5, $0x0;
	s5 =	sld [smem:$0x3FAF]  }
0x2b: {  	s6 =	sld [smem:$0x3FB0]  }
0x2c: {  	s7 =	sld [smem:$0x3FB1]  }
0x2d: {  	s3 =	simm.s32 $0x108;
	s8 =	sld [smem:$0x3FB2]  }
0x2e: {  	s3 =	simm.s32 @!p0 $0x1082;
	s9 =	sld [smem:$0x3FB3]  }
0x2f: {  	lr =	sadd.s32 s0, s3;
	s0 =	sld [smem:$0x3FAA]  }
0x30: {  	s3 =	sld [smem:$0x3FAD]  }
0x31: {  	[smem:$0x3FB6] =	sst s10  }
0x32: {  	s10 =	sld [smem:$0x3FB4];
	_ =	sdelay $0x3  }
0x33: {  	p0 =	seq.s32 s10, $0x1;
	s10 =	sld [smem:$0x3FB6];
	_ =	sdelay $0x3  }
0x34: {  	[smem:$0x3FB6] =	sst s10  }
0x35: {  	s10 =	sld [smem:$0x3FB5];
	_ =	sdelay $0x3  }
0x36: {  	p1 =	seq.s32 s10, $0x1;
	s10 =	sld [smem:$0x3FB6];
	_ =	sdelay $0x3  }
0x37: {  	[smem:$0x3FB6] =	sst s10  }
0x38: {  	s10 =	sld [smem:$0x3FB7]  }
0x39: {  	_ = 	snop;
	(pc) =	sbr.ind lr, $3  }
0x3a: {  	_ = 	snop  }
0x3b: {  	_ = 	snop  }
0x3c: {  	p2 =	seq.s32 s10, $0x1;
	s10 =	sld [smem:$0x3FB6]  }
0x3d: {  	_ =	shalt  }
0x3e: {  	_ =	shalt  }
0x3f: {  	_ =	shalt  }
0x40: {  	_ =	shalt  }
0x41: {  	_ =	shalt  }
0x42: {  	_ =	shalt  }
0x43: {  	_ =	shalt  }
0x44: {  	_ =	shalt  }
0x45: {  	_ =	shalt  }
0x46: {  	_ =	shalt  }
0x47: {  	_ =	shalt  }
0x48: {  	_ =	shalt  }
0x49: {  	_ =	shalt  }
0x4a: {  	_ =	shalt  }
0x4b: {  	_ =	shalt  }
0x4c: {  	_ =	shalt  }
0x4d: {  	_ =	shalt  }
0x4e: {  	_ =	shalt  }
0x4f: {  	_ =	shalt  }
0x50: {  	_ =	shalt  }
0x51: {  	_ =	shalt  }
0x52: {  	_ =	shalt  }
0x53: {  	_ =	shalt  }
0x54: {  	_ =	shalt  }
0x55: {  	_ =	shalt  }
0x56: {  	_ =	shalt  }
0x57: {  	_ =	shalt  }
0x58: {  	_ =	shalt  }
0x59: {  	_ =	shalt  }
0x5a: {  	_ =	shalt  }
0x5b: {  	_ =	shalt  }
0x5c: {  	_ =	shalt  }
0x5d: {  	_ =	shalt  }
0x5e: {  	_ =	shalt  }
0x5f: {  	_ =	shalt  }
0x60: {  	_ =	shalt  }
0x61: {  	_ =	shalt  }
0x62: {  	_ =	shalt  }
0x63: {  	_ =	shalt  }
0x64: {  	_ =	shalt  }
0x65: {  	_ =	shalt  }
0x66: {  	_ =	shalt  }
0x67: {  	_ =	shalt  }
0x68: {  	_ =	shalt  }
0x69: {  	_ =	shalt  }
0x6a: {  	_ =	shalt  }
0x6b: {  	_ =	shalt  }
0x6c: {  	_ =	shalt  }
0x6d: {  	_ =	shalt  }
0x6e: {  	_ =	shalt  }
0x6f: {  	_ =	shalt  }
0x70: {  	_ =	shalt  }
0x71: {  	_ =	shalt  }
0x72: {  	_ =	shalt  }
0x73: {  	_ =	shalt  }
0x74: {  	_ =	shalt  }
0x75: {  	_ =	shalt  }
0x76: {  	_ =	shalt  }
0x77: {  	_ =	shalt  }
0x78: {  	_ =	shalt  }
0x79: {  	_ =	shalt  }
0x7a: {  	_ =	shalt  }
0x7b: {  	_ =	shalt  }
0x7c: {  	_ =	shalt  }
0x7d: {  	_ =	shalt  }
0x7e: {  	_ =	shalt  }
0x7f: {  	_ =	shalt  }
0x80: {  	_ =	shalt  }
0x81: {  	_ =	shalt  }
0x82: {  	_ =	shalt  }
0x83: {  	_ =	shalt  }
0x84: {  	_ =	shalt  }
0x85: {  	_ =	shalt  }
0x86: {  	_ =	shalt  }
0x87: {  	_ =	shalt  }
.Lfunc_end0:
.L_simem_size_0:
called_computation_lowered:
.L_overlay_start_0:
0x88: {  	s2 =	sld [smem:$0x3FD9]  }
0x89: {  	s3 =	sld [smem:$0x3FFE];
	_ =	sdelay $0x1  }
0x8a: {  	s1 =	srdreg.scid  }
0x8b: {  	s0 =	sand.u32 $0x1, s1  }
0x8c: {  	s17 =	sshll.u32 s0, $0xA;
	s2 =	sadd.s32 s3, s2  }
0x8d: {  	s2 =	sadd.s32 s2, s17  }
0x8e: {  	[smem:$0x3FC2] =	sst s2  }
0x8f: {  	_ = 	snop  }
0x90: {  	s2 =	sld [smem:$0x3FD0];
	(tm) =	ssettm $0x1  }
0x91: {  	s18 =	sld [smem:$0x3FFB];
	_ =	sdelay $0x3  }
0x92: {  	_ =	strace s18  }
0x93: {  	s3 =	sld [smem:$0x3FFC];
	_ =	sdelay $0x3  }
0x94: {  	_ =	strace s3  }
0x95: {  	s3 =	sld [smem:$0x3FFD];
	_ =	sdelay $0x3  }
0x96: {  	_ =	strace s3  }
0x97: {  	_ =	strace $0x8FFFFFFF  }
0x98: {  	s19 =	sld [smem:$0x3FDB];
	_ =	sdelay $0x1  }
0x99: {  	s4 =	simm.s32 $_scs_section_size  }
0x9a: {  	s5 =	simm.s32 $_size__tile_overlayer_lowered;
	s6 =	simm.s32 $_tile_overlayer_lowered  }
0x9b: {  	s22 =	simm.s32 $0x1BFF;
	s21 =	sshll.u32 s6, $0x1;
	s3 =	sadd.s32 s4, s19  }
0x9c: {  	s7 =	simm.s32 $0x0;
	s20 =	sshll.u32 s5, $0x1;
	s5 =	sadd.s32 s21, s3  }
0x9d: {  	[timem:s7], [sflag:s22] =	dma.local [hbm:s5], s20  }
0x9e: {  	_ =	swait.ge [sflag:s22], s20  }
0x9f: {  	s4 =	ssub.s32 $0x0, s20;
	[sflag:s22] =	ssyncset.done $0x0  }
0xa0: {  	[sflag:s22] =	ssyncadd.s32 s4;
	_ =	sdelay $0x1  }
0xa1: {  	s23 =	simm.s32 $0x1B8B  }
0xa2: {  	_ =	swait.ge [sflag:s23], $0x1  }
0xa3: {  	[sflag:s23] =	ssyncset.done $0x0  }
0xa4: {  	s25 =	simm.s32 $0x1B8E;
	s24 =	sld [smem:$0x3FFE];
	[sflag:s23] =	ssyncadd.s32 $0xFFFFFFFF  }
0xa5: {  	s26 =	simm.s32 $execute0_lowered;
	[smem:$0x3FD2] =	sst s25  }
0xa6: {  	s5 =	sshll.u32 s26, $0x1;
	_ =	strace $0x80000046;
	[dreg:$0x1] =	wrdreg $0xFFFFFFFF  }
0xa7: {  	s28 =	simm.s32 $_size_execute0_lowered;
	s3 =	sadd.s32 s3, s5;
	[dreg:$0x0] =	wrdreg $0x0  }
0xa8: {  	s5 =	sshll.u32 s28, $0x1;
	[dreg:$0x2] =	wrdreg s3  }
0xa9: {  	[dreg:$0x3] =	wrdreg s5  }
0xaa: {  	[dreg:$0x4] =	wrdreg $0xC0  }
0xab: {  	_ =	task [dreg:s7], $0x5FFFF  }
0xac: {  	[dreg:$0x1] =	wrdreg $0xFFFFFFFF  }
0xad: {  	[dreg:$0x0] =	wrdreg $0x60  }
0xae: {  	[dreg:$0x2] =	wrdreg s24  }
0xaf: {  	[dreg:$0x3] =	wrdreg s2  }
0xb0: {  	[dreg:$0x4] =	wrdreg $0xB2800  }
0xb1: {  	[dreg:$0x5] =	wrdreg $0x9  }
0xb2: {  	_ =	task.clear_ibuf [dreg:s7], $0x6FFFF;
	_ =	strace $0x90000046  }
0xb3: {  	s29 =	simm.s32 $0x9;
	_ =	strace $0x80000048  }
0xb4: {  	_ =	swait.ge [sflag:s29], $0x1  }
0xb5: {  	[sflag:s29] =	ssyncadd.s32 $0xFFFFFFFF  }
0xb6: {  	_ =	strace $0x90000048  }
0xb7: {  	_ =	sfence  }
0xb8: {  	s30 =	sld [smem:$0x0];
	_ =	sdelay $0x2  }
0xb9: {  	s31 =	sshll.u32 s1, $0xD;
	s1 =	sshrl.u32 s1, $0x2  }
0xba: {  	s3 =	sand.u32 $0x4000, s31;
	s1 =	sadd.s32 s1, s30  }
0xbb: {  	s0 =	sor.u32 s3, s0;
	s1 =	sshll.u32 s1, $0x11  }
0xbc: {  	s0 =	sor.u32 s1, s0  }
0xbd: {  	s0 =	sadd.s32 $0x8F2B, s0  }
0xbe: {  	[sflag:s0] =	ssyncadd.remote.s32 $0x1  }
0xbf: {  	_ =	sfence.sel $0xFFFF  }
0xc0: {  	[dreg:$0x0] =	wrdreg $0xFFFFFFFF;
	(pc) =	sbr.abs _section_cstart, $3  }
0xc1: {  	[dreg:$0x1] =	wrdreg $0xFFFFFFFF  }
0xc2: {  	_ =	task.clear_ibuf [dreg:s7], $0x2FFFF;
	_ =	strace $0x9FFFFFFF  }
0xc3: {  	(tm) =	ssettm $0x7FFFFFFF  }
tec
execute0_lowered:
.L_overlay_start_1:
0x0: {  	(tag) =	ssettag $0x1  }
0x1: {  	s0 =	rddreg [dreg:$0x0]  }
0x2: {  	s2 =	rddreg [dreg:$0x1]  }
0x3: {  	s1 =	rddreg [dreg:$0x2];
	s3 =	srdreg.scid  }
0x4: {  	s10 =	stileid.u32;
	s12 =	simm.s32 $0xA000;
	s13 =	simm.s32 $0x5  }
0x5: {  	s15 =	simm.s32 $0x80;
	s16 =	simm.s32 $0xA180;
	s17 =	simm.s32 $0xA280  }
0x6: {  	s18 =	simm.s32 $0xAA80;
	s19 =	simm.s32 $0x3;
	s20 =	simm.s32 $0x2  }
0x7: {  	s22 =	simm.s32 $0x4;
	s23 =	simm.s32 $0x1;
	s6 =	smul.u32 $0x5000, s10  }
0x8: {  	s24 =	simm.s32 $0xA080;
	s5 =	sand.u32 $0x1, s3;
	s8 =	smul.u32 $0x1400, s10  }
0x9: {  	s25 =	simm.s32 $0xA100;
	s3 =	simm.s32 $0x0;
	s4 =	smul.u32 $0x50000, s5  }
0xa: {  	s26 =	simm.s32 $0x0;
	[smem:$0x7FF] =	sst s3;
	s7 =	smul.u32 $0x14000, s5  }
0xb: {  	s9 =	sshll.u32 s5, $0x4;
	s5 =	ssub.s32 $0x2, s5;
	_ =	strace $0x80000047  }
0xc: {  	s9 =	sor.u32 s10, s9;
	s31 =	sshrl.u32 s5, $0x1;
	s6 =	sadd.s32 s6, s4  }
0xd: {  	s4 =	sadd.s32 $0x1000, s0;
	s7 =	sadd.s32 s8, s7;
	s28 =	smul.u32 $0x30, s9  }
0xe: {  	s11 =	ssub.s32 s5, s31;
	s6 =	sshrl.u32 s6, $0x3;
	s30 =	sshrl.u32 s7, $0x3  }
0xf: {  	s11 =	smax.u32 s11, $0x1;
	s29 =	sadd.s32 s6, s0;
	s0 =	sadd.s32 s30, s0  }
0x10: {  	s5 =	sadd.s32 s2, s28;
	s6 =	sadd.s32 $0x1A000, s29;
	s7 =	sadd.s32 $0x6000, s29  }
0x11: {  	v0 =	vimm.f32 $0.0e+00;
	s8 =	sadd.s32 $0x2E000, s0;
	s9 =	sadd.s32 $0x2E100, s0;
	s10 =	sadd.s32 $0x2E200, s0  }
.LBB2_1:
0x12: {  	[tilespmem:s12], [sflag:$0x5] =	stream.linear.gather [hbm4b:s5+s3], $0x180, $0x38;
	[tilespmem:$0xDA80] =	vst v63  }
0x13: {  	_ =	swait.ge [sflag:s13], $0x180  }
0x14: {  	[sflag:s13] =	ssyncset.done $0x0  }
0x15: {  	[sflag:s13] =	ssyncadd.s32 $0xFFFFFE80  }
0x16: {  	[tilespmem:s3], [sflag:$0x5] =	stream.linear.gather [hbm4b:s6+s3], $0x5000, $0x38;
	[tilespmem:$0xDA80] =	vst v63  }
0x17: {  	_ =	swait.ge [sflag:s13], $0x5000  }
0x18: {  	[sflag:s13] =	ssyncset.done $0x0  }
0x19: {  	s0 =	simm.s32 $0x5000;
	[sflag:s13] =	ssyncadd.s32 $0xFFFFB000  }
0x1a: {  	[tilespmem:s0], [sflag:$0x5] =	stream.linear.gather [hbm4b:s7+s3], $0x5000, $0x38;
	[tilespmem:$0xDA80] =	vst v63  }
0x1b: {  	_ =	swait.ge [sflag:s13], $0x5000  }
0x1c: {  	[sflag:s13] =	ssyncset.done $0x0  }
0x1d: {  	s2 =	simm.s32 $0x0;
	s0 =	simm.s32 $0x40;
	[sflag:s13] =	ssyncadd.s32 $0xFFFFB000  }
.LBB2_2:
0x1e: {  	p0 =	sne.s32 s0, $0x1FC0;
	[tilespmem:s2+$0xA280] =	vst v0;
	s2 =	smov.u32 s0;
	s0 =	sadd.s32 $0x40, s0  }
.Ltmp0:
0x1f: {  	(pc) =	sbr.rel @p0 .LBB2_2-.Ltmp0, $2  }
0x20: {  	_ =	sdelay $0x2  }
0x21: {  	s2 =	sshra.s32 s2, $0x2  }
0x22: {  	[tilespmem:s2+$0xA280] =	vst v0  }
0x23: {  	v1 =	vld [tilespmem:$0xA000]  }
0x24: {  	v2 =	vld [tilespmem:$0xA010]  }
0x25: {  	v3 =	vld [tilespmem:$0xA020]  }
0x26: {  	v4 =	vld [tilespmem:$0xA030]  }
0x27: {  	v5 =	vld [tilespmem:$0xA040]  }
0x28: {  	[tilespmem:$0xA180] =	vst v1;
	v1 =	vld [tilespmem:$0xA050]  }
0x29: {  	[tilespmem:$0xA190] =	vst v2;
	v2 =	vld [tilespmem:$0xA060]  }
0x2a: {  	[tilespmem:$0xA1A0] =	vst v3;
	v3 =	vld [tilespmem:$0xA070]  }
0x2b: {  	[tilespmem:$0xA1B0] =	vst v4  }
0x2c: {  	[tilespmem:$0xA1C0] =	vst v5  }
0x2d: {  	[tilespmem:$0xA1D0] =	vst v1  }
0x2e: {  	[tilespmem:$0xA1E0] =	vst v2  }
0x2f: {  	[tilespmem:$0xA1F0] =	vst v3  }
0x30: {  	[spmem:s1] =	stream.indirect.scatter [tilespmem:s17], [sflag:$0x5], $0x10, s16, s15, $0xb8;
	[tilespmem:$0xDA80] =	vst v63  }
0x31: {  	_ =	swait.ge [sflag:s13], $0x800  }
0x32: {  	[sflag:s13] =	ssyncset.done $0x0  }
0x33: {  	[sflag:s13] =	ssyncadd.s32 $0xFFFFF800  }
0x34: {  	v1 =	vld [tilespmem:$0xA080]  }
0x35: {  	v2 =	vld [tilespmem:$0xA090]  }
0x36: {  	v3 =	vld [tilespmem:$0xA0A0]  }
0x37: {  	v58 =	vld [tilespmem:$0xA0B0]  }
0x38: {  	v59 =	vld [tilespmem:$0xA0C0]  }
0x39: {  	[tilespmem:$0xA180] =	vst v1;
	v1 =	vld [tilespmem:$0xA0D0]  }
0x3a: {  	[tilespmem:$0xA190] =	vst v2;
	v2 =	vld [tilespmem:$0xA0E0]  }
0x3b: {  	[tilespmem:$0xA1A0] =	vst v3;
	v3 =	vld [tilespmem:$0xA0F0]  }
0x3c: {  	[tilespmem:$0xA1B0] =	vst v58  }
0x3d: {  	[tilespmem:$0xA1C0] =	vst v59  }
0x3e: {  	[tilespmem:$0xA1D0] =	vst v1  }
0x3f: {  	[tilespmem:$0xA1E0] =	vst v2  }
0x40: {  	[tilespmem:$0xA1F0] =	vst v3  }
0x41: {  	[spmem:s1] =	stream.indirect.scatter [tilespmem:s17], [sflag:$0x5], $0x10, s16, s15, $0xb8;
	[tilespmem:$0xDA80] =	vst v63  }
0x42: {  	_ =	swait.ge [sflag:s13], $0x800  }
0x43: {  	[sflag:s13] =	ssyncset.done $0x0  }
0x44: {  	[sflag:s13] =	ssyncadd.s32 $0xFFFFF800  }
0x45: {  	v1 =	vld [tilespmem:$0xA100]  }
0x46: {  	v2 =	vld [tilespmem:$0xA110]  }
0x47: {  	v3 =	vld [tilespmem:$0xA120]  }
0x48: {  	v60 =	vld [tilespmem:$0xA130]  }
0x49: {  	v61 =	vld [tilespmem:$0xA140]  }
0x4a: {  	[tilespmem:$0xA180] =	vst v1;
	v1 =	vld [tilespmem:$0xA150]  }
0x4b: {  	[tilespmem:$0xA190] =	vst v2;
	v2 =	vld [tilespmem:$0xA160]  }
0x4c: {  	[tilespmem:$0xA1A0] =	vst v3;
	v3 =	vld [tilespmem:$0xA170]  }
0x4d: {  	[tilespmem:$0xA1B0] =	vst v60  }
0x4e: {  	[tilespmem:$0xA1C0] =	vst v61  }
0x4f: {  	[tilespmem:$0xA1D0] =	vst v1  }
0x50: {  	[tilespmem:$0xA1E0] =	vst v2  }
0x51: {  	[tilespmem:$0xA1F0] =	vst v3  }
0x52: {  	[spmem:s1] =	stream.indirect.scatter [tilespmem:s17], [sflag:$0x5], $0x10, s16, s15, $0xb8;
	[tilespmem:$0xDA80] =	vst v63  }
0x53: {  	_ =	swait.ge [sflag:s13], $0x800  }
0x54: {  	[sflag:s13] =	ssyncset.done $0x0  }
0x55: {  	[sflag:s13] =	ssyncadd.s32 $0xFFFFF800  }
0x56: {  	[bflag:$0x0] =	sbarrier.arrive $0xFFFF  }
0x57: {  	[tilespmem:s17], [sflag:$0x1] =	stream.indirect.gather [hbm4b:s4+s15], $0x10, s3, s15, $0xb8;
	[tilespmem:$0xDA80] =	vst v63  }
0x58: {  	s0 =	simm.s32 $0x1  }
0x59: {  	[tilespmem:s18], [sflag:$0x2] =	stream.indirect.gather [hbm4b:s4+s15], $0x10, s15, s15, $0xb8;
	[tilespmem:$0xDA80] =	vst v63  }
0x5a: {  	_ =	swait.ge [sflag:s0], $0x800  }
0x5b: {  	[sflag:s0] =	ssyncset.done $0x0  }
0x5c: {  	[sflag:s0] =	ssyncadd.s32 $0xFFFFF800  }
0x5d: {  	v1 =	vld [tilespmem:$0x5000]  }
0x5e: {  	v2 =	vld [tilespmem:$0x5010]  }
0x5f: {  	v3 =	vld [tilespmem:$0x5020]  }
0x60: {  	v62 =	vld [tilespmem:$0x5030]  }
0x61: {  	v63 =	vld [tilespmem:$0x5040]  }
0x62: {  	[tilespmem:$0xA180] =	vst v1;
	v1 =	vld [tilespmem:$0x5050]  }
0x63: {  	[tilespmem:$0xA190] =	vst v2;
	v2 =	vld [tilespmem:$0x5060]  }
0x64: {  	[tilespmem:$0xA1A0] =	vst v3;
	v3 =	vld [tilespmem:$0x5070]  }
0x65: {  	[tilespmem:$0xA1B0] =	vst v62  }
0x66: {  	[tilespmem:$0xA1C0] =	vst v63  }
0x67: {  	s0 =	sand.u32 $0x1, s0;
	[tilespmem:$0xA1D0] =	vst v1  }
0x68: {  	p0 =	seq.s32 s0, $0x1;
	[tilespmem:$0xA1E0] =	vst v2  }
0x69: {  	s0 =	simm.s32 @p0 $0x3;
	[tilespmem:$0xA1F0] =	vst v3  }
0x6a: {  	[spmem:s1] =	stream.indirect.scatter.add.f32 [tilespmem:s17], [sflag:$0x3], $0x10, s16, s15, $0xb8;
	[tilespmem:$0xDA80] =	vst v63  }
0x6b: {  	_ =	swait.ge @p0 [sflag:s0], $0x800;
	p0 =	por p0, p0  }
0x6c: {  	s28 =	simm.s32 $0x100;
	[sflag:s0] =	ssyncset.done @p0 $0x0;
	s2 =	simm.s32 @p0 $0x2  }
0x6d: {  	s14 =	simm.s32 @p0 $0xA280;
	[sflag:s0] =	ssyncadd.s32 @p0 $0xFFFFF800;
	s0 =	simm.s32 @p0 $0x80  }
0x6e: {  	[tilespmem:s14], [sflag:$0x1] =	stream.indirect.gather @p0 [hbm4b:s4+s0], $0x10, s28, s0, $0xb8;
	[tilespmem:$0xDA80] =	vst v63  }
0x6f: {  	_ =	swait.ge @p0 [sflag:s2], $0x800  }
0x70: {  	[sflag:s2] =	ssyncset.done @p0 $0x0  }
0x71: {  	s14 =	simm.s32 $0x50F0;
	[sflag:s2] =	ssyncadd.s32 @p0 $0xFFFFF800  }
0x72: {  	v1 =	vld @p0 [tilespmem:s14+$0xFFFFFF90];
	_ =	sdelay $0x4  }
0x73: {  	[tilespmem:$0xA200] =	vst @p0 v1  }
0x74: {  	v1 =	vld @p0 [tilespmem:s14+$0xFFFFFFA0];
	_ =	sdelay $0x4  }
0x75: {  	[tilespmem:$0xA210] =	vst @p0 v1  }
0x76: {  	v1 =	vld @p0 [tilespmem:s14+$0xFFFFFFB0];
	_ =	sdelay $0x4  }
0x77: {  	[tilespmem:$0xA220] =	vst @p0 v1  }
0x78: {  	v1 =	vld @p0 [tilespmem:s14+$0xFFFFFFC0];
	_ =	sdelay $0x4  }
0x79: {  	[tilespmem:$0xA230] =	vst @p0 v1  }
0x7a: {  	v1 =	vld @p0 [tilespmem:s14+$0xFFFFFFD0];
	_ =	sdelay $0x4  }
0x7b: {  	[tilespmem:$0xA240] =	vst @p0 v1  }
0x7c: {  	v1 =	vld @p0 [tilespmem:s14+$0xFFFFFFE0];
	_ =	sdelay $0x4  }
0x7d: {  	[tilespmem:$0xA250] =	vst @p0 v1  }
0x7e: {  	v1 =	vld @p0 [tilespmem:s14+$0xFFFFFFF0];
	_ =	sdelay $0x4  }
0x7f: {  	[tilespmem:$0xA260] =	vst @p0 v1  }
0x80: {  	v1 =	vld @p0 [tilespmem:s14+$0x0];
	_ =	sdelay $0x4  }
0x81: {  	s29 =	simm.s32 @p0 $0xAA80;
	s30 =	simm.s32 @!p0 $0x4;
	s2 =	simm.s32 @p0 $0xA200;
	[tilespmem:$0xA270] =	vst @p0 v1  }
0x82: {  	[spmem:s1] =	stream.indirect.scatter.add.f32 @p0 [tilespmem:s29], [sflag:$0x4], $0x10, s2, s0, $0xb8;
	[tilespmem:$0xDA80] =	vst v63  }
0x83: {  	_ =	swait.ge @!p0 [sflag:s30], $0x800  }
0x84: {  	s2 =	simm.s32 @!p0 $0x1;
	[sflag:s30] =	ssyncset.done @!p0 $0x0  }
0x85: {  	s0 =	simm.s32 @!p0 $0x80;
	s29 =	simm.s32 @!p0 $0xAA80;
	[sflag:s30] =	ssyncadd.s32 @!p0 $0xFFFFF800  }
0x86: {  	[tilespmem:s29], [sflag:$0x2] =	stream.indirect.gather @!p0 [hbm4b:s4+s0], $0x10, s28, s0, $0xb8;
	[tilespmem:$0xDA80] =	vst v63  }
0x87: {  	_ =	swait.ge @!p0 [sflag:s2], $0x800  }
0x88: {  	[sflag:s2] =	ssyncset.done @!p0 $0x0  }
0x89: {  	[sflag:s2] =	ssyncadd.s32 @!p0 $0xFFFFF800  }
0x8a: {  	v1 =	vld @!p0 [tilespmem:s14+$0xFFFFFF90];
	_ =	sdelay $0x4  }
0x8b: {  	[tilespmem:$0xA180] =	vst @!p0 v1  }
0x8c: {  	v1 =	vld @!p0 [tilespmem:s14+$0xFFFFFFA0];
	_ =	sdelay $0x4  }
0x8d: {  	[tilespmem:$0xA190] =	vst @!p0 v1  }
0x8e: {  	v1 =	vld @!p0 [tilespmem:s14+$0xFFFFFFB0];
	_ =	sdelay $0x4  }
0x8f: {  	[tilespmem:$0xA1A0] =	vst @!p0 v1  }
0x90: {  	v1 =	vld @!p0 [tilespmem:s14+$0xFFFFFFC0];
	_ =	sdelay $0x4  }
0x91: {  	[tilespmem:$0xA1B0] =	vst @!p0 v1  }
0x92: {  	v1 =	vld @!p0 [tilespmem:s14+$0xFFFFFFD0];
	_ =	sdelay $0x4  }
0x93: {  	[tilespmem:$0xA1C0] =	vst @!p0 v1  }
0x94: {  	v1 =	vld @!p0 [tilespmem:s14+$0xFFFFFFE0];
	_ =	sdelay $0x4  }
0x95: {  	[tilespmem:$0xA1D0] =	vst @!p0 v1  }
0x96: {  	v1 =	vld @!p0 [tilespmem:s14+$0xFFFFFFF0];
	_ =	sdelay $0x4  }
0x97: {  	[tilespmem:$0xA1E0] =	vst @!p0 v1  }
0x98: {  	v1 =	vld @!p0 [tilespmem:s14+$0x0]  }
0x99: {  	s31 =	simm.s32 $0x2  }
0x9a: {  	s30 =	simm.s32 $0x3;
	s29 =	simm.s32 $0x5170;
	s2 =	sand.u32 $0x1, s31  }
0x9b: {  	p2 =	seq.s32 s2, $0x1;
	s2 =	simm.s32 @!p0 $0xA180;
	s14 =	simm.s32 @!p0 $0xA280  }
.LBB2_4:
0x9c: {  	s21 =	simm.s32 @p2 $0x3  }
0x9d: {  	[tilespmem:$0xA1F0] =	vst @!p0 v1;
	s28 =	sadd.s32 $0x80, s28;
	s31 =	smov.u32 s30;
	s30 =	sadd.s32 $0x1, s30  }
0x9e: {  	[spmem:s1] =	stream.indirect.scatter.add.f32 @!p0 [tilespmem:s14], [sflag:$0x3], $0x10, s2, s0, $0xb8;
	[tilespmem:$0xDA80] =	vst v63  }
0x9f: {  	p1 =	sne.s32 s30, $0x9F;
	p0 =	por p2, p2;
	_ =	swait.ge @p2 [sflag:s21], $0x800  }
0xa0: {  	s2 =	simm.s32 @p0 $0x2;
	[sflag:s21] =	ssyncset.done @p0 $0x0  }
0xa1: {  	s0 =	simm.s32 @p0 $0x80;
	s14 =	simm.s32 @p0 $0xA280;
	[sflag:s21] =	ssyncadd.s32 @p0 $0xFFFFF800  }
0xa2: {  	[tilespmem:s14], [sflag:$0x1] =	stream.indirect.gather @p0 [hbm4b:s4+s0], $0x10, s28, s0, $0xb8;
	[tilespmem:$0xDA80] =	vst v63  }
0xa3: {  	_ =	swait.ge @p0 [sflag:s2], $0x800  }
0xa4: {  	[sflag:s2] =	ssyncset.done @p0 $0x0  }
0xa5: {  	[sflag:s2] =	ssyncadd.s32 @p0 $0xFFFFF800  }
0xa6: {  	v1 =	vld @p0 [tilespmem:s29+$0xFFFFFF90];
	_ =	sdelay $0x4  }
0xa7: {  	[tilespmem:$0xA200] =	vst @p0 v1  }
0xa8: {  	v1 =	vld @p0 [tilespmem:s29+$0xFFFFFFA0];
	_ =	sdelay $0x4  }
0xa9: {  	[tilespmem:$0xA210] =	vst @p0 v1  }
0xaa: {  	v1 =	vld @p0 [tilespmem:s29+$0xFFFFFFB0];
	_ =	sdelay $0x4  }
0xab: {  	[tilespmem:$0xA220] =	vst @p0 v1  }
0xac: {  	v1 =	vld @p0 [tilespmem:s29+$0xFFFFFFC0];
	_ =	sdelay $0x4  }
0xad: {  	[tilespmem:$0xA230] =	vst @p0 v1  }
0xae: {  	v1 =	vld @p0 [tilespmem:s29+$0xFFFFFFD0];
	_ =	sdelay $0x4  }
0xaf: {  	[tilespmem:$0xA240] =	vst @p0 v1  }
0xb0: {  	v1 =	vld @p0 [tilespmem:s29+$0xFFFFFFE0];
	_ =	sdelay $0x4  }
0xb1: {  	[tilespmem:$0xA250] =	vst @p0 v1  }
0xb2: {  	v1 =	vld @p0 [tilespmem:s29+$0xFFFFFFF0];
	_ =	sdelay $0x4  }
0xb3: {  	[tilespmem:$0xA260] =	vst @p0 v1  }
0xb4: {  	v1 =	vld @p0 [tilespmem:s29+$0x0];
	_ =	sdelay $0x4  }
0xb5: {  	s21 =	simm.s32 @!p0 $0x4;
	s14 =	simm.s32 @p0 $0xAA80;
	s2 =	simm.s32 @p0 $0xA200;
	[tilespmem:$0xA270] =	vst @p0 v1  }
0xb6: {  	[spmem:s1] =	stream.indirect.scatter.add.f32 @p0 [tilespmem:s14], [sflag:$0x4], $0x10, s2, s0, $0xb8;
	[tilespmem:$0xDA80] =	vst v63  }
0xb7: {  	_ =	swait.ge @!p0 [sflag:s21], $0x800  }
0xb8: {  	s2 =	simm.s32 @!p0 $0x1;
	[sflag:s21] =	ssyncset.done @!p0 $0x0  }
0xb9: {  	s0 =	simm.s32 @!p0 $0x80;
	s14 =	simm.s32 @!p0 $0xAA80;
	[sflag:s21] =	ssyncadd.s32 @!p0 $0xFFFFF800  }
0xba: {  	[tilespmem:s14], [sflag:$0x2] =	stream.indirect.gather @!p0 [hbm4b:s4+s0], $0x10, s28, s0, $0xb8;
	[tilespmem:$0xDA80] =	vst v63  }
0xbb: {  	_ =	swait.ge @!p0 [sflag:s2], $0x800  }
0xbc: {  	[sflag:s2] =	ssyncset.done @!p0 $0x0  }
0xbd: {  	[sflag:s2] =	ssyncadd.s32 @!p0 $0xFFFFF800  }
0xbe: {  	v1 =	vld @!p0 [tilespmem:s29+$0xFFFFFF90];
	_ =	sdelay $0x4  }
0xbf: {  	[tilespmem:$0xA180] =	vst @!p0 v1  }
0xc0: {  	v1 =	vld @!p0 [tilespmem:s29+$0xFFFFFFA0];
	_ =	sdelay $0x4  }
0xc1: {  	[tilespmem:$0xA190] =	vst @!p0 v1  }
0xc2: {  	v1 =	vld @!p0 [tilespmem:s29+$0xFFFFFFB0];
	_ =	sdelay $0x4  }
0xc3: {  	[tilespmem:$0xA1A0] =	vst @!p0 v1  }
0xc4: {  	v1 =	vld @!p0 [tilespmem:s29+$0xFFFFFFC0];
	_ =	sdelay $0x4  }
0xc5: {  	[tilespmem:$0xA1B0] =	vst @!p0 v1  }
0xc6: {  	v1 =	vld @!p0 [tilespmem:s29+$0xFFFFFFD0];
	_ =	sdelay $0x4  }
0xc7: {  	[tilespmem:$0xA1C0] =	vst @!p0 v1  }
0xc8: {  	v1 =	vld @!p0 [tilespmem:s29+$0xFFFFFFE0];
	_ =	sdelay $0x4  }
0xc9: {  	[tilespmem:$0xA1D0] =	vst @!p0 v1  }
0xca: {  	v1 =	vld @!p0 [tilespmem:s29+$0xFFFFFFF0];
	_ =	sdelay $0x4  }
0xcb: {  	[tilespmem:$0xA1E0] =	vst @!p0 v1  }
.Ltmp1:
0xcc: {  	v1 =	vld @!p0 [tilespmem:s29+$0x0];
	(pc) =	sbr.rel @p1 .LBB2_4-.Ltmp1, $3  }
0xcd: {  	_ =	sdelay $0x1  }
0xce: {  	s2 =	sand.u32 $0x1, s31;
	s29 =	sadd.s32 $0x80, s29  }
0xcf: {  	s14 =	simm.s32 @!p0 $0xA280;
	p2 =	seq.s32 s2, $0x1;
	s2 =	simm.s32 @!p0 $0xA180  }
0xd0: {  	s21 =	simm.s32 @p2 $0x3;
	[tilespmem:$0xA1F0] =	vst @!p0 v1  }
0xd1: {  	[spmem:s1] =	stream.indirect.scatter.add.f32 @!p0 [tilespmem:s14], [sflag:$0x3], $0x10, s2, s0, $0xb8;
	[tilespmem:$0xDA80] =	vst v63  }
0xd2: {  	p0 =	por p2, p2;
	_ =	swait.ge @p2 [sflag:s21], $0x800  }
0xd3: {  	s0 =	sadd.s32 $0x80, s28;
	s2 =	simm.s32 @p0 $0x2;
	[sflag:s21] =	ssyncset.done @p0 $0x0  }
0xd4: {  	s14 =	simm.s32 @p0 $0x80;
	[sflag:s21] =	ssyncadd.s32 @p0 $0xFFFFF800;
	s21 =	simm.s32 @p0 $0xA280  }
0xd5: {  	[tilespmem:s21], [sflag:$0x1] =	stream.indirect.gather @p0 [hbm4b:s4+s14], $0x10, s0, s14, $0xb8;
	[tilespmem:$0xDA80] =	vst v63  }
0xd6: {  	_ =	swait.ge @p0 [sflag:s2], $0x800  }
0xd7: {  	[sflag:s2] =	ssyncset.done @p0 $0x0  }
0xd8: {  	[sflag:s2] =	ssyncadd.s32 @p0 $0xFFFFF800  }
0xd9: {  	v1 =	vld @p0 [tilespmem:s29+$0xFFFFFF90];
	_ =	sdelay $0x4  }
0xda: {  	[tilespmem:$0xA200] =	vst @p0 v1  }
0xdb: {  	v1 =	vld @p0 [tilespmem:s29+$0xFFFFFFA0];
	_ =	sdelay $0x4  }
0xdc: {  	[tilespmem:$0xA210] =	vst @p0 v1  }
0xdd: {  	v1 =	vld @p0 [tilespmem:s29+$0xFFFFFFB0];
	_ =	sdelay $0x4  }
0xde: {  	[tilespmem:$0xA220] =	vst @p0 v1  }
0xdf: {  	v1 =	vld @p0 [tilespmem:s29+$0xFFFFFFC0];
	_ =	sdelay $0x4  }
0xe0: {  	[tilespmem:$0xA230] =	vst @p0 v1  }
0xe1: {  	v1 =	vld @p0 [tilespmem:s29+$0xFFFFFFD0];
	_ =	sdelay $0x4  }
0xe2: {  	[tilespmem:$0xA240] =	vst @p0 v1  }
0xe3: {  	v1 =	vld @p0 [tilespmem:s29+$0xFFFFFFE0];
	_ =	sdelay $0x4  }
0xe4: {  	[tilespmem:$0xA250] =	vst @p0 v1  }
0xe5: {  	v1 =	vld @p0 [tilespmem:s29+$0xFFFFFFF0];
	_ =	sdelay $0x4  }
0xe6: {  	[tilespmem:$0xA260] =	vst @p0 v1  }
0xe7: {  	v1 =	vld @p0 [tilespmem:s29+$0x0];
	_ =	sdelay $0x4  }
0xe8: {  	s28 =	simm.s32 @!p0 $0x4;
	s21 =	simm.s32 @p0 $0xAA80;
	s2 =	simm.s32 @p0 $0xA200;
	[tilespmem:$0xA270] =	vst @p0 v1  }
0xe9: {  	[spmem:s1] =	stream.indirect.scatter.add.f32 @p0 [tilespmem:s21], [sflag:$0x4], $0x10, s2, s14, $0xb8;
	[tilespmem:$0xDA80] =	vst v63  }
0xea: {  	_ =	swait.ge @!p0 [sflag:s28], $0x800  }
0xeb: {  	s2 =	simm.s32 @!p0 $0x1;
	[sflag:s28] =	ssyncset.done @!p0 $0x0  }
0xec: {  	s14 =	simm.s32 @!p0 $0x80;
	s21 =	simm.s32 @!p0 $0xAA80;
	[sflag:s28] =	ssyncadd.s32 @!p0 $0xFFFFF800  }
0xed: {  	[tilespmem:s21], [sflag:$0x2] =	stream.indirect.gather @!p0 [hbm4b:s4+s14], $0x10, s0, s14, $0xb8;
	[tilespmem:$0xDA80] =	vst v63  }
0xee: {  	_ =	swait.ge @!p0 [sflag:s2], $0x800  }
0xef: {  	[sflag:s2] =	ssyncset.done @!p0 $0x0  }
0xf0: {  	[sflag:s2] =	ssyncadd.s32 @!p0 $0xFFFFF800  }
0xf1: {  	v1 =	vld @!p0 [tilespmem:s29+$0xFFFFFF90];
	_ =	sdelay $0x4  }
0xf2: {  	[tilespmem:$0xA180] =	vst @!p0 v1  }
0xf3: {  	v1 =	vld @!p0 [tilespmem:s29+$0xFFFFFFA0];
	_ =	sdelay $0x4  }
0xf4: {  	[tilespmem:$0xA190] =	vst @!p0 v1  }
0xf5: {  	v1 =	vld @!p0 [tilespmem:s29+$0xFFFFFFB0];
	_ =	sdelay $0x4  }
0xf6: {  	[tilespmem:$0xA1A0] =	vst @!p0 v1  }
0xf7: {  	v1 =	vld @!p0 [tilespmem:s29+$0xFFFFFFC0];
	_ =	sdelay $0x4  }
0xf8: {  	[tilespmem:$0xA1B0] =	vst @!p0 v1  }
0xf9: {  	v1 =	vld @!p0 [tilespmem:s29+$0xFFFFFFD0];
	_ =	sdelay $0x4  }
0xfa: {  	[tilespmem:$0xA1C0] =	vst @!p0 v1  }
0xfb: {  	v1 =	vld @!p0 [tilespmem:s29+$0xFFFFFFE0];
	_ =	sdelay $0x4  }
0xfc: {  	[tilespmem:$0xA1D0] =	vst @!p0 v1  }
0xfd: {  	v1 =	vld @!p0 [tilespmem:s29+$0xFFFFFFF0];
	_ =	sdelay $0x4  }
0xfe: {  	[tilespmem:$0xA1E0] =	vst @!p0 v1  }
0xff: {  	v1 =	vld @!p0 [tilespmem:s29+$0x0];
	_ =	sdelay $0x4  }
0x100: {  	s0 =	simm.s32 @!p0 $0xA180;
	s2 =	simm.s32 @!p0 $0xA280;
	[tilespmem:$0xA1F0] =	vst @!p0 v1  }
0x101: {  	[spmem:s1] =	stream.indirect.scatter.add.f32 @!p0 [tilespmem:s2], [sflag:$0x3], $0x10, s0, s14, $0xb8;
	[tilespmem:$0xDA80] =	vst v63  }
0x102: {  	_ =	swait.ge [sflag:s19], $0x800  }
0x103: {  	[sflag:s19] =	ssyncset.done $0x0  }
0x104: {  	[sflag:s19] =	ssyncadd.s32 $0xFFFFF800  }
0x105: {  	_ =	swait.ge [sflag:s20], $0x800  }
0x106: {  	[sflag:s20] =	ssyncset.done $0x0  }
0x107: {  	[sflag:s20] =	ssyncadd.s32 $0xFFFFF800  }
0x108: {  	v1 =	vld [tilespmem:$0x9F80]  }
0x109: {  	v2 =	vld [tilespmem:$0x9F90]  }
0x10a: {  	v3 =	vld [tilespmem:$0x9FA0]  }
0x10b: {  	v4 =	vld [tilespmem:$0x9FB0]  }
0x10c: {  	v5 =	vld [tilespmem:$0x9FC0]  }
0x10d: {  	[tilespmem:$0xA200] =	vst v1;
	v1 =	vld [tilespmem:$0x9FD0]  }
0x10e: {  	[tilespmem:$0xA210] =	vst v2;
	v2 =	vld [tilespmem:$0x9FE0]  }
0x10f: {  	[tilespmem:$0xA220] =	vst v3;
	v3 =	vld [tilespmem:$0x9FF0]  }
0x110: {  	[tilespmem:$0xA230] =	vst v4  }
0x111: {  	[tilespmem:$0xA240] =	vst v5  }
0x112: {  	[tilespmem:$0xA250] =	vst v1  }
0x113: {  	[tilespmem:$0xA260] =	vst v2  }
0x114: {  	s31 =	simm.s32 $0xA200;
	[tilespmem:$0xA270] =	vst v3  }
0x115: {  	[spmem:s1] =	stream.indirect.scatter.add.f32 [tilespmem:s18], [sflag:$0x4], $0x10, s31, s15, $0xb8;
	[tilespmem:$0xDA80] =	vst v63  }
0x116: {  	_ =	swait.ge [sflag:s22], $0x800  }
0x117: {  	[sflag:s22] =	ssyncset.done $0x0  }
0x118: {  	[sflag:s22] =	ssyncadd.s32 $0xFFFFF800  }
0x119: {  	[bflag:$0x0] =	sbarrier.arrive $0xFFFF  }
0x11a: {  	[tilespmem:s17], [sflag:$0x1] =	stream.indirect.gather [spmem:s1], $0x10, s12, s15, $0xb8;
	[tilespmem:$0xDA80] =	vst v63  }
0x11b: {  	_ =	swait.ge [sflag:s23], $0x800  }
0x11c: {  	[sflag:s23] =	ssyncset.done $0x0  }
0x11d: {  	[sflag:s23] =	ssyncadd.s32 $0xFFFFF800  }
0x11e: {  	[hbm4b:s8+s3] =	stream.linear.scatter [tilespmem:s17], [sflag:$0x5], $0x800, $0x38;
	[tilespmem:$0xDA80] =	vst v63  }
0x11f: {  	_ =	swait.ge [sflag:s13], $0x800  }
0x120: {  	[sflag:s13] =	ssyncset.done $0x0  }
0x121: {  	[sflag:s13] =	ssyncadd.s32 $0xFFFFF800  }
0x122: {  	[tilespmem:s17], [sflag:$0x1] =	stream.indirect.gather [spmem:s1], $0x10, s24, s15, $0xb8;
	[tilespmem:$0xDA80] =	vst v63  }
0x123: {  	_ =	swait.ge [sflag:s23], $0x800  }
0x124: {  	[sflag:s23] =	ssyncset.done $0x0  }
0x125: {  	[sflag:s23] =	ssyncadd.s32 $0xFFFFF800  }
0x126: {  	[hbm4b:s9+s3] =	stream.linear.scatter [tilespmem:s17], [sflag:$0x5], $0x800, $0x38;
	[tilespmem:$0xDA80] =	vst v63  }
0x127: {  	_ =	swait.ge [sflag:s13], $0x800  }
0x128: {  	[sflag:s13] =	ssyncset.done $0x0  }
0x129: {  	[sflag:s13] =	ssyncadd.s32 $0xFFFFF800  }
0x12a: {  	[tilespmem:s17], [sflag:$0x1] =	stream.indirect.gather [spmem:s1], $0x10, s25, s15, $0xb8;
	[tilespmem:$0xDA80] =	vst v63  }
0x12b: {  	s26 =	sadd.s32 $0x1, s26;
	_ =	swait.ge [sflag:s23], $0x800  }
0x12c: {  	p0 =	sne.s32 s26, s11;
	[sflag:s23] =	ssyncset.done $0x0  }
.Ltmp2:
0x12d: {  	[sflag:s23] =	ssyncadd.s32 $0xFFFFF800;
	(pc) =	sbr.rel @p0 .LBB2_1-.Ltmp2, $4  }
0x12e: {  	[hbm4b:s10+s3] =	stream.linear.scatter [tilespmem:s17], [sflag:$0x5], $0x400, $0x38;
	[tilespmem:$0xDA80] =	vst v63  }
0x12f: {  	_ =	swait.ge [sflag:s13], $0x400  }
0x130: {  	[sflag:s13] =	ssyncset.done $0x0  }
0x131: {  	[sflag:s13] =	ssyncadd.s32 $0xFFFFFC00  }
0x132: {  	_ =	sfence.sel $0x180000  }
0x133: {  	[bflag:$0x0] =	sbarrier.arrive $0xFFFF  }
0x134: {  	_ =	strace $0x90000047  }
0x135: {  	s0 =	stileid.u32;
	[bflag:$0x2] =	sbarrier.arrive $0xFFFF  }
0x136: {  	p0 =	sne.s32 s0, $0x0;
	s0 =	rddreg [dreg:$0x3]  }
0x137: {  	s0 =	sadd.s32 @!p0 $0x100000, s0  }
0x138: {  	[sflag:s0] =	ssyncadd.tile.s32 @!p0 $0x1;
	_ =	shalt  }
.Lfunc_end2:
_tile_overlayer_lowered:
.L_overlay_start_2:
0x139: {  	(tag) =	ssettag $0x2  }
0x13a: {  	s0 =	rddreg [dreg:$0x0];
	s2 =	stileid.u32  }
0x13b: {  	s1 =	rddreg [dreg:$0x1];
	p0 =	sne.s32 s2, $0x0  }
0x13c: {  	s3 =	rddreg [dreg:$0x2];
	[bflag:$0x3] =	sbarrier.arrive $0xFFFF;
	s2 =	simm.s32 @!p0 $0x1C05  }
0x13d: {  	[timem:s3], [sflag:s2] =	dma.local @!p0 [hbm:s0], s1  }
0x13e: {  	s0 =	simm.s32 @!p0 $0x5  }
0x13f: {  	_ =	swait.ge @!p0 [sflag:s0], s1  }
0x140: {  	s1 =	ssub.s32 @!p0 $0x0, s1;
	[sflag:s0] =	ssyncset.done @!p0 $0x0  }
0x141: {  	[sflag:s0] =	ssyncadd.s32 @!p0 s1  }
0x142: {  	[bflag:$0x3] =	sbarrier.arrive $0xFFFF  }
0x143: {  	_ =	shalt  }

</sc_bundles>
